<compile_context>
chip_gen: v7x
topology: tpu7x:2x2x1
jax: 0.10.2.dev20260603
libtpu: 0.0.44.dev20260713+nightly
codegen_flags: <defaults>
</compile_context>

<pallas_src>
import functools

import jax
import jax.numpy as jnp
from jax import lax
from jax.experimental import pallas as pl
from jax.experimental.pallas import tpu as pltpu
from jax.experimental.pallas import tpu_sc as plsc

N = 10000
E = 320000
D = 128
B = 64
NC, NS = 2, 16
NW = NC * NS
NPAD = 10240
CHUNK = 128
E_PAD = 327680
EXTRA = E_PAD - E
TCHK = E_PAD // (NW * CHUNK)
PIPE = 2
RPT = NPAD // NS
ZR = 16

_mesh = plsc.VectorSubcoreMesh(
    core_axis_name="c", subcore_axis_name="s", num_cores=NC, num_subcores=NS)



@functools.partial(
    pl.kernel,
    out_type=jax.ShapeDtypeStruct((NC, 2, NPAD), jnp.float32),
    mesh=_mesh,
    scratch_types=[
        pltpu.VMEM_SHARED((NPAD,), jnp.float32),
        pltpu.VMEM_SHARED((NPAD,), jnp.float32),
        pltpu.VMEM((CHUNK,), jnp.int32),
        pltpu.VMEM((CHUNK,), jnp.int32),
        pltpu.VMEM((CHUNK,), jnp.int32),
        pltpu.VMEM((CHUNK,), jnp.int32),
        pltpu.VMEM((CHUNK,), jnp.float32),
        pltpu.VMEM((RPT,), jnp.float32),
        pltpu.SemaphoreType.DMA,
        pltpu.SemaphoreType.DMA,
        pltpu.SemaphoreType.DMA,
        pltpu.SemaphoreType.DMA,
    ],
)
def _deg_kernel(src_hbm, dst_hbm, out_hbm, do_sp, di_sp, is0, is1, id0, id1,
                ones_v, zb_v, il0, il1, sc0, sc1):
    isb = (is0, is1)
    idb = (id0, id1)
    ilsems = (il0, il1)
    scsems = (sc0, sc1)
    c = lax.axis_index("c")
    s = lax.axis_index("s")
    w = c * NS + s

    def _fill(i, _):
        zb_v[pl.ds(i * 16, 16)] = jnp.zeros((16,), jnp.float32)
        return 0
    lax.fori_loop(0, RPT // 16, _fill, 0)

    def _fill1(i, _):
        ones_v[pl.ds(i * 16, 16)] = jnp.ones((16,), jnp.float32)
        return 0
    lax.fori_loop(0, CHUNK // 16, _fill1, 0)

    pltpu.sync_copy(zb_v, do_sp.at[pl.ds(s * RPT, RPT)])
    pltpu.sync_copy(zb_v, di_sp.at[pl.ds(s * RPT, RPT)])
    plsc.subcore_barrier()

    def _grp(t, _):
        for k in range(PIPE):
            @pl.when(t > 0)
            def _():
                pltpu.make_async_copy(
                    ones_v, do_sp.at[isb[k]], scsems[k]).wait()
                pltpu.make_async_copy(
                    ones_v, di_sp.at[idb[k]], scsems[k]).wait()
            row = w * TCHK + PIPE * t + k
            pltpu.async_copy(src_hbm.at[row], isb[k], ilsems[k])
            pltpu.async_copy(dst_hbm.at[row], idb[k], ilsems[k])
        for k in range(PIPE):
            row = w * TCHK + PIPE * t + k
            pltpu.make_async_copy(src_hbm.at[row], isb[k], ilsems[k]).wait()
            pltpu.make_async_copy(dst_hbm.at[row], idb[k], ilsems[k]).wait()
            pltpu.async_copy(ones_v, do_sp.at[isb[k]], scsems[k], add=True)
            pltpu.async_copy(ones_v, di_sp.at[idb[k]], scsems[k], add=True)
        return 0
    lax.fori_loop(0, TCHK // PIPE, _grp, 0)
    for k in range(PIPE):
        pltpu.make_async_copy(ones_v, do_sp.at[isb[k]], scsems[k]).wait()
        pltpu.make_async_copy(ones_v, di_sp.at[idb[k]], scsems[k]).wait()
    plsc.subcore_barrier()

    pltpu.sync_copy(do_sp.at[pl.ds(s * RPT, RPT)], zb_v)
    pltpu.sync_copy(zb_v, out_hbm.at[c, 0, pl.ds(s * RPT, RPT)])
    pltpu.sync_copy(di_sp.at[pl.ds(s * RPT, RPT)], zb_v)
    pltpu.sync_copy(zb_v, out_hbm.at[c, 1, pl.ds(s * RPT, RPT)])


@functools.partial(
    pl.kernel,
    out_type=jax.ShapeDtypeStruct((NC, NPAD, D), jnp.float32),
    mesh=_mesh,
    scratch_types=[
        pltpu.VMEM_SHARED((NPAD, D), jnp.float32),
        pltpu.VMEM((2, CHUNK), jnp.int32),
        pltpu.VMEM((2, CHUNK), jnp.int32),
        pltpu.VMEM((CHUNK,), jnp.int32),
        pltpu.VMEM((CHUNK,), jnp.int32),
        pltpu.VMEM((PIPE, CHUNK, D), jnp.float32),
        pltpu.VMEM((ZR, D), jnp.float32),
        pltpu.SemaphoreType.DMA,
        pltpu.SemaphoreType.DMA,
        pltpu.SemaphoreType.DMA,
        pltpu.SemaphoreType.DMA,
    ],
)
def _agg_kernel(hs_hbm, idx2_hbm, out_hbm, acc_sp, ib0, ib1, id0, id1,
                rows_v, zb_v, g0, g1, s0, s1):
    gsems = (g0, g1)
    ssems = (s0, s1)
    ibb = (ib0, ib1)
    idb = (id0, id1)
    c = lax.axis_index("c")
    s = lax.axis_index("s")
    w = c * NS + s

    def _zrow(i, _):
        for k in range(D // 16):
            zb_v[i, pl.ds(16 * k, 16)] = jnp.zeros((16,), jnp.float32)
        return 0
    lax.fori_loop(0, ZR, _zrow, 0)

    def _zacc(i, _):
        pltpu.sync_copy(zb_v, acc_sp.at[pl.ds(s * RPT + ZR * i, ZR)])
        return 0
    lax.fori_loop(0, RPT // ZR, _zacc, 0)
    plsc.subcore_barrier()

    def _grp(t, _):
        for k in range(PIPE):
            row = w * TCHK + PIPE * t + k

            @pl.when(t > 0)
            def _():
                pltpu.make_async_copy(
                    rows_v.at[k], acc_sp.at[idb[k]], ssems[k]).wait()
            pltpu.sync_copy(idx2_hbm.at[row], ibb[k])
            pltpu.async_copy(hs_hbm.at[ibb[k].at[0]], rows_v.at[k], gsems[k])
            for m in range(CHUNK // 16):
                idb[k][pl.ds(16 * m, 16)] = ibb[k][1, pl.ds(16 * m, 16)]
        for k in range(PIPE):
            pltpu.make_async_copy(
                hs_hbm.at[ibb[k].at[0]], rows_v.at[k], gsems[k]).wait()
            pltpu.async_copy(
                rows_v.at[k], acc_sp.at[idb[k]], ssems[k], add=True)
        return 0
    lax.fori_loop(0, TCHK // PIPE, _grp, 0)
    for k in range(PIPE):
        pltpu.make_async_copy(
            rows_v.at[k], acc_sp.at[idb[k]], ssems[k]).wait()
    plsc.subcore_barrier()

    pltpu.sync_copy(acc_sp.at[pl.ds(s * RPT, RPT)],
                    out_hbm.at[c, pl.ds(s * RPT, RPT)])



BR = 512
NBLK = NPAD // BR


def _tc1_body(x_ref, w_ref, d0_ref, d1_ref, o_ref):
    inv = lax.rsqrt(jnp.maximum(d0_ref[...] + d1_ref[...], 1.0))
    h = jnp.dot(x_ref[...], w_ref[...], preferred_element_type=jnp.float32)
    o_ref[...] = h * inv[:, None]


def _tc1(x, W, do0, do1):
    return pl.pallas_call(
        _tc1_body,
        grid=(NBLK,),
        in_specs=[
            pl.BlockSpec((BR, D), lambda i: (i, 0)),
            pl.BlockSpec((D, D), lambda i: (0, 0)),
            pl.BlockSpec((BR,), lambda i: (i,)),
            pl.BlockSpec((BR,), lambda i: (i,)),
        ],
        out_specs=pl.BlockSpec((BR, D), lambda i: (i, 0)),
        out_shape=jax.ShapeDtypeStruct((NPAD, D), jnp.float32),
    )(x, W, do0, do1)


def _tc2_body(a0_ref, a1_ref, di0_ref, di1_ref, do0_ref, do1_ref,
              b_ref, g_ref, be_ref, w_ref, o_ref):
    agg = a0_ref[...] + a1_ref[...]
    inv_in = lax.rsqrt(jnp.maximum(di0_ref[...] + di1_ref[...], 1.0))
    out1 = g_ref[...] * (agg * inv_in[:, None] + b_ref[...]) + be_ref[...]
    out1 = jnp.maximum(out1, 0.0)
    inv_out = lax.rsqrt(jnp.maximum(do0_ref[...] + do1_ref[...], 1.0))
    h = jnp.dot(out1, w_ref[...], preferred_element_type=jnp.float32)
    o_ref[...] = h * inv_out[:, None]


def _tc2(a0, a1, di0, di1, do0, do1, b, g, be, W):
    return pl.pallas_call(
        _tc2_body,
        grid=(NBLK,),
        in_specs=[
            pl.BlockSpec((BR, D), lambda i: (i, 0)),
            pl.BlockSpec((BR, D), lambda i: (i, 0)),
            pl.BlockSpec((BR,), lambda i: (i,)),
            pl.BlockSpec((BR,), lambda i: (i,)),
            pl.BlockSpec((BR,), lambda i: (i,)),
            pl.BlockSpec((BR,), lambda i: (i,)),
            pl.BlockSpec((D,), lambda i: (0,)),
            pl.BlockSpec((D,), lambda i: (0,)),
            pl.BlockSpec((D,), lambda i: (0,)),
            pl.BlockSpec((D, D), lambda i: (0, 0)),
        ],
        out_specs=pl.BlockSpec((BR, D), lambda i: (i, 0)),
        out_shape=jax.ShapeDtypeStruct((NPAD, D), jnp.float32),
    )(a0, a1, di0, di1, do0, do1, b, g, be, W)


def _tc3_body(a0_ref, a1_ref, di0_ref, di1_ref, gid_ref, b_ref, g_ref,
              be_ref, wf1_ref, bf1_ref, wf2_ref, bf2_ref, prot_ref,
              wo1_ref, bo1_ref, wo2_ref, bo2_ref, wo3_ref, bo3_ref,
              z_ref, comp_ref, acc_ref):
    i = pl.program_id(0)

    @pl.when(i == 0)
    def _():
        acc_ref[...] = jnp.full((B, D), -jnp.inf, jnp.float32)

    agg = a0_ref[...] + a1_ref[...]
    inv_in = lax.rsqrt(jnp.maximum(di0_ref[...] + di1_ref[...], 1.0))
    f = g_ref[...] * (agg * inv_in[:, None] + b_ref[...]) + be_ref[...]
    f = jnp.maximum(f, 0.0)

    rows = i * BR + lax.broadcasted_iota(jnp.int32, (BR,), 0)
    valid = rows < N
    gid = gid_ref[...]
    g_lo = jnp.min(jnp.where(valid, gid, B - 1))
    g_hi = jnp.max(jnp.where(valid, gid, 0))

    def _upd(b, _):
        m = (gid == b) & valid
        p = jnp.where(m, 0.0, -jnp.inf)
        v = jnp.max(f + p[:, None], axis=0)
        cur = acc_ref[pl.ds(b, 1), :]
        acc_ref[pl.ds(b, 1), :] = jnp.maximum(cur, v[None, :])
        return 0
    lax.fori_loop(g_lo, g_hi + 1, _upd, 0)

    @pl.when(i == pl.num_programs(0) - 1)
    def _():
        pooled = acc_ref[...]
        h = jnp.dot(pooled, wf1_ref[...], preferred_element_type=jnp.float32)
        h = jnp.maximum(h + bf1_ref[...], 0.0)
        comp = jnp.dot(h, wf2_ref[...],
                       preferred_element_type=jnp.float32) + bf2_ref[...]
        comp_ref[...] = comp
        h2 = (jnp.dot(comp, wo1_ref[0:D, :], preferred_element_type=jnp.float32)
              + jnp.dot(prot_ref[...], wo1_ref[D:2 * D, :],
                        preferred_element_type=jnp.float32) + bo1_ref[...])
        h2 = jnp.maximum(h2, 0.0)
        h3 = jnp.maximum(
            jnp.dot(h2, wo2_ref[...], preferred_element_type=jnp.float32)
            + bo2_ref[...], 0.0)
        z_ref[...] = jnp.dot(
            h3, wo3_ref[...], preferred_element_type=jnp.float32) + bo3_ref[...]


def _tc3(a0, a1, di0, di1, gid, b, g, be, Wf1, bf1, Wf2, bf2, prot,
         Wo1, bo1, Wo2, bo2, Wo3, bo3):
    H2 = 2 * 128
    return pl.pallas_call(
        _tc3_body,
        grid=(NBLK,),
        in_specs=[
            pl.BlockSpec((BR, D), lambda i: (i, 0)),
            pl.BlockSpec((BR, D), lambda i: (i, 0)),
            pl.BlockSpec((BR,), lambda i: (i,)),
            pl.BlockSpec((BR,), lambda i: (i,)),
            pl.BlockSpec((BR,), lambda i: (i,)),
            pl.BlockSpec((D,), lambda i: (0,)),
            pl.BlockSpec((D,), lambda i: (0,)),
            pl.BlockSpec((D,), lambda i: (0,)),
            pl.BlockSpec((D, H2), lambda i: (0, 0)),
            pl.BlockSpec((H2,), lambda i: (0,)),
            pl.BlockSpec((H2, D), lambda i: (0, 0)),
            pl.BlockSpec((D,), lambda i: (0,)),
            pl.BlockSpec((B, D), lambda i: (0, 0)),
            pl.BlockSpec((2 * D, H2), lambda i: (0, 0)),
            pl.BlockSpec((H2,), lambda i: (0,)),
            pl.BlockSpec((H2, D), lambda i: (0, 0)),
            pl.BlockSpec((D,), lambda i: (0,)),
            pl.BlockSpec((D, 2), lambda i: (0, 0)),
            pl.BlockSpec((2,), lambda i: (0,)),
        ],
        out_specs=[
            pl.BlockSpec((B, 2), lambda i: (0, 0)),
            pl.BlockSpec((B, D), lambda i: (0, 0)),
        ],
        out_shape=[
            jax.ShapeDtypeStruct((B, 2), jnp.float32),
            jax.ShapeDtypeStruct((B, D), jnp.float32),
        ],
        scratch_shapes=[pltpu.VMEM((B, D), jnp.float32)],
    )(a0, a1, di0, di1, gid, b, g, be, Wf1, bf1, Wf2, bf2, prot,
      Wo1, bo1, Wo2, bo2, Wo3, bo3)



def kernel(x, edge_index, graph_ids, prot_bat, prot_list,
           W_g1, b_g1, gamma1, beta1, W_g2, b_g2, gamma2, beta2,
           W_fc1g, b_fc1g, W_fc2g, b_fc2g,
           W_o1, b_o1, W_o2, b_o2, W_o3, b_o3):
    pad_idx = N + jnp.arange(EXTRA, dtype=jnp.int32) % (NPAD - N)
    src2 = jnp.concatenate([edge_index[0], pad_idx]).reshape(-1, CHUNK)
    dst2 = jnp.concatenate([edge_index[1], pad_idx]).reshape(-1, CHUNK)
    idx2 = jnp.stack([src2, dst2], axis=1)
    x_p = jnp.pad(x, ((0, NPAD - N), (0, 0)))

    degs = _deg_kernel(src2, dst2)
    do0, do1 = degs[0, 0], degs[1, 0]
    di0, di1 = degs[0, 1], degs[1, 1]

    hs1 = _tc1(x_p, W_g1, do0, do1)
    agg1 = _agg_kernel(hs1, idx2)
    hs2 = _tc2(agg1[0], agg1[1], di0, di1, do0, do1,
               b_g1, gamma1, beta1, W_g2)
    agg2 = _agg_kernel(hs2, idx2)
    z, comp = _tc3(agg2[0], agg2[1], di0, di1, graph_ids,
                   b_g2, gamma2, beta2,
                   W_fc1g, b_fc1g, W_fc2g, b_fc2g, prot_bat,
                   W_o1, b_o1, W_o2, b_o2, W_o3, b_o3)
    return (z, comp, prot_bat)

# --- scband reference (transcript-rebuilt; emitter-appended) ---
"""Pipeline reference for scband-mol-gnn2-10050223472769 (READ-ONLY COPY).

The authoritative reference and input builder live on the scoring server;
editing this copy changes nothing except your own understanding.
"""

import jax, jax.numpy as jnp
import numpy as np

N = 10000
E = 320000
B = 64
D_IN = 128
CH = [128, 128]
HID = 128
PROT = 128
NUM_CLASSES = 2


def _linear_init(key, fan_in, fan_out):
    k1, k2 = jax.random.split(key)
    lim = 1.0 / np.sqrt(fan_in)
    W = jax.random.uniform(k1, (fan_in, fan_out), minval=-lim, maxval=lim, dtype=jnp.float32)
    b = jax.random.uniform(k2, (fan_out,), minval=-lim, maxval=lim, dtype=jnp.float32)
    return W, b


def setup_inputs(seed: int = 0):
    key = jax.random.key(seed)
    ks = jax.random.split(key, 16)
    inp = {}
    inp["x"] = jax.random.normal(ks[0], (N, D_IN), dtype=jnp.float32)
    inp["edge_index"] = jax.random.randint(ks[1], (2, E), 0, N, dtype=jnp.int32)
    inp["graph_ids"] = jnp.sort(jax.random.randint(ks[2], (N,), 0, B, dtype=jnp.int32))
    inp["prot_bat"] = jax.random.normal(ks[3], (B, PROT), dtype=jnp.float32)
    inp["prot_list"] = jax.random.randint(ks[4], (B,), 1, 512, dtype=jnp.int32)
    inp["W_g1"], inp["b_g1"] = _linear_init(ks[5], D_IN, CH[0])
    inp["gamma1"] = jnp.ones((CH[0],), dtype=jnp.float32)
    inp["beta1"] = jnp.zeros((CH[0],), dtype=jnp.float32)
    inp["W_g2"], inp["b_g2"] = _linear_init(ks[6], CH[0], CH[1])
    inp["gamma2"] = jnp.ones((CH[1],), dtype=jnp.float32)
    inp["beta2"] = jnp.zeros((CH[1],), dtype=jnp.float32)
    inp["W_fc1g"], inp["b_fc1g"] = _linear_init(ks[7], CH[1], 2 * HID)
    inp["W_fc2g"], inp["b_fc2g"] = _linear_init(ks[8], 2 * HID, PROT)
    inp["W_o1"], inp["b_o1"] = _linear_init(ks[9], 2 * PROT, 2 * HID)
    inp["W_o2"], inp["b_o2"] = _linear_init(ks[10], 2 * HID, HID)
    inp["W_o3"], inp["b_o3"] = _linear_init(ks[11], HID, NUM_CLASSES)
    return inp


def _gcn_conv(x, W, b, gamma, beta, src, dst, inv_sqrt_out, inv_sqrt_in):
    # DGL GraphConv with norm='both': h_j = d_j^{-1/2} * sum_{i->j} d_i^{-1/2} * (x_i W) + b
    h = x @ W
    msg = h[src] * inv_sqrt_out[src][:, None]
    agg = jax.ops.segment_sum(msg, dst, num_segments=N)
    out = agg * inv_sqrt_in[:, None] + b
    # batchnorm in eval mode with running stats (mean=0, var=1): affine only
    out = gamma * out + beta
    # dropout is identity at inference
    return jax.nn.relu(out)


def reference(x, edge_index, graph_ids, prot_bat, prot_list,
              W_g1, b_g1, gamma1, beta1, W_g2, b_g2, gamma2, beta2,
              W_fc1g, b_fc1g, W_fc2g, b_fc2g,
              W_o1, b_o1, W_o2, b_o2, W_o3, b_o3):
    src = edge_index[0]
    dst = edge_index[1]
    ones = jnp.ones((E,), dtype=jnp.float32)
    deg_out = jax.ops.segment_sum(ones, src, num_segments=N)
    deg_in = jax.ops.segment_sum(ones, dst, num_segments=N)
    inv_sqrt_out = 1.0 / jnp.sqrt(jnp.maximum(deg_out, 1.0))
    inv_sqrt_in = 1.0 / jnp.sqrt(jnp.maximum(deg_in, 1.0))
    # GNN (2-layer GCN)
    f = _gcn_conv(x, W_g1, b_g1, gamma1, beta1, src, dst, inv_sqrt_out, inv_sqrt_in)
    f = _gcn_conv(f, W_g2, b_g2, gamma2, beta2, src, dst, inv_sqrt_out, inv_sqrt_in)
    # dgl MaxPooling: per-graph max over node features
    comp_pooled = jax.ops.segment_max(f, graph_ids, num_segments=B)
    # cross_attention is identity passthrough in the source
    prot_bat_final = prot_bat
    # graph head
    h = jax.nn.relu(comp_pooled @ W_fc1g + b_fc1g)
    h = h @ W_fc2g + b_fc2g
    comp = h
    # joint head
    y_cat = jnp.concatenate((comp, prot_bat_final), axis=1)
    h = jax.nn.relu(y_cat @ W_o1 + b_o1)
    h = jax.nn.relu(h @ W_o2 + b_o2)
    z_interaction = h @ W_o3 + b_o3
    return (z_interaction, comp, prot_bat_final)

if __name__ == "__main__":
    import jax
    _d = setup_inputs()
    print(jax.jit(kernel)(*tuple(_d.values())))

</pallas_src>

<mosaic_0001>
#map = affine_map<(d0, d1) -> (0, 0)>
#map1 = affine_map<(d0, d1) -> (0, 0, 0)>
module attributes {stable_mosaic.version = 14 : i64} {
  func.func @_deg_kernel(%arg0: i32, %arg1: i32, %arg2: memref<2560x128xi32, #tpu.memory_space<hbm>>, %arg3: memref<2560x128xi32, #tpu.memory_space<hbm>>, %arg4: memref<2x2x10240xf32, #tpu.memory_space<hbm>>, %arg5: memref<10240xf32, #tpu.memory_space<vmem_shared>>, %arg6: memref<10240xf32, #tpu.memory_space<vmem_shared>>, %arg7: memref<128xi32, #tpu.memory_space<vmem>>, %arg8: memref<128xi32, #tpu.memory_space<vmem>>, %arg9: memref<128xi32, #tpu.memory_space<vmem>>, %arg10: memref<128xi32, #tpu.memory_space<vmem>>, %arg11: memref<128xf32, #tpu.memory_space<vmem>>, %arg12: memref<640xf32, #tpu.memory_space<vmem>>, %arg13: memref<!tpu.dma_semaphore, #tpu.memory_space<semaphore_mem>>, %arg14: memref<!tpu.dma_semaphore, #tpu.memory_space<semaphore_mem>>, %arg15: memref<!tpu.dma_semaphore, #tpu.memory_space<semaphore_mem>>, %arg16: memref<!tpu.dma_semaphore, #tpu.memory_space<semaphore_mem>>) attributes {dimension_semantics = [#tpu.dimension_semantics<core_parallel>, #tpu.dimension_semantics<subcore_parallel>], iteration_bounds = array<i64: 2, 16>, scalar_prefetch = 0 : i64, scratch_operands = 12 : i64, tpu.core_type = #tpu.core_type<sc_vector_subcore>, window_params = [{transform_indices = #map}, {transform_indices = #map}, {transform_indices = #map1}]} {
    %mul3A = arith.constant 16 : i32
    %mul3A_0 = arith.muli %arg0, %mul3A : i32
    %add3A = arith.addi %mul3A_0, %arg1 : i32
    %scan3A = arith.constant 0 : i32
    %scan3A_1 = arith.constant 0 : i32
    %scan3A_2 = arith.constant 40 : i32
    %scan3A_3 = arith.addi %scan3A_1, %scan3A_2 : i32
    %scan3A_4 = arith.constant 1 : i32
    %scan3A_5 = scf.for %scan3A_42 = %scan3A_1 to %scan3A_3 step %scan3A_4 iter_args(%scan3A_43 = %scan3A) -> (i32)  : i32 {
      %broadcast_in_dim3A = arith.constant 0.000000e+00 : f32
      %broadcast_in_dim3A_44 = vector.broadcast %broadcast_in_dim3A : f32 to vector<16xf32>
      %mul3A_45 = arith.constant 16 : i32
      %mul3A_46 = arith.muli %scan3A_42, %mul3A_45 : i32
      %swap3A = arith.index_cast %mul3A_46 : i32 to index
      %swap3A_47 = tpu.vector_load %arg12[%swap3A] {strides = array<i32>} : memref<640xf32, #tpu.memory_space<vmem>>, vector<16xf32>,
      %swap3A_48 = vector.shape_cast %swap3A_47 : vector<16xf32> to vector<16xf32>
      %swap3A_49 = vector.shape_cast %broadcast_in_dim3A_44 : vector<16xf32> to vector<16xf32>
      tpu.vector_store %arg12[%swap3A], %swap3A_49 {strides = array<i32>} : memref<640xf32, #tpu.memory_space<vmem>>, vector<16xf32>,
      %scan3A_50 = arith.constant 0 : i32
      scf.yield %scan3A_50 : i32
    }
    %scan3A_6 = arith.constant 40 : i32
    %scan3A_7 = arith.constant 0 : i32
    %scan3A_8 = arith.constant 0 : i32
    %scan3A_9 = arith.constant 8 : i32
    %scan3A_10 = arith.addi %scan3A_8, %scan3A_9 : i32
    %scan3A_11 = arith.constant 1 : i32
    %scan3A_12 = scf.for %scan3A_42 = %scan3A_8 to %scan3A_10 step %scan3A_11 iter_args(%scan3A_43 = %scan3A_7) -> (i32)  : i32 {
      %broadcast_in_dim3A = arith.constant 1.000000e+00 : f32
      %broadcast_in_dim3A_44 = vector.broadcast %broadcast_in_dim3A : f32 to vector<16xf32>
      %mul3A_45 = arith.constant 16 : i32
      %mul3A_46 = arith.muli %scan3A_42, %mul3A_45 : i32
      %swap3A = arith.index_cast %mul3A_46 : i32 to index
      %swap3A_47 = tpu.vector_load %arg11[%swap3A] {strides = array<i32>} : memref<128xf32, #tpu.memory_space<vmem>>, vector<16xf32>,
      %swap3A_48 = vector.shape_cast %swap3A_47 : vector<16xf32> to vector<16xf32>
      %swap3A_49 = vector.shape_cast %broadcast_in_dim3A_44 : vector<16xf32> to vector<16xf32>
      tpu.vector_store %arg11[%swap3A], %swap3A_49 {strides = array<i32>} : memref<128xf32, #tpu.memory_space<vmem>>, vector<16xf32>,
      %scan3A_50 = arith.constant 0 : i32
      scf.yield %scan3A_50 : i32
    }
    %scan3A_13 = arith.constant 8 : i32
    %mul3A_14 = arith.constant 640 : i32
    %mul3A_15 = arith.muli %arg1, %mul3A_14 : i32
    "tpu.region"() ({
      %run_scoped3A_42 = tpu.sem_alloc : memref<!tpu.dma_semaphore, #tpu.memory_space<semaphore_mem>>
      %dma_start3A = tpu.memref_slice %arg5[%mul3A_15] : memref<10240xf32, #tpu.memory_space<vmem_shared>> -> memref<640xf32, #tpu.memory_space<vmem_shared>>
      %dma_start3A_43 = tpu.memref_slice %arg5[%mul3A_15] : memref<10240xf32, #tpu.memory_space<vmem_shared>> -> memref<640xf32, #tpu.memory_space<vmem_shared>>
      tpu.enqueue_dma source(%arg12 : memref<640xf32, #tpu.memory_space<vmem>>) target(%dma_start3A_43 : memref<640xf32, #tpu.memory_space<vmem_shared>>) target_semaphore(%run_scoped3A_42 : memref<!tpu.dma_semaphore, #tpu.memory_space<semaphore_mem>>)
      %dma_wait3A_44 = tpu.memref_slice %arg5[%mul3A_15] : memref<10240xf32, #tpu.memory_space<vmem_shared>> -> memref<640xf32, #tpu.memory_space<vmem_shared>>
      %dma_wait3A_45 = tpu.memref_slice %arg5[%mul3A_15] : memref<10240xf32, #tpu.memory_space<vmem_shared>> -> memref<640xf32, #tpu.memory_space<vmem_shared>>
      tpu.wait_dma2 semaphore(%run_scoped3A_42 : memref<!tpu.dma_semaphore, #tpu.memory_space<semaphore_mem>>) src(%arg12 : memref<640xf32, #tpu.memory_space<vmem>>) dst(%dma_wait3A_45 : memref<640xf32, #tpu.memory_space<vmem_shared>>)
      tpu.yield
    }) : () -> ()
    %mul3A_16 = arith.constant 640 : i32
    %mul3A_17 = arith.muli %arg1, %mul3A_16 : i32
    "tpu.region"() ({
      %run_scoped3A_42 = tpu.sem_alloc : memref<!tpu.dma_semaphore, #tpu.memory_space<semaphore_mem>>
      %dma_start3A = tpu.memref_slice %arg6[%mul3A_17] : memref<10240xf32, #tpu.memory_space<vmem_shared>> -> memref<640xf32, #tpu.memory_space<vmem_shared>>
      %dma_start3A_43 = tpu.memref_slice %arg6[%mul3A_17] : memref<10240xf32, #tpu.memory_space<vmem_shared>> -> memref<640xf32, #tpu.memory_space<vmem_shared>>
      tpu.enqueue_dma source(%arg12 : memref<640xf32, #tpu.memory_space<vmem>>) target(%dma_start3A_43 : memref<640xf32, #tpu.memory_space<vmem_shared>>) target_semaphore(%run_scoped3A_42 : memref<!tpu.dma_semaphore, #tpu.memory_space<semaphore_mem>>)
      %dma_wait3A_44 = tpu.memref_slice %arg6[%mul3A_17] : memref<10240xf32, #tpu.memory_space<vmem_shared>> -> memref<640xf32, #tpu.memory_space<vmem_shared>>
      %dma_wait3A_45 = tpu.memref_slice %arg6[%mul3A_17] : memref<10240xf32, #tpu.memory_space<vmem_shared>> -> memref<640xf32, #tpu.memory_space<vmem_shared>>
      tpu.wait_dma2 semaphore(%run_scoped3A_42 : memref<!tpu.dma_semaphore, #tpu.memory_space<semaphore_mem>>) src(%arg12 : memref<640xf32, #tpu.memory_space<vmem>>) dst(%dma_wait3A_45 : memref<640xf32, #tpu.memory_space<vmem_shared>>)
      tpu.yield
    }) : () -> ()
    %barrier3A = arith.constant 0 : index
    tpu.barrier barrier_id(%barrier3A)
    %scan3A_18 = arith.constant 0 : i32
    %scan3A_19 = arith.constant 0 : i32
    %scan3A_20 = arith.constant 40 : i32
    %scan3A_21 = arith.addi %scan3A_19, %scan3A_20 : i32
    %scan3A_22 = arith.constant 1 : i32
    %scan3A_23 = scf.for %scan3A_42 = %scan3A_19 to %scan3A_21 step %scan3A_22 iter_args(%scan3A_43 = %scan3A_18) -> (i32)  : i32 {
      %gt3A = arith.constant 0 : i32
      %gt3A_44 = arith.cmpi sgt, %scan3A_42, %gt3A : i32
      %convert_element_type3A = arith.extui %gt3A_44 : i1 to i32
      %cond3A = arith.constant 0 : i32
      %cond3A_45 = arith.cmpi ne, %convert_element_type3A, %cond3A : i32
      scf.if %cond3A_45 {
        %dma_wait3A_135 = arith.constant 0 : i32
        %dma_wait3A_136 = tpu.memref_slice %arg5[%dma_wait3A_135] : memref<10240xf32, #tpu.memory_space<vmem_shared>> -> memref<10240xf32, #tpu.memory_space<vmem_shared>>
        tpu.wait_indirect_dma semaphore(%arg15 : memref<!tpu.dma_semaphore, #tpu.memory_space<semaphore_mem>>) src(%arg11 : memref<128xf32, #tpu.memory_space<vmem>>) dst(%dma_wait3A_136 : memref<10240xf32, #tpu.memory_space<vmem_shared>>)
        %dma_wait3A_137 = arith.constant 0 : i32
        %dma_wait3A_138 = tpu.memref_slice %arg6[%dma_wait3A_137] : memref<10240xf32, #tpu.memory_space<vmem_shared>> -> memref<10240xf32, #tpu.memory_space<vmem_shared>>
        tpu.wait_indirect_dma semaphore(%arg15 : memref<!tpu.dma_semaphore, #tpu.memory_space<semaphore_mem>>) src(%arg11 : memref<128xf32, #tpu.memory_space<vmem>>) dst(%dma_wait3A_138 : memref<10240xf32, #tpu.memory_space<vmem_shared>>)
      } else {
      }
      %mul3A_46 = arith.constant 80 : i32
      %mul3A_47 = arith.muli %add3A, %mul3A_46 : i32
      %mul3A_48 = arith.constant 2 : i32
      %mul3A_49 = arith.muli %mul3A_48, %scan3A_42 : i32
      %add3A_50 = arith.addi %mul3A_47, %mul3A_49 : i32
      %add3A_51 = arith.constant 0 : i32
      %add3A_52 = arith.addi %add3A_50, %add3A_51 : i32
      %dma_start3A = arith.constant 0 : i32
      %dma_start3A_53 = tpu.memref_slice %arg2[%add3A_52, %dma_start3A] : memref<2560x128xi32, #tpu.memory_space<hbm>> -> memref<1x128xi32, #tpu.memory_space<hbm>>
      %dma_start3A_54 = tpu.memref_squeeze %dma_start3A_53 : memref<1x128xi32, #tpu.memory_space<hbm>> -> memref<128xi32, #tpu.memory_space<hbm>>
      %dma_start3A_55 = arith.constant 0 : i32
      %dma_start3A_56 = tpu.memref_slice %arg2[%add3A_52, %dma_start3A_55] : memref<2560x128xi32, #tpu.memory_space<hbm>> -> memref<1x128xi32, #tpu.memory_space<hbm>>
      %dma_start3A_57 = tpu.memref_squeeze %dma_start3A_56 : memref<1x128xi32, #tpu.memory_space<hbm>> -> memref<128xi32, #tpu.memory_space<hbm>>
      tpu.enqueue_dma source(%dma_start3A_57 : memref<128xi32, #tpu.memory_space<hbm>>) target(%arg7 : memref<128xi32, #tpu.memory_space<vmem>>) target_semaphore(%arg13 : memref<!tpu.dma_semaphore, #tpu.memory_space<semaphore_mem>>)
      %dma_start3A_58 = arith.constant 0 : i32
      %dma_start3A_59 = tpu.memref_slice %arg3[%add3A_52, %dma_start3A_58] : memref<2560x128xi32, #tpu.memory_space<hbm>> -> memref<1x128xi32, #tpu.memory_space<hbm>>
      %dma_start3A_60 = tpu.memref_squeeze %dma_start3A_59 : memref<1x128xi32, #tpu.memory_space<hbm>> -> memref<128xi32, #tpu.memory_space<hbm>>
      %dma_start3A_61 = arith.constant 0 : i32
      %dma_start3A_62 = tpu.memref_slice %arg3[%add3A_52, %dma_start3A_61] : memref<2560x128xi32, #tpu.memory_space<hbm>> -> memref<1x128xi32, #tpu.memory_space<hbm>>
      %dma_start3A_63 = tpu.memref_squeeze %dma_start3A_62 : memref<1x128xi32, #tpu.memory_space<hbm>> -> memref<128xi32, #tpu.memory_space<hbm>>
      tpu.enqueue_dma source(%dma_start3A_63 : memref<128xi32, #tpu.memory_space<hbm>>) target(%arg9 : memref<128xi32, #tpu.memory_space<vmem>>) target_semaphore(%arg13 : memref<!tpu.dma_semaphore, #tpu.memory_space<semaphore_mem>>)
      %gt3A_64 = arith.constant 0 : i32
      %gt3A_65 = arith.cmpi sgt, %scan3A_42, %gt3A_64 : i32
      %convert_element_type3A_66 = arith.extui %gt3A_65 : i1 to i32
      %cond3A_67 = arith.constant 0 : i32
      %cond3A_68 = arith.cmpi ne, %convert_element_type3A_66, %cond3A_67 : i32
      scf.if %cond3A_68 {
        %dma_wait3A_135 = arith.constant 0 : i32
        %dma_wait3A_136 = tpu.memref_slice %arg5[%dma_wait3A_135] : memref<10240xf32, #tpu.memory_space<vmem_shared>> -> memref<10240xf32, #tpu.memory_space<vmem_shared>>
        tpu.wait_indirect_dma semaphore(%arg16 : memref<!tpu.dma_semaphore, #tpu.memory_space<semaphore_mem>>) src(%arg11 : memref<128xf32, #tpu.memory_space<vmem>>) dst(%dma_wait3A_136 : memref<10240xf32, #tpu.memory_space<vmem_shared>>)
        %dma_wait3A_137 = arith.constant 0 : i32
        %dma_wait3A_138 = tpu.memref_slice %arg6[%dma_wait3A_137] : memref<10240xf32, #tpu.memory_space<vmem_shared>> -> memref<10240xf32, #tpu.memory_space<vmem_shared>>
        tpu.wait_indirect_dma semaphore(%arg16 : memref<!tpu.dma_semaphore, #tpu.memory_space<semaphore_mem>>) src(%arg11 : memref<128xf32, #tpu.memory_space<vmem>>) dst(%dma_wait3A_138 : memref<10240xf32, #tpu.memory_space<vmem_shared>>)
      } else {
      }
      %mul3A_69 = arith.constant 80 : i32
      %mul3A_70 = arith.muli %add3A, %mul3A_69 : i32
      %mul3A_71 = arith.constant 2 : i32
      %mul3A_72 = arith.muli %mul3A_71, %scan3A_42 : i32
      %add3A_73 = arith.addi %mul3A_70, %mul3A_72 : i32
      %add3A_74 = arith.constant 1 : i32
      %add3A_75 = arith.addi %add3A_73, %add3A_74 : i32
      %dma_start3A_76 = arith.constant 0 : i32
      %dma_start3A_77 = tpu.memref_slice %arg2[%add3A_75, %dma_start3A_76] : memref<2560x128xi32, #tpu.memory_space<hbm>> -> memref<1x128xi32, #tpu.memory_space<hbm>>
      %dma_start3A_78 = tpu.memref_squeeze %dma_start3A_77 : memref<1x128xi32, #tpu.memory_space<hbm>> -> memref<128xi32, #tpu.memory_space<hbm>>
      %dma_start3A_79 = arith.constant 0 : i32
      %dma_start3A_80 = tpu.memref_slice %arg2[%add3A_75, %dma_start3A_79] : memref<2560x128xi32, #tpu.memory_space<hbm>> -> memref<1x128xi32, #tpu.memory_space<hbm>>
      %dma_start3A_81 = tpu.memref_squeeze %dma_start3A_80 : memref<1x128xi32, #tpu.memory_space<hbm>> -> memref<128xi32, #tpu.memory_space<hbm>>
      tpu.enqueue_dma source(%dma_start3A_81 : memref<128xi32, #tpu.memory_space<hbm>>) target(%arg8 : memref<128xi32, #tpu.memory_space<vmem>>) target_semaphore(%arg14 : memref<!tpu.dma_semaphore, #tpu.memory_space<semaphore_mem>>)
      %dma_start3A_82 = arith.constant 0 : i32
      %dma_start3A_83 = tpu.memref_slice %arg3[%add3A_75, %dma_start3A_82] : memref<2560x128xi32, #tpu.memory_space<hbm>> -> memref<1x128xi32, #tpu.memory_space<hbm>>
      %dma_start3A_84 = tpu.memref_squeeze %dma_start3A_83 : memref<1x128xi32, #tpu.memory_space<hbm>> -> memref<128xi32, #tpu.memory_space<hbm>>
      %dma_start3A_85 = arith.constant 0 : i32
      %dma_start3A_86 = tpu.memref_slice %arg3[%add3A_75, %dma_start3A_85] : memref<2560x128xi32, #tpu.memory_space<hbm>> -> memref<1x128xi32, #tpu.memory_space<hbm>>
      %dma_start3A_87 = tpu.memref_squeeze %dma_start3A_86 : memref<1x128xi32, #tpu.memory_space<hbm>> -> memref<128xi32, #tpu.memory_space<hbm>>
      tpu.enqueue_dma source(%dma_start3A_87 : memref<128xi32, #tpu.memory_space<hbm>>) target(%arg10 : memref<128xi32, #tpu.memory_space<vmem>>) target_semaphore(%arg14 : memref<!tpu.dma_semaphore, #tpu.memory_space<semaphore_mem>>)
      %mul3A_88 = arith.constant 80 : i32
      %mul3A_89 = arith.muli %add3A, %mul3A_88 : i32
      %mul3A_90 = arith.constant 2 : i32
      %mul3A_91 = arith.muli %mul3A_90, %scan3A_42 : i32
      %add3A_92 = arith.addi %mul3A_89, %mul3A_91 : i32
      %add3A_93 = arith.constant 0 : i32
      %add3A_94 = arith.addi %add3A_92, %add3A_93 : i32
      %dma_wait3A_95 = arith.constant 0 : i32
      %dma_wait3A_96 = tpu.memref_slice %arg2[%add3A_94, %dma_wait3A_95] : memref<2560x128xi32, #tpu.memory_space<hbm>> -> memref<1x128xi32, #tpu.memory_space<hbm>>
      %dma_wait3A_97 = tpu.memref_squeeze %dma_wait3A_96 : memref<1x128xi32, #tpu.memory_space<hbm>> -> memref<128xi32, #tpu.memory_space<hbm>>
      %dma_wait3A_98 = arith.constant 0 : i32
      %dma_wait3A_99 = tpu.memref_slice %arg2[%add3A_94, %dma_wait3A_98] : memref<2560x128xi32, #tpu.memory_space<hbm>> -> memref<1x128xi32, #tpu.memory_space<hbm>>
      %dma_wait3A_100 = tpu.memref_squeeze %dma_wait3A_99 : memref<1x128xi32, #tpu.memory_space<hbm>> -> memref<128xi32, #tpu.memory_space<hbm>>
      tpu.wait_dma2 semaphore(%arg13 : memref<!tpu.dma_semaphore, #tpu.memory_space<semaphore_mem>>) src(%dma_wait3A_100 : memref<128xi32, #tpu.memory_space<hbm>>) dst(%arg7 : memref<128xi32, #tpu.memory_space<vmem>>)
      %dma_wait3A_101 = arith.constant 0 : i32
      %dma_wait3A_102 = tpu.memref_slice %arg3[%add3A_94, %dma_wait3A_101] : memref<2560x128xi32, #tpu.memory_space<hbm>> -> memref<1x128xi32, #tpu.memory_space<hbm>>
      %dma_wait3A_103 = tpu.memref_squeeze %dma_wait3A_102 : memref<1x128xi32, #tpu.memory_space<hbm>> -> memref<128xi32, #tpu.memory_space<hbm>>
      %dma_wait3A_104 = arith.constant 0 : i32
      %dma_wait3A_105 = tpu.memref_slice %arg3[%add3A_94, %dma_wait3A_104] : memref<2560x128xi32, #tpu.memory_space<hbm>> -> memref<1x128xi32, #tpu.memory_space<hbm>>
      %dma_wait3A_106 = tpu.memref_squeeze %dma_wait3A_105 : memref<1x128xi32, #tpu.memory_space<hbm>> -> memref<128xi32, #tpu.memory_space<hbm>>
      tpu.wait_dma2 semaphore(%arg13 : memref<!tpu.dma_semaphore, #tpu.memory_space<semaphore_mem>>) src(%dma_wait3A_106 : memref<128xi32, #tpu.memory_space<hbm>>) dst(%arg9 : memref<128xi32, #tpu.memory_space<vmem>>)
      %dma_start3A_107 = arith.constant 0 : i32
      %dma_start3A_108 = tpu.memref_slice %arg5[%dma_start3A_107] : memref<10240xf32, #tpu.memory_space<vmem_shared>> -> memref<10240xf32, #tpu.memory_space<vmem_shared>>
      tpu.enqueue_indirect_dma source(%arg11 : memref<128xf32, #tpu.memory_space<vmem>>) target(%dma_start3A_108 : memref<10240xf32, #tpu.memory_space<vmem_shared>>) offsets(%arg7 : memref<128xi32, #tpu.memory_space<vmem>>) semaphore(%arg15 : memref<!tpu.dma_semaphore, #tpu.memory_space<semaphore_mem>>) {add = true}
      %dma_start3A_109 = arith.constant 0 : i32
      %dma_start3A_110 = tpu.memref_slice %arg6[%dma_start3A_109] : memref<10240xf32, #tpu.memory_space<vmem_shared>> -> memref<10240xf32, #tpu.memory_space<vmem_shared>>
      tpu.enqueue_indirect_dma source(%arg11 : memref<128xf32, #tpu.memory_space<vmem>>) target(%dma_start3A_110 : memref<10240xf32, #tpu.memory_space<vmem_shared>>) offsets(%arg9 : memref<128xi32, #tpu.memory_space<vmem>>) semaphore(%arg15 : memref<!tpu.dma_semaphore, #tpu.memory_space<semaphore_mem>>) {add = true}
      %mul3A_111 = arith.constant 80 : i32
      %mul3A_112 = arith.muli %add3A, %mul3A_111 : i32
      %mul3A_113 = arith.constant 2 : i32
      %mul3A_114 = arith.muli %mul3A_113, %scan3A_42 : i32
      %add3A_115 = arith.addi %mul3A_112, %mul3A_114 : i32
      %add3A_116 = arith.constant 1 : i32
      %add3A_117 = arith.addi %add3A_115, %add3A_116 : i32
      %dma_wait3A_118 = arith.constant 0 : i32
      %dma_wait3A_119 = tpu.memref_slice %arg2[%add3A_117, %dma_wait3A_118] : memref<2560x128xi32, #tpu.memory_space<hbm>> -> memref<1x128xi32, #tpu.memory_space<hbm>>
      %dma_wait3A_120 = tpu.memref_squeeze %dma_wait3A_119 : memref<1x128xi32, #tpu.memory_space<hbm>> -> memref<128xi32, #tpu.memory_space<hbm>>
      %dma_wait3A_121 = arith.constant 0 : i32
      %dma_wait3A_122 = tpu.memref_slice %arg2[%add3A_117, %dma_wait3A_121] : memref<2560x128xi32, #tpu.memory_space<hbm>> -> memref<1x128xi32, #tpu.memory_space<hbm>>
      %dma_wait3A_123 = tpu.memref_squeeze %dma_wait3A_122 : memref<1x128xi32, #tpu.memory_space<hbm>> -> memref<128xi32, #tpu.memory_space<hbm>>
      tpu.wait_dma2 semaphore(%arg14 : memref<!tpu.dma_semaphore, #tpu.memory_space<semaphore_mem>>) src(%dma_wait3A_123 : memref<128xi32, #tpu.memory_space<hbm>>) dst(%arg8 : memref<128xi32, #tpu.memory_space<vmem>>)
      %dma_wait3A_124 = arith.constant 0 : i32
      %dma_wait3A_125 = tpu.memref_slice %arg3[%add3A_117, %dma_wait3A_124] : memref<2560x128xi32, #tpu.memory_space<hbm>> -> memref<1x128xi32, #tpu.memory_space<hbm>>
      %dma_wait3A_126 = tpu.memref_squeeze %dma_wait3A_125 : memref<1x128xi32, #tpu.memory_space<hbm>> -> memref<128xi32, #tpu.memory_space<hbm>>
      %dma_wait3A_127 = arith.constant 0 : i32
      %dma_wait3A_128 = tpu.memref_slice %arg3[%add3A_117, %dma_wait3A_127] : memref<2560x128xi32, #tpu.memory_space<hbm>> -> memref<1x128xi32, #tpu.memory_space<hbm>>
      %dma_wait3A_129 = tpu.memref_squeeze %dma_wait3A_128 : memref<1x128xi32, #tpu.memory_space<hbm>> -> memref<128xi32, #tpu.memory_space<hbm>>
      tpu.wait_dma2 semaphore(%arg14 : memref<!tpu.dma_semaphore, #tpu.memory_space<semaphore_mem>>) src(%dma_wait3A_129 : memref<128xi32, #tpu.memory_space<hbm>>) dst(%arg10 : memref<128xi32, #tpu.memory_space<vmem>>)
      %dma_start3A_130 = arith.constant 0 : i32
      %dma_start3A_131 = tpu.memref_slice %arg5[%dma_start3A_130] : memref<10240xf32, #tpu.memory_space<vmem_shared>> -> memref<10240xf32, #tpu.memory_space<vmem_shared>>
      tpu.enqueue_indirect_dma source(%arg11 : memref<128xf32, #tpu.memory_space<vmem>>) target(%dma_start3A_131 : memref<10240xf32, #tpu.memory_space<vmem_shared>>) offsets(%arg8 : memref<128xi32, #tpu.memory_space<vmem>>) semaphore(%arg16 : memref<!tpu.dma_semaphore, #tpu.memory_space<semaphore_mem>>) {add = true}
      %dma_start3A_132 = arith.constant 0 : i32
      %dma_start3A_133 = tpu.memref_slice %arg6[%dma_start3A_132] : memref<10240xf32, #tpu.memory_space<vmem_shared>> -> memref<10240xf32, #tpu.memory_space<vmem_shared>>
      tpu.enqueue_indirect_dma source(%arg11 : memref<128xf32, #tpu.memory_space<vmem>>) target(%dma_start3A_133 : memref<10240xf32, #tpu.memory_space<vmem_shared>>) offsets(%arg10 : memref<128xi32, #tpu.memory_space<vmem>>) semaphore(%arg16 : memref<!tpu.dma_semaphore, #tpu.memory_space<semaphore_mem>>) {add = true}
      %scan3A_134 = arith.constant 0 : i32
      scf.yield %scan3A_134 : i32
    }
    %scan3A_24 = arith.constant 40 : i32
    %dma_wait3A = arith.constant 0 : i32
    %dma_wait3A_25 = tpu.memref_slice %arg5[%dma_wait3A] : memref<10240xf32, #tpu.memory_space<vmem_shared>> -> memref<10240xf32, #tpu.memory_space<vmem_shared>>
    tpu.wait_indirect_dma semaphore(%arg15 : memref<!tpu.dma_semaphore, #tpu.memory_space<semaphore_mem>>) src(%arg11 : memref<128xf32, #tpu.memory_space<vmem>>) dst(%dma_wait3A_25 : memref<10240xf32, #tpu.memory_space<vmem_shared>>)
    %dma_wait3A_26 = arith.constant 0 : i32
    %dma_wait3A_27 = tpu.memref_slice %arg6[%dma_wait3A_26] : memref<10240xf32, #tpu.memory_space<vmem_shared>> -> memref<10240xf32, #tpu.memory_space<vmem_shared>>
    tpu.wait_indirect_dma semaphore(%arg15 : memref<!tpu.dma_semaphore, #tpu.memory_space<semaphore_mem>>) src(%arg11 : memref<128xf32, #tpu.memory_space<vmem>>) dst(%dma_wait3A_27 : memref<10240xf32, #tpu.memory_space<vmem_shared>>)
    %dma_wait3A_28 = arith.constant 0 : i32
    %dma_wait3A_29 = tpu.memref_slice %arg5[%dma_wait3A_28] : memref<10240xf32, #tpu.memory_space<vmem_shared>> -> memref<10240xf32, #tpu.memory_space<vmem_shared>>
    tpu.wait_indirect_dma semaphore(%arg16 : memref<!tpu.dma_semaphore, #tpu.memory_space<semaphore_mem>>) src(%arg11 : memref<128xf32, #tpu.memory_space<vmem>>) dst(%dma_wait3A_29 : memref<10240xf32, #tpu.memory_space<vmem_shared>>)
    %dma_wait3A_30 = arith.constant 0 : i32
    %dma_wait3A_31 = tpu.memref_slice %arg6[%dma_wait3A_30] : memref<10240xf32, #tpu.memory_space<vmem_shared>> -> memref<10240xf32, #tpu.memory_space<vmem_shared>>
    tpu.wait_indirect_dma semaphore(%arg16 : memref<!tpu.dma_semaphore, #tpu.memory_space<semaphore_mem>>) src(%arg11 : memref<128xf32, #tpu.memory_space<vmem>>) dst(%dma_wait3A_31 : memref<10240xf32, #tpu.memory_space<vmem_shared>>)
    %barrier3A_32 = arith.constant 0 : index
    tpu.barrier barrier_id(%barrier3A_32)
    %mul3A_33 = arith.constant 640 : i32
    %mul3A_34 = arith.muli %arg1, %mul3A_33 : i32
    "tpu.region"() ({
      %run_scoped3A_42 = tpu.sem_alloc : memref<!tpu.dma_semaphore, #tpu.memory_space<semaphore_mem>>
      %dma_start3A = tpu.memref_slice %arg5[%mul3A_34] : memref<10240xf32, #tpu.memory_space<vmem_shared>> -> memref<640xf32, #tpu.memory_space<vmem_shared>>
      %dma_start3A_43 = tpu.memref_slice %arg5[%mul3A_34] : memref<10240xf32, #tpu.memory_space<vmem_shared>> -> memref<640xf32, #tpu.memory_space<vmem_shared>>
      tpu.enqueue_dma source(%dma_start3A_43 : memref<640xf32, #tpu.memory_space<vmem_shared>>) target(%arg12 : memref<640xf32, #tpu.memory_space<vmem>>) target_semaphore(%run_scoped3A_42 : memref<!tpu.dma_semaphore, #tpu.memory_space<semaphore_mem>>)
      %dma_wait3A_44 = tpu.memref_slice %arg5[%mul3A_34] : memref<10240xf32, #tpu.memory_space<vmem_shared>> -> memref<640xf32, #tpu.memory_space<vmem_shared>>
      %dma_wait3A_45 = tpu.memref_slice %arg5[%mul3A_34] : memref<10240xf32, #tpu.memory_space<vmem_shared>> -> memref<640xf32, #tpu.memory_space<vmem_shared>>
      tpu.wait_dma2 semaphore(%run_scoped3A_42 : memref<!tpu.dma_semaphore, #tpu.memory_space<semaphore_mem>>) src(%dma_wait3A_45 : memref<640xf32, #tpu.memory_space<vmem_shared>>) dst(%arg12 : memref<640xf32, #tpu.memory_space<vmem>>)
      tpu.yield
    }) : () -> ()
    %mul3A_35 = arith.constant 640 : i32
    %mul3A_36 = arith.muli %arg1, %mul3A_35 : i32
    %run_scoped3A = arith.constant 0 : i32
    "tpu.region"() ({
      %run_scoped3A_42 = tpu.sem_alloc : memref<!tpu.dma_semaphore, #tpu.memory_space<semaphore_mem>>
      %dma_start3A = tpu.memref_slice %arg4[%arg0, %run_scoped3A, %mul3A_36] : memref<2x2x10240xf32, #tpu.memory_space<hbm>> -> memref<1x1x640xf32, #tpu.memory_space<hbm>>
      %dma_start3A_43 = tpu.memref_squeeze %dma_start3A : memref<1x1x640xf32, #tpu.memory_space<hbm>> -> memref<640xf32, #tpu.memory_space<hbm>>
      %dma_start3A_44 = tpu.memref_slice %arg4[%arg0, %run_scoped3A, %mul3A_36] : memref<2x2x10240xf32, #tpu.memory_space<hbm>> -> memref<1x1x640xf32, #tpu.memory_space<hbm>>
      %dma_start3A_45 = tpu.memref_squeeze %dma_start3A_44 : memref<1x1x640xf32, #tpu.memory_space<hbm>> -> memref<640xf32, #tpu.memory_space<hbm>>
      tpu.enqueue_dma source(%arg12 : memref<640xf32, #tpu.memory_space<vmem>>) target(%dma_start3A_45 : memref<640xf32, #tpu.memory_space<hbm>>) target_semaphore(%run_scoped3A_42 : memref<!tpu.dma_semaphore, #tpu.memory_space<semaphore_mem>>)
      %dma_wait3A_46 = tpu.memref_slice %arg4[%arg0, %run_scoped3A, %mul3A_36] : memref<2x2x10240xf32, #tpu.memory_space<hbm>> -> memref<1x1x640xf32, #tpu.memory_space<hbm>>
      %dma_wait3A_47 = tpu.memref_squeeze %dma_wait3A_46 : memref<1x1x640xf32, #tpu.memory_space<hbm>> -> memref<640xf32, #tpu.memory_space<hbm>>
      %dma_wait3A_48 = tpu.memref_slice %arg4[%arg0, %run_scoped3A, %mul3A_36] : memref<2x2x10240xf32, #tpu.memory_space<hbm>> -> memref<1x1x640xf32, #tpu.memory_space<hbm>>
      %dma_wait3A_49 = tpu.memref_squeeze %dma_wait3A_48 : memref<1x1x640xf32, #tpu.memory_space<hbm>> -> memref<640xf32, #tpu.memory_space<hbm>>
      tpu.wait_dma2 semaphore(%run_scoped3A_42 : memref<!tpu.dma_semaphore, #tpu.memory_space<semaphore_mem>>) src(%arg12 : memref<640xf32, #tpu.memory_space<vmem>>) dst(%dma_wait3A_49 : memref<640xf32, #tpu.memory_space<hbm>>)
      tpu.yield
    }) : () -> ()
    %mul3A_37 = arith.constant 640 : i32
    %mul3A_38 = arith.muli %arg1, %mul3A_37 : i32
    "tpu.region"() ({
      %run_scoped3A_42 = tpu.sem_alloc : memref<!tpu.dma_semaphore, #tpu.memory_space<semaphore_mem>>
      %dma_start3A = tpu.memref_slice %arg6[%mul3A_38] : memref<10240xf32, #tpu.memory_space<vmem_shared>> -> memref<640xf32, #tpu.memory_space<vmem_shared>>
      %dma_start3A_43 = tpu.memref_slice %arg6[%mul3A_38] : memref<10240xf32, #tpu.memory_space<vmem_shared>> -> memref<640xf32, #tpu.memory_space<vmem_shared>>
      tpu.enqueue_dma source(%dma_start3A_43 : memref<640xf32, #tpu.memory_space<vmem_shared>>) target(%arg12 : memref<640xf32, #tpu.memory_space<vmem>>) target_semaphore(%run_scoped3A_42 : memref<!tpu.dma_semaphore, #tpu.memory_space<semaphore_mem>>)
      %dma_wait3A_44 = tpu.memref_slice %arg6[%mul3A_38] : memref<10240xf32, #tpu.memory_space<vmem_shared>> -> memref<640xf32, #tpu.memory_space<vmem_shared>>
      %dma_wait3A_45 = tpu.memref_slice %arg6[%mul3A_38] : memref<10240xf32, #tpu.memory_space<vmem_shared>> -> memref<640xf32, #tpu.memory_space<vmem_shared>>
      tpu.wait_dma2 semaphore(%run_scoped3A_42 : memref<!tpu.dma_semaphore, #tpu.memory_space<semaphore_mem>>) src(%dma_wait3A_45 : memref<640xf32, #tpu.memory_space<vmem_shared>>) dst(%arg12 : memref<640xf32, #tpu.memory_space<vmem>>)
      tpu.yield
    }) : () -> ()
    %mul3A_39 = arith.constant 640 : i32
    %mul3A_40 = arith.muli %arg1, %mul3A_39 : i32
    %run_scoped3A_41 = arith.constant 1 : i32
    "tpu.region"() ({
      %run_scoped3A_42 = tpu.sem_alloc : memref<!tpu.dma_semaphore, #tpu.memory_space<semaphore_mem>>
      %dma_start3A = tpu.memref_slice %arg4[%arg0, %run_scoped3A_41, %mul3A_40] : memref<2x2x10240xf32, #tpu.memory_space<hbm>> -> memref<1x1x640xf32, #tpu.memory_space<hbm>>
      %dma_start3A_43 = tpu.memref_squeeze %dma_start3A : memref<1x1x640xf32, #tpu.memory_space<hbm>> -> memref<640xf32, #tpu.memory_space<hbm>>
      %dma_start3A_44 = tpu.memref_slice %arg4[%arg0, %run_scoped3A_41, %mul3A_40] : memref<2x2x10240xf32, #tpu.memory_space<hbm>> -> memref<1x1x640xf32, #tpu.memory_space<hbm>>
      %dma_start3A_45 = tpu.memref_squeeze %dma_start3A_44 : memref<1x1x640xf32, #tpu.memory_space<hbm>> -> memref<640xf32, #tpu.memory_space<hbm>>
      tpu.enqueue_dma source(%arg12 : memref<640xf32, #tpu.memory_space<vmem>>) target(%dma_start3A_45 : memref<640xf32, #tpu.memory_space<hbm>>) target_semaphore(%run_scoped3A_42 : memref<!tpu.dma_semaphore, #tpu.memory_space<semaphore_mem>>)
      %dma_wait3A_46 = tpu.memref_slice %arg4[%arg0, %run_scoped3A_41, %mul3A_40] : memref<2x2x10240xf32, #tpu.memory_space<hbm>> -> memref<1x1x640xf32, #tpu.memory_space<hbm>>
      %dma_wait3A_47 = tpu.memref_squeeze %dma_wait3A_46 : memref<1x1x640xf32, #tpu.memory_space<hbm>> -> memref<640xf32, #tpu.memory_space<hbm>>
      %dma_wait3A_48 = tpu.memref_slice %arg4[%arg0, %run_scoped3A_41, %mul3A_40] : memref<2x2x10240xf32, #tpu.memory_space<hbm>> -> memref<1x1x640xf32, #tpu.memory_space<hbm>>
      %dma_wait3A_49 = tpu.memref_squeeze %dma_wait3A_48 : memref<1x1x640xf32, #tpu.memory_space<hbm>> -> memref<640xf32, #tpu.memory_space<hbm>>
      tpu.wait_dma2 semaphore(%run_scoped3A_42 : memref<!tpu.dma_semaphore, #tpu.memory_space<semaphore_mem>>) src(%arg12 : memref<640xf32, #tpu.memory_space<vmem>>) dst(%dma_wait3A_49 : memref<640xf32, #tpu.memory_space<hbm>>)
      tpu.yield
    }) : () -> ()
    return
  }
}

#map = affine_map<(d0, d1) -> (0, 0)>
#map1 = affine_map<(d0, d1) -> (0, 0, 0)>
module attributes {stable_mosaic.version = 14 : i64} {
  func.func @_agg_kernel(%arg0: i32, %arg1: i32, %arg2: memref<10240x128xf32, #tpu.memory_space<hbm>>, %arg3: memref<2560x2x128xi32, #tpu.memory_space<hbm>>, %arg4: memref<2x10240x128xf32, #tpu.memory_space<hbm>>, %arg5: memref<10240x128xf32, #tpu.memory_space<vmem_shared>>, %arg6: memref<2x128xi32, #tpu.memory_space<vmem>>, %arg7: memref<2x128xi32, #tpu.memory_space<vmem>>, %arg8: memref<128xi32, #tpu.memory_space<vmem>>, %arg9: memref<128xi32, #tpu.memory_space<vmem>>, %arg10: memref<2x128x128xf32, #tpu.memory_space<vmem>>, %arg11: memref<16x128xf32, #tpu.memory_space<vmem>>, %arg12: memref<!tpu.dma_semaphore, #tpu.memory_space<semaphore_mem>>, %arg13: memref<!tpu.dma_semaphore, #tpu.memory_space<semaphore_mem>>, %arg14: memref<!tpu.dma_semaphore, #tpu.memory_space<semaphore_mem>>, %arg15: memref<!tpu.dma_semaphore, #tpu.memory_space<semaphore_mem>>) attributes {dimension_semantics = [#tpu.dimension_semantics<core_parallel>, #tpu.dimension_semantics<subcore_parallel>], iteration_bounds = array<i64: 2, 16>, scalar_prefetch = 0 : i64, scratch_operands = 11 : i64, tpu.core_type = #tpu.core_type<sc_vector_subcore>, window_params = [{transform_indices = #map}, {transform_indices = #map1}, {transform_indices = #map1}]} {
    %mul3A = arith.constant 16 : i32
    %mul3A_0 = arith.muli %arg0, %mul3A : i32
    %add3A = arith.addi %mul3A_0, %arg1 : i32
    %scan3A = arith.constant 0 : i32
    %scan3A_1 = arith.constant 0 : i32
    %scan3A_2 = arith.constant 16 : i32
    %scan3A_3 = arith.addi %scan3A_1, %scan3A_2 : i32
    %scan3A_4 = arith.constant 1 : i32
    %scan3A_5 = scf.for %scan3A_41 = %scan3A_1 to %scan3A_3 step %scan3A_4 iter_args(%scan3A_42 = %scan3A) -> (i32)  : i32 {
      %broadcast_in_dim3A = arith.constant 0.000000e+00 : f32
      %broadcast_in_dim3A_43 = vector.broadcast %broadcast_in_dim3A : f32 to vector<16xf32>
      %swap3A = arith.index_cast %scan3A_41 : i32 to index
      %swap3A_44 = arith.constant 0 : index
      %swap3A_45 = tpu.vector_load %arg11[%swap3A, %swap3A_44] {strides = array<i32>} : memref<16x128xf32, #tpu.memory_space<vmem>>, vector<1x16xf32>,
      %swap3A_46 = vector.shape_cast %swap3A_45 : vector<1x16xf32> to vector<16xf32>
      %swap3A_47 = vector.shape_cast %broadcast_in_dim3A_43 : vector<16xf32> to vector<1x16xf32>
      tpu.vector_store %arg11[%swap3A, %swap3A_44], %swap3A_47 {strides = array<i32>} : memref<16x128xf32, #tpu.memory_space<vmem>>, vector<1x16xf32>,
      %broadcast_in_dim3A_48 = arith.constant 0.000000e+00 : f32
      %broadcast_in_dim3A_49 = vector.broadcast %broadcast_in_dim3A_48 : f32 to vector<16xf32>
      %swap3A_50 = arith.index_cast %scan3A_41 : i32 to index
      %swap3A_51 = arith.constant 16 : index
      %swap3A_52 = tpu.vector_load %arg11[%swap3A_50, %swap3A_51] {strides = array<i32>} : memref<16x128xf32, #tpu.memory_space<vmem>>, vector<1x16xf32>,
      %swap3A_53 = vector.shape_cast %swap3A_52 : vector<1x16xf32> to vector<16xf32>
      %swap3A_54 = vector.shape_cast %broadcast_in_dim3A_49 : vector<16xf32> to vector<1x16xf32>
      tpu.vector_store %arg11[%swap3A_50, %swap3A_51], %swap3A_54 {strides = array<i32>} : memref<16x128xf32, #tpu.memory_space<vmem>>, vector<1x16xf32>,
      %broadcast_in_dim3A_55 = arith.constant 0.000000e+00 : f32
      %broadcast_in_dim3A_56 = vector.broadcast %broadcast_in_dim3A_55 : f32 to vector<16xf32>
      %swap3A_57 = arith.index_cast %scan3A_41 : i32 to index
      %swap3A_58 = arith.constant 32 : index
      %swap3A_59 = tpu.vector_load %arg11[%swap3A_57, %swap3A_58] {strides = array<i32>} : memref<16x128xf32, #tpu.memory_space<vmem>>, vector<1x16xf32>,
      %swap3A_60 = vector.shape_cast %swap3A_59 : vector<1x16xf32> to vector<16xf32>
      %swap3A_61 = vector.shape_cast %broadcast_in_dim3A_56 : vector<16xf32> to vector<1x16xf32>
      tpu.vector_store %arg11[%swap3A_57, %swap3A_58], %swap3A_61 {strides = array<i32>} : memref<16x128xf32, #tpu.memory_space<vmem>>, vector<1x16xf32>,
      %broadcast_in_dim3A_62 = arith.constant 0.000000e+00 : f32
      %broadcast_in_dim3A_63 = vector.broadcast %broadcast_in_dim3A_62 : f32 to vector<16xf32>
      %swap3A_64 = arith.index_cast %scan3A_41 : i32 to index
      %swap3A_65 = arith.constant 48 : index
      %swap3A_66 = tpu.vector_load %arg11[%swap3A_64, %swap3A_65] {strides = array<i32>} : memref<16x128xf32, #tpu.memory_space<vmem>>, vector<1x16xf32>,
      %swap3A_67 = vector.shape_cast %swap3A_66 : vector<1x16xf32> to vector<16xf32>
      %swap3A_68 = vector.shape_cast %broadcast_in_dim3A_63 : vector<16xf32> to vector<1x16xf32>
      tpu.vector_store %arg11[%swap3A_64, %swap3A_65], %swap3A_68 {strides = array<i32>} : memref<16x128xf32, #tpu.memory_space<vmem>>, vector<1x16xf32>,
      %broadcast_in_dim3A_69 = arith.constant 0.000000e+00 : f32
      %broadcast_in_dim3A_70 = vector.broadcast %broadcast_in_dim3A_69 : f32 to vector<16xf32>
      %swap3A_71 = arith.index_cast %scan3A_41 : i32 to index
      %swap3A_72 = arith.constant 64 : index
      %swap3A_73 = tpu.vector_load %arg11[%swap3A_71, %swap3A_72] {strides = array<i32>} : memref<16x128xf32, #tpu.memory_space<vmem>>, vector<1x16xf32>,
      %swap3A_74 = vector.shape_cast %swap3A_73 : vector<1x16xf32> to vector<16xf32>
      %swap3A_75 = vector.shape_cast %broadcast_in_dim3A_70 : vector<16xf32> to vector<1x16xf32>
      tpu.vector_store %arg11[%swap3A_71, %swap3A_72], %swap3A_75 {strides = array<i32>} : memref<16x128xf32, #tpu.memory_space<vmem>>, vector<1x16xf32>,
      %broadcast_in_dim3A_76 = arith.constant 0.000000e+00 : f32
      %broadcast_in_dim3A_77 = vector.broadcast %broadcast_in_dim3A_76 : f32 to vector<16xf32>
      %swap3A_78 = arith.index_cast %scan3A_41 : i32 to index
      %swap3A_79 = arith.constant 80 : index
      %swap3A_80 = tpu.vector_load %arg11[%swap3A_78, %swap3A_79] {strides = array<i32>} : memref<16x128xf32, #tpu.memory_space<vmem>>, vector<1x16xf32>,
      %swap3A_81 = vector.shape_cast %swap3A_80 : vector<1x16xf32> to vector<16xf32>
      %swap3A_82 = vector.shape_cast %broadcast_in_dim3A_77 : vector<16xf32> to vector<1x16xf32>
      tpu.vector_store %arg11[%swap3A_78, %swap3A_79], %swap3A_82 {strides = array<i32>} : memref<16x128xf32, #tpu.memory_space<vmem>>, vector<1x16xf32>,
      %broadcast_in_dim3A_83 = arith.constant 0.000000e+00 : f32
      %broadcast_in_dim3A_84 = vector.broadcast %broadcast_in_dim3A_83 : f32 to vector<16xf32>
      %swap3A_85 = arith.index_cast %scan3A_41 : i32 to index
      %swap3A_86 = arith.constant 96 : index
      %swap3A_87 = tpu.vector_load %arg11[%swap3A_85, %swap3A_86] {strides = array<i32>} : memref<16x128xf32, #tpu.memory_space<vmem>>, vector<1x16xf32>,
      %swap3A_88 = vector.shape_cast %swap3A_87 : vector<1x16xf32> to vector<16xf32>
      %swap3A_89 = vector.shape_cast %broadcast_in_dim3A_84 : vector<16xf32> to vector<1x16xf32>
      tpu.vector_store %arg11[%swap3A_85, %swap3A_86], %swap3A_89 {strides = array<i32>} : memref<16x128xf32, #tpu.memory_space<vmem>>, vector<1x16xf32>,
      %broadcast_in_dim3A_90 = arith.constant 0.000000e+00 : f32
      %broadcast_in_dim3A_91 = vector.broadcast %broadcast_in_dim3A_90 : f32 to vector<16xf32>
      %swap3A_92 = arith.index_cast %scan3A_41 : i32 to index
      %swap3A_93 = arith.constant 112 : index
      %swap3A_94 = tpu.vector_load %arg11[%swap3A_92, %swap3A_93] {strides = array<i32>} : memref<16x128xf32, #tpu.memory_space<vmem>>, vector<1x16xf32>,
      %swap3A_95 = vector.shape_cast %swap3A_94 : vector<1x16xf32> to vector<16xf32>
      %swap3A_96 = vector.shape_cast %broadcast_in_dim3A_91 : vector<16xf32> to vector<1x16xf32>
      tpu.vector_store %arg11[%swap3A_92, %swap3A_93], %swap3A_96 {strides = array<i32>} : memref<16x128xf32, #tpu.memory_space<vmem>>, vector<1x16xf32>,
      %scan3A_97 = arith.constant 0 : i32
      scf.yield %scan3A_97 : i32
    }
    %scan3A_6 = arith.constant 16 : i32
    %scan3A_7 = arith.constant 0 : i32
    %scan3A_8 = arith.constant 0 : i32
    %scan3A_9 = arith.constant 40 : i32
    %scan3A_10 = arith.addi %scan3A_8, %scan3A_9 : i32
    %scan3A_11 = arith.constant 1 : i32
    %scan3A_12 = scf.for %scan3A_41 = %scan3A_8 to %scan3A_10 step %scan3A_11 iter_args(%scan3A_42 = %scan3A_7) -> (i32)  : i32 {
      %mul3A_43 = arith.constant 640 : i32
      %mul3A_44 = arith.muli %arg1, %mul3A_43 : i32
      %mul3A_45 = arith.constant 16 : i32
      %mul3A_46 = arith.muli %mul3A_45, %scan3A_41 : i32
      %add3A_47 = arith.addi %mul3A_44, %mul3A_46 : i32
      "tpu.region"() ({
        %run_scoped3A = tpu.sem_alloc : memref<!tpu.dma_semaphore, #tpu.memory_space<semaphore_mem>>
        %dma_start3A = arith.constant 0 : i32
        %dma_start3A_49 = tpu.memref_slice %arg5[%add3A_47, %dma_start3A] : memref<10240x128xf32, #tpu.memory_space<vmem_shared>> -> memref<16x128xf32, #tpu.memory_space<vmem_shared>>
        %dma_start3A_50 = arith.constant 0 : i32
        %dma_start3A_51 = tpu.memref_slice %arg5[%add3A_47, %dma_start3A_50] : memref<10240x128xf32, #tpu.memory_space<vmem_shared>> -> memref<16x128xf32, #tpu.memory_space<vmem_shared>>
        tpu.enqueue_dma source(%arg11 : memref<16x128xf32, #tpu.memory_space<vmem>>) target(%dma_start3A_51 : memref<16x128xf32, #tpu.memory_space<vmem_shared>>) target_semaphore(%run_scoped3A : memref<!tpu.dma_semaphore, #tpu.memory_space<semaphore_mem>>)
        %dma_wait3A_52 = arith.constant 0 : i32
        %dma_wait3A_53 = tpu.memref_slice %arg5[%add3A_47, %dma_wait3A_52] : memref<10240x128xf32, #tpu.memory_space<vmem_shared>> -> memref<16x128xf32, #tpu.memory_space<vmem_shared>>
        %dma_wait3A_54 = arith.constant 0 : i32
        %dma_wait3A_55 = tpu.memref_slice %arg5[%add3A_47, %dma_wait3A_54] : memref<10240x128xf32, #tpu.memory_space<vmem_shared>> -> memref<16x128xf32, #tpu.memory_space<vmem_shared>>
        tpu.wait_dma2 semaphore(%run_scoped3A : memref<!tpu.dma_semaphore, #tpu.memory_space<semaphore_mem>>) src(%arg11 : memref<16x128xf32, #tpu.memory_space<vmem>>) dst(%dma_wait3A_55 : memref<16x128xf32, #tpu.memory_space<vmem_shared>>)
        tpu.yield
      }) : () -> ()
      %scan3A_48 = arith.constant 0 : i32
      scf.yield %scan3A_48 : i32
    }
    %scan3A_13 = arith.constant 40 : i32
    %barrier3A = arith.constant 0 : index
    tpu.barrier barrier_id(%barrier3A)
    %scan3A_14 = arith.constant 0 : i32
    %scan3A_15 = arith.constant 0 : i32
    %scan3A_16 = arith.constant 40 : i32
    %scan3A_17 = arith.addi %scan3A_15, %scan3A_16 : i32
    %scan3A_18 = arith.constant 1 : i32
    %scan3A_19 = scf.for %scan3A_41 = %scan3A_15 to %scan3A_17 step %scan3A_18 iter_args(%scan3A_42 = %scan3A_14) -> (i32)  : i32 {
      %mul3A_43 = arith.constant 80 : i32
      %mul3A_44 = arith.muli %add3A, %mul3A_43 : i32
      %mul3A_45 = arith.constant 2 : i32
      %mul3A_46 = arith.muli %mul3A_45, %scan3A_41 : i32
      %add3A_47 = arith.addi %mul3A_44, %mul3A_46 : i32
      %add3A_48 = arith.constant 0 : i32
      %add3A_49 = arith.addi %add3A_47, %add3A_48 : i32
      %gt3A = arith.constant 0 : i32
      %gt3A_50 = arith.cmpi sgt, %scan3A_41, %gt3A : i32
      %convert_element_type3A = arith.extui %gt3A_50 : i1 to i32
      %cond3A = arith.constant 0 : i32
      %cond3A_51 = arith.cmpi ne, %convert_element_type3A, %cond3A : i32
      scf.if %cond3A_51 {
        %dma_wait3A_270 = arith.constant 0 : i32
        %dma_wait3A_271 = arith.constant 0 : i32
        %dma_wait3A_272 = arith.constant 0 : i32
        %dma_wait3A_273 = tpu.memref_slice %arg10[%dma_wait3A_270, %dma_wait3A_271, %dma_wait3A_272] : memref<2x128x128xf32, #tpu.memory_space<vmem>> -> memref<1x128x128xf32, #tpu.memory_space<vmem>>
        %dma_wait3A_274 = tpu.memref_squeeze %dma_wait3A_273 : memref<1x128x128xf32, #tpu.memory_space<vmem>> -> memref<128x128xf32, #tpu.memory_space<vmem>>
        %dma_wait3A_275 = arith.constant 0 : i32
        %dma_wait3A_276 = arith.constant 0 : i32
        %dma_wait3A_277 = tpu.memref_slice %arg5[%dma_wait3A_275, %dma_wait3A_276] : memref<10240x128xf32, #tpu.memory_space<vmem_shared>> -> memref<10240x128xf32, #tpu.memory_space<vmem_shared>>
        tpu.wait_indirect_dma semaphore(%arg14 : memref<!tpu.dma_semaphore, #tpu.memory_space<semaphore_mem>>) src(%dma_wait3A_274 : memref<128x128xf32, #tpu.memory_space<vmem>>) dst(%dma_wait3A_277 : memref<10240x128xf32, #tpu.memory_space<vmem_shared>>)
      } else {
      }
      "tpu.region"() ({
        %run_scoped3A = tpu.sem_alloc : memref<!tpu.dma_semaphore, #tpu.memory_space<semaphore_mem>>
        %dma_start3A_270 = arith.constant 0 : i32
        %dma_start3A_271 = arith.constant 0 : i32
        %dma_start3A_272 = tpu.memref_slice %arg3[%add3A_49, %dma_start3A_270, %dma_start3A_271] : memref<2560x2x128xi32, #tpu.memory_space<hbm>> -> memref<1x2x128xi32, #tpu.memory_space<hbm>>
        %dma_start3A_273 = tpu.memref_squeeze %dma_start3A_272 : memref<1x2x128xi32, #tpu.memory_space<hbm>> -> memref<2x128xi32, #tpu.memory_space<hbm>>
        %dma_start3A_274 = arith.constant 0 : i32
        %dma_start3A_275 = arith.constant 0 : i32
        %dma_start3A_276 = tpu.memref_slice %arg3[%add3A_49, %dma_start3A_274, %dma_start3A_275] : memref<2560x2x128xi32, #tpu.memory_space<hbm>> -> memref<1x2x128xi32, #tpu.memory_space<hbm>>
        %dma_start3A_277 = tpu.memref_squeeze %dma_start3A_276 : memref<1x2x128xi32, #tpu.memory_space<hbm>> -> memref<2x128xi32, #tpu.memory_space<hbm>>
        tpu.enqueue_dma source(%dma_start3A_277 : memref<2x128xi32, #tpu.memory_space<hbm>>) target(%arg6 : memref<2x128xi32, #tpu.memory_space<vmem>>) target_semaphore(%run_scoped3A : memref<!tpu.dma_semaphore, #tpu.memory_space<semaphore_mem>>)
        %dma_wait3A_278 = arith.constant 0 : i32
        %dma_wait3A_279 = arith.constant 0 : i32
        %dma_wait3A_280 = tpu.memref_slice %arg3[%add3A_49, %dma_wait3A_278, %dma_wait3A_279] : memref<2560x2x128xi32, #tpu.memory_space<hbm>> -> memref<1x2x128xi32, #tpu.memory_space<hbm>>
        %dma_wait3A_281 = tpu.memref_squeeze %dma_wait3A_280 : memref<1x2x128xi32, #tpu.memory_space<hbm>> -> memref<2x128xi32, #tpu.memory_space<hbm>>
        %dma_wait3A_282 = arith.constant 0 : i32
        %dma_wait3A_283 = arith.constant 0 : i32
        %dma_wait3A_284 = tpu.memref_slice %arg3[%add3A_49, %dma_wait3A_282, %dma_wait3A_283] : memref<2560x2x128xi32, #tpu.memory_space<hbm>> -> memref<1x2x128xi32, #tpu.memory_space<hbm>>
        %dma_wait3A_285 = tpu.memref_squeeze %dma_wait3A_284 : memref<1x2x128xi32, #tpu.memory_space<hbm>> -> memref<2x128xi32, #tpu.memory_space<hbm>>
        tpu.wait_dma2 semaphore(%run_scoped3A : memref<!tpu.dma_semaphore, #tpu.memory_space<semaphore_mem>>) src(%dma_wait3A_285 : memref<2x128xi32, #tpu.memory_space<hbm>>) dst(%arg6 : memref<2x128xi32, #tpu.memory_space<vmem>>)
        tpu.yield
      }) : () -> ()
      %dma_start3A = arith.constant 0 : i32
      %dma_start3A_52 = arith.constant 0 : i32
      %dma_start3A_53 = arith.constant 0 : i32
      %dma_start3A_54 = arith.constant 0 : i32
      %dma_start3A_55 = tpu.memref_slice %arg10[%dma_start3A_52, %dma_start3A_53, %dma_start3A_54] : memref<2x128x128xf32, #tpu.memory_space<vmem>> -> memref<1x128x128xf32, #tpu.memory_space<vmem>>
      %dma_start3A_56 = tpu.memref_squeeze %dma_start3A_55 : memref<1x128x128xf32, #tpu.memory_space<vmem>> -> memref<128x128xf32, #tpu.memory_space<vmem>>
      %dma_start3A_57 = arith.constant 0 : i32
      %dma_start3A_58 = tpu.memref_slice %arg6[%dma_start3A, %dma_start3A_57] : memref<2x128xi32, #tpu.memory_space<vmem>> -> memref<1x128xi32, #tpu.memory_space<vmem>>
      %dma_start3A_59 = tpu.memref_squeeze %dma_start3A_58 : memref<1x128xi32, #tpu.memory_space<vmem>> -> memref<128xi32, #tpu.memory_space<vmem>>
      %dma_start3A_60 = arith.constant 0 : i32
      %dma_start3A_61 = arith.constant 0 : i32
      %dma_start3A_62 = tpu.memref_slice %arg2[%dma_start3A_60, %dma_start3A_61] : memref<10240x128xf32, #tpu.memory_space<hbm>> -> memref<10240x128xf32, #tpu.memory_space<hbm>>
      tpu.enqueue_indirect_dma source(%dma_start3A_62 : memref<10240x128xf32, #tpu.memory_space<hbm>>) target(%dma_start3A_56 : memref<128x128xf32, #tpu.memory_space<vmem>>) offsets(%dma_start3A_59 : memref<128xi32, #tpu.memory_space<vmem>>) semaphore(%arg12 : memref<!tpu.dma_semaphore, #tpu.memory_space<semaphore_mem>>)
      %get3A = arith.constant 1 : i32
      %get3A_63 = arith.index_cast %get3A : i32 to index
      %get3A_64 = arith.constant 0 : index
      %get3A_65 = tpu.vector_load %arg6[%get3A_63, %get3A_64] {strides = array<i32>} : memref<2x128xi32, #tpu.memory_space<vmem>>, vector<1x16xi32>,
      %get3A_66 = vector.shape_cast %get3A_65 : vector<1x16xi32> to vector<16xi32>
      %swap3A = arith.constant 0 : index
      %swap3A_67 = tpu.vector_load %arg8[%swap3A] {strides = array<i32>} : memref<128xi32, #tpu.memory_space<vmem>>, vector<16xi32>,
      %swap3A_68 = vector.shape_cast %swap3A_67 : vector<16xi32> to vector<16xi32>
      %swap3A_69 = vector.shape_cast %get3A_66 : vector<16xi32> to vector<16xi32>
      tpu.vector_store %arg8[%swap3A], %swap3A_69 {strides = array<i32>} : memref<128xi32, #tpu.memory_space<vmem>>, vector<16xi32>,
      %get3A_70 = arith.constant 1 : i32
      %get3A_71 = arith.index_cast %get3A_70 : i32 to index
      %get3A_72 = arith.constant 16 : index
      %get3A_73 = tpu.vector_load %arg6[%get3A_71, %get3A_72] {strides = array<i32>} : memref<2x128xi32, #tpu.memory_space<vmem>>, vector<1x16xi32>,
      %get3A_74 = vector.shape_cast %get3A_73 : vector<1x16xi32> to vector<16xi32>
      %swap3A_75 = arith.constant 16 : index
      %swap3A_76 = tpu.vector_load %arg8[%swap3A_75] {strides = array<i32>} : memref<128xi32, #tpu.memory_space<vmem>>, vector<16xi32>,
      %swap3A_77 = vector.shape_cast %swap3A_76 : vector<16xi32> to vector<16xi32>
      %swap3A_78 = vector.shape_cast %get3A_74 : vector<16xi32> to vector<16xi32>
      tpu.vector_store %arg8[%swap3A_75], %swap3A_78 {strides = array<i32>} : memref<128xi32, #tpu.memory_space<vmem>>, vector<16xi32>,
      %get3A_79 = arith.constant 1 : i32
      %get3A_80 = arith.index_cast %get3A_79 : i32 to index
      %get3A_81 = arith.constant 32 : index
      %get3A_82 = tpu.vector_load %arg6[%get3A_80, %get3A_81] {strides = array<i32>} : memref<2x128xi32, #tpu.memory_space<vmem>>, vector<1x16xi32>,
      %get3A_83 = vector.shape_cast %get3A_82 : vector<1x16xi32> to vector<16xi32>
      %swap3A_84 = arith.constant 32 : index
      %swap3A_85 = tpu.vector_load %arg8[%swap3A_84] {strides = array<i32>} : memref<128xi32, #tpu.memory_space<vmem>>, vector<16xi32>,
      %swap3A_86 = vector.shape_cast %swap3A_85 : vector<16xi32> to vector<16xi32>
      %swap3A_87 = vector.shape_cast %get3A_83 : vector<16xi32> to vector<16xi32>
      tpu.vector_store %arg8[%swap3A_84], %swap3A_87 {strides = array<i32>} : memref<128xi32, #tpu.memory_space<vmem>>, vector<16xi32>,
      %get3A_88 = arith.constant 1 : i32
      %get3A_89 = arith.index_cast %get3A_88 : i32 to index
      %get3A_90 = arith.constant 48 : index
      %get3A_91 = tpu.vector_load %arg6[%get3A_89, %get3A_90] {strides = array<i32>} : memref<2x128xi32, #tpu.memory_space<vmem>>, vector<1x16xi32>,
      %get3A_92 = vector.shape_cast %get3A_91 : vector<1x16xi32> to vector<16xi32>
      %swap3A_93 = arith.constant 48 : index
      %swap3A_94 = tpu.vector_load %arg8[%swap3A_93] {strides = array<i32>} : memref<128xi32, #tpu.memory_space<vmem>>, vector<16xi32>,
      %swap3A_95 = vector.shape_cast %swap3A_94 : vector<16xi32> to vector<16xi32>
      %swap3A_96 = vector.shape_cast %get3A_92 : vector<16xi32> to vector<16xi32>
      tpu.vector_store %arg8[%swap3A_93], %swap3A_96 {strides = array<i32>} : memref<128xi32, #tpu.memory_space<vmem>>, vector<16xi32>,
      %get3A_97 = arith.constant 1 : i32
      %get3A_98 = arith.index_cast %get3A_97 : i32 to index
      %get3A_99 = arith.constant 64 : index
      %get3A_100 = tpu.vector_load %arg6[%get3A_98, %get3A_99] {strides = array<i32>} : memref<2x128xi32, #tpu.memory_space<vmem>>, vector<1x16xi32>,
      %get3A_101 = vector.shape_cast %get3A_100 : vector<1x16xi32> to vector<16xi32>
      %swap3A_102 = arith.constant 64 : index
      %swap3A_103 = tpu.vector_load %arg8[%swap3A_102] {strides = array<i32>} : memref<128xi32, #tpu.memory_space<vmem>>, vector<16xi32>,
      %swap3A_104 = vector.shape_cast %swap3A_103 : vector<16xi32> to vector<16xi32>
      %swap3A_105 = vector.shape_cast %get3A_101 : vector<16xi32> to vector<16xi32>
      tpu.vector_store %arg8[%swap3A_102], %swap3A_105 {strides = array<i32>} : memref<128xi32, #tpu.memory_space<vmem>>, vector<16xi32>,
      %get3A_106 = arith.constant 1 : i32
      %get3A_107 = arith.index_cast %get3A_106 : i32 to index
      %get3A_108 = arith.constant 80 : index
      %get3A_109 = tpu.vector_load %arg6[%get3A_107, %get3A_108] {strides = array<i32>} : memref<2x128xi32, #tpu.memory_space<vmem>>, vector<1x16xi32>,
      %get3A_110 = vector.shape_cast %get3A_109 : vector<1x16xi32> to vector<16xi32>
      %swap3A_111 = arith.constant 80 : index
      %swap3A_112 = tpu.vector_load %arg8[%swap3A_111] {strides = array<i32>} : memref<128xi32, #tpu.memory_space<vmem>>, vector<16xi32>,
      %swap3A_113 = vector.shape_cast %swap3A_112 : vector<16xi32> to vector<16xi32>
      %swap3A_114 = vector.shape_cast %get3A_110 : vector<16xi32> to vector<16xi32>
      tpu.vector_store %arg8[%swap3A_111], %swap3A_114 {strides = array<i32>} : memref<128xi32, #tpu.memory_space<vmem>>, vector<16xi32>,
      %get3A_115 = arith.constant 1 : i32
      %get3A_116 = arith.index_cast %get3A_115 : i32 to index
      %get3A_117 = arith.constant 96 : index
      %get3A_118 = tpu.vector_load %arg6[%get3A_116, %get3A_117] {strides = array<i32>} : memref<2x128xi32, #tpu.memory_space<vmem>>, vector<1x16xi32>,
      %get3A_119 = vector.shape_cast %get3A_118 : vector<1x16xi32> to vector<16xi32>
      %swap3A_120 = arith.constant 96 : index
      %swap3A_121 = tpu.vector_load %arg8[%swap3A_120] {strides = array<i32>} : memref<128xi32, #tpu.memory_space<vmem>>, vector<16xi32>,
      %swap3A_122 = vector.shape_cast %swap3A_121 : vector<16xi32> to vector<16xi32>
      %swap3A_123 = vector.shape_cast %get3A_119 : vector<16xi32> to vector<16xi32>
      tpu.vector_store %arg8[%swap3A_120], %swap3A_123 {strides = array<i32>} : memref<128xi32, #tpu.memory_space<vmem>>, vector<16xi32>,
      %get3A_124 = arith.constant 1 : i32
      %get3A_125 = arith.index_cast %get3A_124 : i32 to index
      %get3A_126 = arith.constant 112 : index
      %get3A_127 = tpu.vector_load %arg6[%get3A_125, %get3A_126] {strides = array<i32>} : memref<2x128xi32, #tpu.memory_space<vmem>>, vector<1x16xi32>,
      %get3A_128 = vector.shape_cast %get3A_127 : vector<1x16xi32> to vector<16xi32>
      %swap3A_129 = arith.constant 112 : index
      %swap3A_130 = tpu.vector_load %arg8[%swap3A_129] {strides = array<i32>} : memref<128xi32, #tpu.memory_space<vmem>>, vector<16xi32>,
      %swap3A_131 = vector.shape_cast %swap3A_130 : vector<16xi32> to vector<16xi32>
      %swap3A_132 = vector.shape_cast %get3A_128 : vector<16xi32> to vector<16xi32>
      tpu.vector_store %arg8[%swap3A_129], %swap3A_132 {strides = array<i32>} : memref<128xi32, #tpu.memory_space<vmem>>, vector<16xi32>,
      %mul3A_133 = arith.constant 80 : i32
      %mul3A_134 = arith.muli %add3A, %mul3A_133 : i32
      %mul3A_135 = arith.constant 2 : i32
      %mul3A_136 = arith.muli %mul3A_135, %scan3A_41 : i32
      %add3A_137 = arith.addi %mul3A_134, %mul3A_136 : i32
      %add3A_138 = arith.constant 1 : i32
      %add3A_139 = arith.addi %add3A_137, %add3A_138 : i32
      %gt3A_140 = arith.constant 0 : i32
      %gt3A_141 = arith.cmpi sgt, %scan3A_41, %gt3A_140 : i32
      %convert_element_type3A_142 = arith.extui %gt3A_141 : i1 to i32
      %cond3A_143 = arith.constant 0 : i32
      %cond3A_144 = arith.cmpi ne, %convert_element_type3A_142, %cond3A_143 : i32
      scf.if %cond3A_144 {
        %dma_wait3A_270 = arith.constant 1 : i32
        %dma_wait3A_271 = arith.constant 0 : i32
        %dma_wait3A_272 = arith.constant 0 : i32
        %dma_wait3A_273 = tpu.memref_slice %arg10[%dma_wait3A_270, %dma_wait3A_271, %dma_wait3A_272] : memref<2x128x128xf32, #tpu.memory_space<vmem>> -> memref<1x128x128xf32, #tpu.memory_space<vmem>>
        %dma_wait3A_274 = tpu.memref_squeeze %dma_wait3A_273 : memref<1x128x128xf32, #tpu.memory_space<vmem>> -> memref<128x128xf32, #tpu.memory_space<vmem>>
        %dma_wait3A_275 = arith.constant 0 : i32
        %dma_wait3A_276 = arith.constant 0 : i32
        %dma_wait3A_277 = tpu.memref_slice %arg5[%dma_wait3A_275, %dma_wait3A_276] : memref<10240x128xf32, #tpu.memory_space<vmem_shared>> -> memref<10240x128xf32, #tpu.memory_space<vmem_shared>>
        tpu.wait_indirect_dma semaphore(%arg15 : memref<!tpu.dma_semaphore, #tpu.memory_space<semaphore_mem>>) src(%dma_wait3A_274 : memref<128x128xf32, #tpu.memory_space<vmem>>) dst(%dma_wait3A_277 : memref<10240x128xf32, #tpu.memory_space<vmem_shared>>)
      } else {
      }
      "tpu.region"() ({
        %run_scoped3A = tpu.sem_alloc : memref<!tpu.dma_semaphore, #tpu.memory_space<semaphore_mem>>
        %dma_start3A_270 = arith.constant 0 : i32
        %dma_start3A_271 = arith.constant 0 : i32
        %dma_start3A_272 = tpu.memref_slice %arg3[%add3A_139, %dma_start3A_270, %dma_start3A_271] : memref<2560x2x128xi32, #tpu.memory_space<hbm>> -> memref<1x2x128xi32, #tpu.memory_space<hbm>>
        %dma_start3A_273 = tpu.memref_squeeze %dma_start3A_272 : memref<1x2x128xi32, #tpu.memory_space<hbm>> -> memref<2x128xi32, #tpu.memory_space<hbm>>
        %dma_start3A_274 = arith.constant 0 : i32
        %dma_start3A_275 = arith.constant 0 : i32
        %dma_start3A_276 = tpu.memref_slice %arg3[%add3A_139, %dma_start3A_274, %dma_start3A_275] : memref<2560x2x128xi32, #tpu.memory_space<hbm>> -> memref<1x2x128xi32, #tpu.memory_space<hbm>>
        %dma_start3A_277 = tpu.memref_squeeze %dma_start3A_276 : memref<1x2x128xi32, #tpu.memory_space<hbm>> -> memref<2x128xi32, #tpu.memory_space<hbm>>
        tpu.enqueue_dma source(%dma_start3A_277 : memref<2x128xi32, #tpu.memory_space<hbm>>) target(%arg7 : memref<2x128xi32, #tpu.memory_space<vmem>>) target_semaphore(%run_scoped3A : memref<!tpu.dma_semaphore, #tpu.memory_space<semaphore_mem>>)
        %dma_wait3A_278 = arith.constant 0 : i32
        %dma_wait3A_279 = arith.constant 0 : i32
        %dma_wait3A_280 = tpu.memref_slice %arg3[%add3A_139, %dma_wait3A_278, %dma_wait3A_279] : memref<2560x2x128xi32, #tpu.memory_space<hbm>> -> memref<1x2x128xi32, #tpu.memory_space<hbm>>
        %dma_wait3A_281 = tpu.memref_squeeze %dma_wait3A_280 : memref<1x2x128xi32, #tpu.memory_space<hbm>> -> memref<2x128xi32, #tpu.memory_space<hbm>>
        %dma_wait3A_282 = arith.constant 0 : i32
        %dma_wait3A_283 = arith.constant 0 : i32
        %dma_wait3A_284 = tpu.memref_slice %arg3[%add3A_139, %dma_wait3A_282, %dma_wait3A_283] : memref<2560x2x128xi32, #tpu.memory_space<hbm>> -> memref<1x2x128xi32, #tpu.memory_space<hbm>>
        %dma_wait3A_285 = tpu.memref_squeeze %dma_wait3A_284 : memref<1x2x128xi32, #tpu.memory_space<hbm>> -> memref<2x128xi32, #tpu.memory_space<hbm>>
        tpu.wait_dma2 semaphore(%run_scoped3A : memref<!tpu.dma_semaphore, #tpu.memory_space<semaphore_mem>>) src(%dma_wait3A_285 : memref<2x128xi32, #tpu.memory_space<hbm>>) dst(%arg7 : memref<2x128xi32, #tpu.memory_space<vmem>>)
        tpu.yield
      }) : () -> ()
      %dma_start3A_145 = arith.constant 0 : i32
      %dma_start3A_146 = arith.constant 1 : i32
      %dma_start3A_147 = arith.constant 0 : i32
      %dma_start3A_148 = arith.constant 0 : i32
      %dma_start3A_149 = tpu.memref_slice %arg10[%dma_start3A_146, %dma_start3A_147, %dma_start3A_148] : memref<2x128x128xf32, #tpu.memory_space<vmem>> -> memref<1x128x128xf32, #tpu.memory_space<vmem>>
      %dma_start3A_150 = tpu.memref_squeeze %dma_start3A_149 : memref<1x128x128xf32, #tpu.memory_space<vmem>> -> memref<128x128xf32, #tpu.memory_space<vmem>>
      %dma_start3A_151 = arith.constant 0 : i32
      %dma_start3A_152 = tpu.memref_slice %arg7[%dma_start3A_145, %dma_start3A_151] : memref<2x128xi32, #tpu.memory_space<vmem>> -> memref<1x128xi32, #tpu.memory_space<vmem>>
      %dma_start3A_153 = tpu.memref_squeeze %dma_start3A_152 : memref<1x128xi32, #tpu.memory_space<vmem>> -> memref<128xi32, #tpu.memory_space<vmem>>
      %dma_start3A_154 = arith.constant 0 : i32
      %dma_start3A_155 = arith.constant 0 : i32
      %dma_start3A_156 = tpu.memref_slice %arg2[%dma_start3A_154, %dma_start3A_155] : memref<10240x128xf32, #tpu.memory_space<hbm>> -> memref<10240x128xf32, #tpu.memory_space<hbm>>
      tpu.enqueue_indirect_dma source(%dma_start3A_156 : memref<10240x128xf32, #tpu.memory_space<hbm>>) target(%dma_start3A_150 : memref<128x128xf32, #tpu.memory_space<vmem>>) offsets(%dma_start3A_153 : memref<128xi32, #tpu.memory_space<vmem>>) semaphore(%arg13 : memref<!tpu.dma_semaphore, #tpu.memory_space<semaphore_mem>>)
      %get3A_157 = arith.constant 1 : i32
      %get3A_158 = arith.index_cast %get3A_157 : i32 to index
      %get3A_159 = arith.constant 0 : index
      %get3A_160 = tpu.vector_load %arg7[%get3A_158, %get3A_159] {strides = array<i32>} : memref<2x128xi32, #tpu.memory_space<vmem>>, vector<1x16xi32>,
      %get3A_161 = vector.shape_cast %get3A_160 : vector<1x16xi32> to vector<16xi32>
      %swap3A_162 = arith.constant 0 : index
      %swap3A_163 = tpu.vector_load %arg9[%swap3A_162] {strides = array<i32>} : memref<128xi32, #tpu.memory_space<vmem>>, vector<16xi32>,
      %swap3A_164 = vector.shape_cast %swap3A_163 : vector<16xi32> to vector<16xi32>
      %swap3A_165 = vector.shape_cast %get3A_161 : vector<16xi32> to vector<16xi32>
      tpu.vector_store %arg9[%swap3A_162], %swap3A_165 {strides = array<i32>} : memref<128xi32, #tpu.memory_space<vmem>>, vector<16xi32>,
      %get3A_166 = arith.constant 1 : i32
      %get3A_167 = arith.index_cast %get3A_166 : i32 to index
      %get3A_168 = arith.constant 16 : index
      %get3A_169 = tpu.vector_load %arg7[%get3A_167, %get3A_168] {strides = array<i32>} : memref<2x128xi32, #tpu.memory_space<vmem>>, vector<1x16xi32>,
      %get3A_170 = vector.shape_cast %get3A_169 : vector<1x16xi32> to vector<16xi32>
      %swap3A_171 = arith.constant 16 : index
      %swap3A_172 = tpu.vector_load %arg9[%swap3A_171] {strides = array<i32>} : memref<128xi32, #tpu.memory_space<vmem>>, vector<16xi32>,
      %swap3A_173 = vector.shape_cast %swap3A_172 : vector<16xi32> to vector<16xi32>
      %swap3A_174 = vector.shape_cast %get3A_170 : vector<16xi32> to vector<16xi32>
      tpu.vector_store %arg9[%swap3A_171], %swap3A_174 {strides = array<i32>} : memref<128xi32, #tpu.memory_space<vmem>>, vector<16xi32>,
      %get3A_175 = arith.constant 1 : i32
      %get3A_176 = arith.index_cast %get3A_175 : i32 to index
      %get3A_177 = arith.constant 32 : index
      %get3A_178 = tpu.vector_load %arg7[%get3A_176, %get3A_177] {strides = array<i32>} : memref<2x128xi32, #tpu.memory_space<vmem>>, vector<1x16xi32>,
      %get3A_179 = vector.shape_cast %get3A_178 : vector<1x16xi32> to vector<16xi32>
      %swap3A_180 = arith.constant 32 : index
      %swap3A_181 = tpu.vector_load %arg9[%swap3A_180] {strides = array<i32>} : memref<128xi32, #tpu.memory_space<vmem>>, vector<16xi32>,
      %swap3A_182 = vector.shape_cast %swap3A_181 : vector<16xi32> to vector<16xi32>
      %swap3A_183 = vector.shape_cast %get3A_179 : vector<16xi32> to vector<16xi32>
      tpu.vector_store %arg9[%swap3A_180], %swap3A_183 {strides = array<i32>} : memref<128xi32, #tpu.memory_space<vmem>>, vector<16xi32>,
      %get3A_184 = arith.constant 1 : i32
      %get3A_185 = arith.index_cast %get3A_184 : i32 to index
      %get3A_186 = arith.constant 48 : index
      %get3A_187 = tpu.vector_load %arg7[%get3A_185, %get3A_186] {strides = array<i32>} : memref<2x128xi32, #tpu.memory_space<vmem>>, vector<1x16xi32>,
      %get3A_188 = vector.shape_cast %get3A_187 : vector<1x16xi32> to vector<16xi32>
      %swap3A_189 = arith.constant 48 : index
      %swap3A_190 = tpu.vector_load %arg9[%swap3A_189] {strides = array<i32>} : memref<128xi32, #tpu.memory_space<vmem>>, vector<16xi32>,
      %swap3A_191 = vector.shape_cast %swap3A_190 : vector<16xi32> to vector<16xi32>
      %swap3A_192 = vector.shape_cast %get3A_188 : vector<16xi32> to vector<16xi32>
      tpu.vector_store %arg9[%swap3A_189], %swap3A_192 {strides = array<i32>} : memref<128xi32, #tpu.memory_space<vmem>>, vector<16xi32>,
      %get3A_193 = arith.constant 1 : i32
      %get3A_194 = arith.index_cast %get3A_193 : i32 to index
      %get3A_195 = arith.constant 64 : index
      %get3A_196 = tpu.vector_load %arg7[%get3A_194, %get3A_195] {strides = array<i32>} : memref<2x128xi32, #tpu.memory_space<vmem>>, vector<1x16xi32>,
      %get3A_197 = vector.shape_cast %get3A_196 : vector<1x16xi32> to vector<16xi32>
      %swap3A_198 = arith.constant 64 : index
      %swap3A_199 = tpu.vector_load %arg9[%swap3A_198] {strides = array<i32>} : memref<128xi32, #tpu.memory_space<vmem>>, vector<16xi32>,
      %swap3A_200 = vector.shape_cast %swap3A_199 : vector<16xi32> to vector<16xi32>
      %swap3A_201 = vector.shape_cast %get3A_197 : vector<16xi32> to vector<16xi32>
      tpu.vector_store %arg9[%swap3A_198], %swap3A_201 {strides = array<i32>} : memref<128xi32, #tpu.memory_space<vmem>>, vector<16xi32>,
      %get3A_202 = arith.constant 1 : i32
      %get3A_203 = arith.index_cast %get3A_202 : i32 to index
      %get3A_204 = arith.constant 80 : index
      %get3A_205 = tpu.vector_load %arg7[%get3A_203, %get3A_204] {strides = array<i32>} : memref<2x128xi32, #tpu.memory_space<vmem>>, vector<1x16xi32>,
      %get3A_206 = vector.shape_cast %get3A_205 : vector<1x16xi32> to vector<16xi32>
      %swap3A_207 = arith.constant 80 : index
      %swap3A_208 = tpu.vector_load %arg9[%swap3A_207] {strides = array<i32>} : memref<128xi32, #tpu.memory_space<vmem>>, vector<16xi32>,
      %swap3A_209 = vector.shape_cast %swap3A_208 : vector<16xi32> to vector<16xi32>
      %swap3A_210 = vector.shape_cast %get3A_206 : vector<16xi32> to vector<16xi32>
      tpu.vector_store %arg9[%swap3A_207], %swap3A_210 {strides = array<i32>} : memref<128xi32, #tpu.memory_space<vmem>>, vector<16xi32>,
      %get3A_211 = arith.constant 1 : i32
      %get3A_212 = arith.index_cast %get3A_211 : i32 to index
      %get3A_213 = arith.constant 96 : index
      %get3A_214 = tpu.vector_load %arg7[%get3A_212, %get3A_213] {strides = array<i32>} : memref<2x128xi32, #tpu.memory_space<vmem>>, vector<1x16xi32>,
      %get3A_215 = vector.shape_cast %get3A_214 : vector<1x16xi32> to vector<16xi32>
      %swap3A_216 = arith.constant 96 : index
      %swap3A_217 = tpu.vector_load %arg9[%swap3A_216] {strides = array<i32>} : memref<128xi32, #tpu.memory_space<vmem>>, vector<16xi32>,
      %swap3A_218 = vector.shape_cast %swap3A_217 : vector<16xi32> to vector<16xi32>
      %swap3A_219 = vector.shape_cast %get3A_215 : vector<16xi32> to vector<16xi32>
      tpu.vector_store %arg9[%swap3A_216], %swap3A_219 {strides = array<i32>} : memref<128xi32, #tpu.memory_space<vmem>>, vector<16xi32>,
      %get3A_220 = arith.constant 1 : i32
      %get3A_221 = arith.index_cast %get3A_220 : i32 to index
      %get3A_222 = arith.constant 112 : index
      %get3A_223 = tpu.vector_load %arg7[%get3A_221, %get3A_222] {strides = array<i32>} : memref<2x128xi32, #tpu.memory_space<vmem>>, vector<1x16xi32>,
      %get3A_224 = vector.shape_cast %get3A_223 : vector<1x16xi32> to vector<16xi32>
      %swap3A_225 = arith.constant 112 : index
      %swap3A_226 = tpu.vector_load %arg9[%swap3A_225] {strides = array<i32>} : memref<128xi32, #tpu.memory_space<vmem>>, vector<16xi32>,
      %swap3A_227 = vector.shape_cast %swap3A_226 : vector<16xi32> to vector<16xi32>
      %swap3A_228 = vector.shape_cast %get3A_224 : vector<16xi32> to vector<16xi32>
      tpu.vector_store %arg9[%swap3A_225], %swap3A_228 {strides = array<i32>} : memref<128xi32, #tpu.memory_space<vmem>>, vector<16xi32>,
      %dma_wait3A_229 = arith.constant 0 : i32
      %dma_wait3A_230 = arith.constant 0 : i32
      %dma_wait3A_231 = arith.constant 0 : i32
      %dma_wait3A_232 = arith.constant 0 : i32
      %dma_wait3A_233 = tpu.memref_slice %arg10[%dma_wait3A_230, %dma_wait3A_231, %dma_wait3A_232] : memref<2x128x128xf32, #tpu.memory_space<vmem>> -> memref<1x128x128xf32, #tpu.memory_space<vmem>>
      %dma_wait3A_234 = tpu.memref_squeeze %dma_wait3A_233 : memref<1x128x128xf32, #tpu.memory_space<vmem>> -> memref<128x128xf32, #tpu.memory_space<vmem>>
      %dma_wait3A_235 = arith.constant 0 : i32
      %dma_wait3A_236 = tpu.memref_slice %arg6[%dma_wait3A_229, %dma_wait3A_235] : memref<2x128xi32, #tpu.memory_space<vmem>> -> memref<1x128xi32, #tpu.memory_space<vmem>>
      %dma_wait3A_237 = tpu.memref_squeeze %dma_wait3A_236 : memref<1x128xi32, #tpu.memory_space<vmem>> -> memref<128xi32, #tpu.memory_space<vmem>>
      %dma_wait3A_238 = arith.constant 0 : i32
      %dma_wait3A_239 = arith.constant 0 : i32
      %dma_wait3A_240 = tpu.memref_slice %arg2[%dma_wait3A_238, %dma_wait3A_239] : memref<10240x128xf32, #tpu.memory_space<hbm>> -> memref<10240x128xf32, #tpu.memory_space<hbm>>
      tpu.wait_indirect_dma semaphore(%arg12 : memref<!tpu.dma_semaphore, #tpu.memory_space<semaphore_mem>>) src(%dma_wait3A_240 : memref<10240x128xf32, #tpu.memory_space<hbm>>) dst(%dma_wait3A_234 : memref<128x128xf32, #tpu.memory_space<vmem>>)
      %dma_start3A_241 = arith.constant 0 : i32
      %dma_start3A_242 = arith.constant 0 : i32
      %dma_start3A_243 = arith.constant 0 : i32
      %dma_start3A_244 = tpu.memref_slice %arg10[%dma_start3A_241, %dma_start3A_242, %dma_start3A_243] : memref<2x128x128xf32, #tpu.memory_space<vmem>> -> memref<1x128x128xf32, #tpu.memory_space<vmem>>
      %dma_start3A_245 = tpu.memref_squeeze %dma_start3A_244 : memref<1x128x128xf32, #tpu.memory_space<vmem>> -> memref<128x128xf32, #tpu.memory_space<vmem>>
      %dma_start3A_246 = arith.constant 0 : i32
      %dma_start3A_247 = arith.constant 0 : i32
      %dma_start3A_248 = tpu.memref_slice %arg5[%dma_start3A_246, %dma_start3A_247] : memref<10240x128xf32, #tpu.memory_space<vmem_shared>> -> memref<10240x128xf32, #tpu.memory_space<vmem_shared>>
      tpu.enqueue_indirect_dma source(%dma_start3A_245 : memref<128x128xf32, #tpu.memory_space<vmem>>) target(%dma_start3A_248 : memref<10240x128xf32, #tpu.memory_space<vmem_shared>>) offsets(%arg8 : memref<128xi32, #tpu.memory_space<vmem>>) semaphore(%arg14 : memref<!tpu.dma_semaphore, #tpu.memory_space<semaphore_mem>>) {add = true}
      %dma_wait3A_249 = arith.constant 0 : i32
      %dma_wait3A_250 = arith.constant 1 : i32
      %dma_wait3A_251 = arith.constant 0 : i32
      %dma_wait3A_252 = arith.constant 0 : i32
      %dma_wait3A_253 = tpu.memref_slice %arg10[%dma_wait3A_250, %dma_wait3A_251, %dma_wait3A_252] : memref<2x128x128xf32, #tpu.memory_space<vmem>> -> memref<1x128x128xf32, #tpu.memory_space<vmem>>
      %dma_wait3A_254 = tpu.memref_squeeze %dma_wait3A_253 : memref<1x128x128xf32, #tpu.memory_space<vmem>> -> memref<128x128xf32, #tpu.memory_space<vmem>>
      %dma_wait3A_255 = arith.constant 0 : i32
      %dma_wait3A_256 = tpu.memref_slice %arg7[%dma_wait3A_249, %dma_wait3A_255] : memref<2x128xi32, #tpu.memory_space<vmem>> -> memref<1x128xi32, #tpu.memory_space<vmem>>
      %dma_wait3A_257 = tpu.memref_squeeze %dma_wait3A_256 : memref<1x128xi32, #tpu.memory_space<vmem>> -> memref<128xi32, #tpu.memory_space<vmem>>
      %dma_wait3A_258 = arith.constant 0 : i32
      %dma_wait3A_259 = arith.constant 0 : i32
      %dma_wait3A_260 = tpu.memref_slice %arg2[%dma_wait3A_258, %dma_wait3A_259] : memref<10240x128xf32, #tpu.memory_space<hbm>> -> memref<10240x128xf32, #tpu.memory_space<hbm>>
      tpu.wait_indirect_dma semaphore(%arg13 : memref<!tpu.dma_semaphore, #tpu.memory_space<semaphore_mem>>) src(%dma_wait3A_260 : memref<10240x128xf32, #tpu.memory_space<hbm>>) dst(%dma_wait3A_254 : memref<128x128xf32, #tpu.memory_space<vmem>>)
      %dma_start3A_261 = arith.constant 1 : i32
      %dma_start3A_262 = arith.constant 0 : i32
      %dma_start3A_263 = arith.constant 0 : i32
      %dma_start3A_264 = tpu.memref_slice %arg10[%dma_start3A_261, %dma_start3A_262, %dma_start3A_263] : memref<2x128x128xf32, #tpu.memory_space<vmem>> -> memref<1x128x128xf32, #tpu.memory_space<vmem>>
      %dma_start3A_265 = tpu.memref_squeeze %dma_start3A_264 : memref<1x128x128xf32, #tpu.memory_space<vmem>> -> memref<128x128xf32, #tpu.memory_space<vmem>>
      %dma_start3A_266 = arith.constant 0 : i32
      %dma_start3A_267 = arith.constant 0 : i32
      %dma_start3A_268 = tpu.memref_slice %arg5[%dma_start3A_266, %dma_start3A_267] : memref<10240x128xf32, #tpu.memory_space<vmem_shared>> -> memref<10240x128xf32, #tpu.memory_space<vmem_shared>>
      tpu.enqueue_indirect_dma source(%dma_start3A_265 : memref<128x128xf32, #tpu.memory_space<vmem>>) target(%dma_start3A_268 : memref<10240x128xf32, #tpu.memory_space<vmem_shared>>) offsets(%arg9 : memref<128xi32, #tpu.memory_space<vmem>>) semaphore(%arg15 : memref<!tpu.dma_semaphore, #tpu.memory_space<semaphore_mem>>) {add = true}
      %scan3A_269 = arith.constant 0 : i32
      scf.yield %scan3A_269 : i32
    }
    %scan3A_20 = arith.constant 40 : i32
    %dma_wait3A = arith.constant 0 : i32
    %dma_wait3A_21 = arith.constant 0 : i32
    %dma_wait3A_22 = arith.constant 0 : i32
    %dma_wait3A_23 = tpu.memref_slice %arg10[%dma_wait3A, %dma_wait3A_21, %dma_wait3A_22] : memref<2x128x128xf32, #tpu.memory_space<vmem>> -> memref<1x128x128xf32, #tpu.memory_space<vmem>>
    %dma_wait3A_24 = tpu.memref_squeeze %dma_wait3A_23 : memref<1x128x128xf32, #tpu.memory_space<vmem>> -> memref<128x128xf32, #tpu.memory_space<vmem>>
    %dma_wait3A_25 = arith.constant 0 : i32
    %dma_wait3A_26 = arith.constant 0 : i32
    %dma_wait3A_27 = tpu.memref_slice %arg5[%dma_wait3A_25, %dma_wait3A_26] : memref<10240x128xf32, #tpu.memory_space<vmem_shared>> -> memref<10240x128xf32, #tpu.memory_space<vmem_shared>>
    tpu.wait_indirect_dma semaphore(%arg14 : memref<!tpu.dma_semaphore, #tpu.memory_space<semaphore_mem>>) src(%dma_wait3A_24 : memref<128x128xf32, #tpu.memory_space<vmem>>) dst(%dma_wait3A_27 : memref<10240x128xf32, #tpu.memory_space<vmem_shared>>)
    %dma_wait3A_28 = arith.constant 1 : i32
    %dma_wait3A_29 = arith.constant 0 : i32
    %dma_wait3A_30 = arith.constant 0 : i32
    %dma_wait3A_31 = tpu.memref_slice %arg10[%dma_wait3A_28, %dma_wait3A_29, %dma_wait3A_30] : memref<2x128x128xf32, #tpu.memory_space<vmem>> -> memref<1x128x128xf32, #tpu.memory_space<vmem>>
    %dma_wait3A_32 = tpu.memref_squeeze %dma_wait3A_31 : memref<1x128x128xf32, #tpu.memory_space<vmem>> -> memref<128x128xf32, #tpu.memory_space<vmem>>
    %dma_wait3A_33 = arith.constant 0 : i32
    %dma_wait3A_34 = arith.constant 0 : i32
    %dma_wait3A_35 = tpu.memref_slice %arg5[%dma_wait3A_33, %dma_wait3A_34] : memref<10240x128xf32, #tpu.memory_space<vmem_shared>> -> memref<10240x128xf32, #tpu.memory_space<vmem_shared>>
    tpu.wait_indirect_dma semaphore(%arg15 : memref<!tpu.dma_semaphore, #tpu.memory_space<semaphore_mem>>) src(%dma_wait3A_32 : memref<128x128xf32, #tpu.memory_space<vmem>>) dst(%dma_wait3A_35 : memref<10240x128xf32, #tpu.memory_space<vmem_shared>>)
    %barrier3A_36 = arith.constant 0 : index
    tpu.barrier barrier_id(%barrier3A_36)
    %mul3A_37 = arith.constant 640 : i32
    %mul3A_38 = arith.muli %arg1, %mul3A_37 : i32
    %mul3A_39 = arith.constant 640 : i32
    %mul3A_40 = arith.muli %arg1, %mul3A_39 : i32
    "tpu.region"() ({
      %run_scoped3A = tpu.sem_alloc : memref<!tpu.dma_semaphore, #tpu.memory_space<semaphore_mem>>
      %dma_start3A = arith.constant 0 : i32
      %dma_start3A_41 = tpu.memref_slice %arg4[%arg0, %mul3A_40, %dma_start3A] : memref<2x10240x128xf32, #tpu.memory_space<hbm>> -> memref<1x640x128xf32, #tpu.memory_space<hbm>>
      %dma_start3A_42 = tpu.memref_squeeze %dma_start3A_41 : memref<1x640x128xf32, #tpu.memory_space<hbm>> -> memref<640x128xf32, #tpu.memory_space<hbm>>
      %dma_start3A_43 = arith.constant 0 : i32
      %dma_start3A_44 = tpu.memref_slice %arg5[%mul3A_38, %dma_start3A_43] : memref<10240x128xf32, #tpu.memory_space<vmem_shared>> -> memref<640x128xf32, #tpu.memory_space<vmem_shared>>
      tpu.enqueue_dma source(%dma_start3A_44 : memref<640x128xf32, #tpu.memory_space<vmem_shared>>) target(%dma_start3A_42 : memref<640x128xf32, #tpu.memory_space<hbm>>) target_semaphore(%run_scoped3A : memref<!tpu.dma_semaphore, #tpu.memory_space<semaphore_mem>>)
      %dma_wait3A_45 = arith.constant 0 : i32
      %dma_wait3A_46 = tpu.memref_slice %arg4[%arg0, %mul3A_40, %dma_wait3A_45] : memref<2x10240x128xf32, #tpu.memory_space<hbm>> -> memref<1x640x128xf32, #tpu.memory_space<hbm>>
      %dma_wait3A_47 = tpu.memref_squeeze %dma_wait3A_46 : memref<1x640x128xf32, #tpu.memory_space<hbm>> -> memref<640x128xf32, #tpu.memory_space<hbm>>
      %dma_wait3A_48 = arith.constant 0 : i32
      %dma_wait3A_49 = tpu.memref_slice %arg5[%mul3A_38, %dma_wait3A_48] : memref<10240x128xf32, #tpu.memory_space<vmem_shared>> -> memref<640x128xf32, #tpu.memory_space<vmem_shared>>
      tpu.wait_dma2 semaphore(%run_scoped3A : memref<!tpu.dma_semaphore, #tpu.memory_space<semaphore_mem>>) src(%dma_wait3A_49 : memref<640x128xf32, #tpu.memory_space<vmem_shared>>) dst(%dma_wait3A_47 : memref<640x128xf32, #tpu.memory_space<hbm>>)
      tpu.yield
    }) : () -> ()
    return
  }
}

#map = affine_map<(d0, d1) -> (0, 0)>
#map1 = affine_map<(d0, d1) -> (0, 0, 0)>
module attributes {stable_mosaic.version = 14 : i64} {
  func.func @_agg_kernel(%arg0: i32, %arg1: i32, %arg2: memref<10240x128xf32, #tpu.memory_space<hbm>>, %arg3: memref<2560x2x128xi32, #tpu.memory_space<hbm>>, %arg4: memref<2x10240x128xf32, #tpu.memory_space<hbm>>, %arg5: memref<10240x128xf32, #tpu.memory_space<vmem_shared>>, %arg6: memref<2x128xi32, #tpu.memory_space<vmem>>, %arg7: memref<2x128xi32, #tpu.memory_space<vmem>>, %arg8: memref<128xi32, #tpu.memory_space<vmem>>, %arg9: memref<128xi32, #tpu.memory_space<vmem>>, %arg10: memref<2x128x128xf32, #tpu.memory_space<vmem>>, %arg11: memref<16x128xf32, #tpu.memory_space<vmem>>, %arg12: memref<!tpu.dma_semaphore, #tpu.memory_space<semaphore_mem>>, %arg13: memref<!tpu.dma_semaphore, #tpu.memory_space<semaphore_mem>>, %arg14: memref<!tpu.dma_semaphore, #tpu.memory_space<semaphore_mem>>, %arg15: memref<!tpu.dma_semaphore, #tpu.memory_space<semaphore_mem>>) attributes {dimension_semantics = [#tpu.dimension_semantics<core_parallel>, #tpu.dimension_semantics<subcore_parallel>], iteration_bounds = array<i64: 2, 16>, scalar_prefetch = 0 : i64, scratch_operands = 11 : i64, tpu.core_type = #tpu.core_type<sc_vector_subcore>, window_params = [{transform_indices = #map}, {transform_indices = #map1}, {transform_indices = #map1}]} {
    %mul3A = arith.constant 16 : i32
    %mul3A_0 = arith.muli %arg0, %mul3A : i32
    %add3A = arith.addi %mul3A_0, %arg1 : i32
    %scan3A = arith.constant 0 : i32
    %scan3A_1 = arith.constant 0 : i32
    %scan3A_2 = arith.constant 16 : i32
    %scan3A_3 = arith.addi %scan3A_1, %scan3A_2 : i32
    %scan3A_4 = arith.constant 1 : i32
    %scan3A_5 = scf.for %scan3A_41 = %scan3A_1 to %scan3A_3 step %scan3A_4 iter_args(%scan3A_42 = %scan3A) -> (i32)  : i32 {
      %broadcast_in_dim3A = arith.constant 0.000000e+00 : f32
      %broadcast_in_dim3A_43 = vector.broadcast %broadcast_in_dim3A : f32 to vector<16xf32>
      %swap3A = arith.index_cast %scan3A_41 : i32 to index
      %swap3A_44 = arith.constant 0 : index
      %swap3A_45 = tpu.vector_load %arg11[%swap3A, %swap3A_44] {strides = array<i32>} : memref<16x128xf32, #tpu.memory_space<vmem>>, vector<1x16xf32>,
      %swap3A_46 = vector.shape_cast %swap3A_45 : vector<1x16xf32> to vector<16xf32>
      %swap3A_47 = vector.shape_cast %broadcast_in_dim3A_43 : vector<16xf32> to vector<1x16xf32>
      tpu.vector_store %arg11[%swap3A, %swap3A_44], %swap3A_47 {strides = array<i32>} : memref<16x128xf32, #tpu.memory_space<vmem>>, vector<1x16xf32>,
      %broadcast_in_dim3A_48 = arith.constant 0.000000e+00 : f32
      %broadcast_in_dim3A_49 = vector.broadcast %broadcast_in_dim3A_48 : f32 to vector<16xf32>
      %swap3A_50 = arith.index_cast %scan3A_41 : i32 to index
      %swap3A_51 = arith.constant 16 : index
      %swap3A_52 = tpu.vector_load %arg11[%swap3A_50, %swap3A_51] {strides = array<i32>} : memref<16x128xf32, #tpu.memory_space<vmem>>, vector<1x16xf32>,
      %swap3A_53 = vector.shape_cast %swap3A_52 : vector<1x16xf32> to vector<16xf32>
      %swap3A_54 = vector.shape_cast %broadcast_in_dim3A_49 : vector<16xf32> to vector<1x16xf32>
      tpu.vector_store %arg11[%swap3A_50, %swap3A_51], %swap3A_54 {strides = array<i32>} : memref<16x128xf32, #tpu.memory_space<vmem>>, vector<1x16xf32>,
      %broadcast_in_dim3A_55 = arith.constant 0.000000e+00 : f32
      %broadcast_in_dim3A_56 = vector.broadcast %broadcast_in_dim3A_55 : f32 to vector<16xf32>
      %swap3A_57 = arith.index_cast %scan3A_41 : i32 to index
      %swap3A_58 = arith.constant 32 : index
      %swap3A_59 = tpu.vector_load %arg11[%swap3A_57, %swap3A_58] {strides = array<i32>} : memref<16x128xf32, #tpu.memory_space<vmem>>, vector<1x16xf32>,
      %swap3A_60 = vector.shape_cast %swap3A_59 : vector<1x16xf32> to vector<16xf32>
      %swap3A_61 = vector.shape_cast %broadcast_in_dim3A_56 : vector<16xf32> to vector<1x16xf32>
      tpu.vector_store %arg11[%swap3A_57, %swap3A_58], %swap3A_61 {strides = array<i32>} : memref<16x128xf32, #tpu.memory_space<vmem>>, vector<1x16xf32>,
      %broadcast_in_dim3A_62 = arith.constant 0.000000e+00 : f32
      %broadcast_in_dim3A_63 = vector.broadcast %broadcast_in_dim3A_62 : f32 to vector<16xf32>
      %swap3A_64 = arith.index_cast %scan3A_41 : i32 to index
      %swap3A_65 = arith.constant 48 : index
      %swap3A_66 = tpu.vector_load %arg11[%swap3A_64, %swap3A_65] {strides = array<i32>} : memref<16x128xf32, #tpu.memory_space<vmem>>, vector<1x16xf32>,
      %swap3A_67 = vector.shape_cast %swap3A_66 : vector<1x16xf32> to vector<16xf32>
      %swap3A_68 = vector.shape_cast %broadcast_in_dim3A_63 : vector<16xf32> to vector<1x16xf32>
      tpu.vector_store %arg11[%swap3A_64, %swap3A_65], %swap3A_68 {strides = array<i32>} : memref<16x128xf32, #tpu.memory_space<vmem>>, vector<1x16xf32>,
      %broadcast_in_dim3A_69 = arith.constant 0.000000e+00 : f32
      %broadcast_in_dim3A_70 = vector.broadcast %broadcast_in_dim3A_69 : f32 to vector<16xf32>
      %swap3A_71 = arith.index_cast %scan3A_41 : i32 to index
      %swap3A_72 = arith.constant 64 : index
      %swap3A_73 = tpu.vector_load %arg11[%swap3A_71, %swap3A_72] {strides = array<i32>} : memref<16x128xf32, #tpu.memory_space<vmem>>, vector<1x16xf32>,
      %swap3A_74 = vector.shape_cast %swap3A_73 : vector<1x16xf32> to vector<16xf32>
      %swap3A_75 = vector.shape_cast %broadcast_in_dim3A_70 : vector<16xf32> to vector<1x16xf32>
      tpu.vector_store %arg11[%swap3A_71, %swap3A_72], %swap3A_75 {strides = array<i32>} : memref<16x128xf32, #tpu.memory_space<vmem>>, vector<1x16xf32>,
      %broadcast_in_dim3A_76 = arith.constant 0.000000e+00 : f32
      %broadcast_in_dim3A_77 = vector.broadcast %broadcast_in_dim3A_76 : f32 to vector<16xf32>
      %swap3A_78 = arith.index_cast %scan3A_41 : i32 to index
      %swap3A_79 = arith.constant 80 : index
      %swap3A_80 = tpu.vector_load %arg11[%swap3A_78, %swap3A_79] {strides = array<i32>} : memref<16x128xf32, #tpu.memory_space<vmem>>, vector<1x16xf32>,
      %swap3A_81 = vector.shape_cast %swap3A_80 : vector<1x16xf32> to vector<16xf32>
      %swap3A_82 = vector.shape_cast %broadcast_in_dim3A_77 : vector<16xf32> to vector<1x16xf32>
      tpu.vector_store %arg11[%swap3A_78, %swap3A_79], %swap3A_82 {strides = array<i32>} : memref<16x128xf32, #tpu.memory_space<vmem>>, vector<1x16xf32>,
      %broadcast_in_dim3A_83 = arith.constant 0.000000e+00 : f32
      %broadcast_in_dim3A_84 = vector.broadcast %broadcast_in_dim3A_83 : f32 to vector<16xf32>
      %swap3A_85 = arith.index_cast %scan3A_41 : i32 to index
      %swap3A_86 = arith.constant 96 : index
      %swap3A_87 = tpu.vector_load %arg11[%swap3A_85, %swap3A_86] {strides = array<i32>} : memref<16x128xf32, #tpu.memory_space<vmem>>, vector<1x16xf32>,
      %swap3A_88 = vector.shape_cast %swap3A_87 : vector<1x16xf32> to vector<16xf32>
      %swap3A_89 = vector.shape_cast %broadcast_in_dim3A_84 : vector<16xf32> to vector<1x16xf32>
      tpu.vector_store %arg11[%swap3A_85, %swap3A_86], %swap3A_89 {strides = array<i32>} : memref<16x128xf32, #tpu.memory_space<vmem>>, vector<1x16xf32>,
      %broadcast_in_dim3A_90 = arith.constant 0.000000e+00 : f32
      %broadcast_in_dim3A_91 = vector.broadcast %broadcast_in_dim3A_90 : f32 to vector<16xf32>
      %swap3A_92 = arith.index_cast %scan3A_41 : i32 to index
      %swap3A_93 = arith.constant 112 : index
      %swap3A_94 = tpu.vector_load %arg11[%swap3A_92, %swap3A_93] {strides = array<i32>} : memref<16x128xf32, #tpu.memory_space<vmem>>, vector<1x16xf32>,
      %swap3A_95 = vector.shape_cast %swap3A_94 : vector<1x16xf32> to vector<16xf32>
      %swap3A_96 = vector.shape_cast %broadcast_in_dim3A_91 : vector<16xf32> to vector<1x16xf32>
      tpu.vector_store %arg11[%swap3A_92, %swap3A_93], %swap3A_96 {strides = array<i32>} : memref<16x128xf32, #tpu.memory_space<vmem>>, vector<1x16xf32>,
      %scan3A_97 = arith.constant 0 : i32
      scf.yield %scan3A_97 : i32
    }
    %scan3A_6 = arith.constant 16 : i32
    %scan3A_7 = arith.constant 0 : i32
    %scan3A_8 = arith.constant 0 : i32
    %scan3A_9 = arith.constant 40 : i32
    %scan3A_10 = arith.addi %scan3A_8, %scan3A_9 : i32
    %scan3A_11 = arith.constant 1 : i32
    %scan3A_12 = scf.for %scan3A_41 = %scan3A_8 to %scan3A_10 step %scan3A_11 iter_args(%scan3A_42 = %scan3A_7) -> (i32)  : i32 {
      %mul3A_43 = arith.constant 640 : i32
      %mul3A_44 = arith.muli %arg1, %mul3A_43 : i32
      %mul3A_45 = arith.constant 16 : i32
      %mul3A_46 = arith.muli %mul3A_45, %scan3A_41 : i32
      %add3A_47 = arith.addi %mul3A_44, %mul3A_46 : i32
      "tpu.region"() ({
        %run_scoped3A = tpu.sem_alloc : memref<!tpu.dma_semaphore, #tpu.memory_space<semaphore_mem>>
        %dma_start3A = arith.constant 0 : i32
        %dma_start3A_49 = tpu.memref_slice %arg5[%add3A_47, %dma_start3A] : memref<10240x128xf32, #tpu.memory_space<vmem_shared>> -> memref<16x128xf32, #tpu.memory_space<vmem_shared>>
        %dma_start3A_50 = arith.constant 0 : i32
        %dma_start3A_51 = tpu.memref_slice %arg5[%add3A_47, %dma_start3A_50] : memref<10240x128xf32, #tpu.memory_space<vmem_shared>> -> memref<16x128xf32, #tpu.memory_space<vmem_shared>>
        tpu.enqueue_dma source(%arg11 : memref<16x128xf32, #tpu.memory_space<vmem>>) target(%dma_start3A_51 : memref<16x128xf32, #tpu.memory_space<vmem_shared>>) target_semaphore(%run_scoped3A : memref<!tpu.dma_semaphore, #tpu.memory_space<semaphore_mem>>)
        %dma_wait3A_52 = arith.constant 0 : i32
        %dma_wait3A_53 = tpu.memref_slice %arg5[%add3A_47, %dma_wait3A_52] : memref<10240x128xf32, #tpu.memory_space<vmem_shared>> -> memref<16x128xf32, #tpu.memory_space<vmem_shared>>
        %dma_wait3A_54 = arith.constant 0 : i32
        %dma_wait3A_55 = tpu.memref_slice %arg5[%add3A_47, %dma_wait3A_54] : memref<10240x128xf32, #tpu.memory_space<vmem_shared>> -> memref<16x128xf32, #tpu.memory_space<vmem_shared>>
        tpu.wait_dma2 semaphore(%run_scoped3A : memref<!tpu.dma_semaphore, #tpu.memory_space<semaphore_mem>>) src(%arg11 : memref<16x128xf32, #tpu.memory_space<vmem>>) dst(%dma_wait3A_55 : memref<16x128xf32, #tpu.memory_space<vmem_shared>>)
        tpu.yield
      }) : () -> ()
      %scan3A_48 = arith.constant 0 : i32
      scf.yield %scan3A_48 : i32
    }
    %scan3A_13 = arith.constant 40 : i32
    %barrier3A = arith.constant 0 : index
    tpu.barrier barrier_id(%barrier3A)
    %scan3A_14 = arith.constant 0 : i32
    %scan3A_15 = arith.constant 0 : i32
    %scan3A_16 = arith.constant 40 : i32
    %scan3A_17 = arith.addi %scan3A_15, %scan3A_16 : i32
    %scan3A_18 = arith.constant 1 : i32
    %scan3A_19 = scf.for %scan3A_41 = %scan3A_15 to %scan3A_17 step %scan3A_18 iter_args(%scan3A_42 = %scan3A_14) -> (i32)  : i32 {
      %mul3A_43 = arith.constant 80 : i32
      %mul3A_44 = arith.muli %add3A, %mul3A_43 : i32
      %mul3A_45 = arith.constant 2 : i32
      %mul3A_46 = arith.muli %mul3A_45, %scan3A_41 : i32
      %add3A_47 = arith.addi %mul3A_44, %mul3A_46 : i32
      %add3A_48 = arith.constant 0 : i32
      %add3A_49 = arith.addi %add3A_47, %add3A_48 : i32
      %gt3A = arith.constant 0 : i32
      %gt3A_50 = arith.cmpi sgt, %scan3A_41, %gt3A : i32
      %convert_element_type3A = arith.extui %gt3A_50 : i1 to i32
      %cond3A = arith.constant 0 : i32
      %cond3A_51 = arith.cmpi ne, %convert_element_type3A, %cond3A : i32
      scf.if %cond3A_51 {
        %dma_wait3A_270 = arith.constant 0 : i32
        %dma_wait3A_271 = arith.constant 0 : i32
        %dma_wait3A_272 = arith.constant 0 : i32
        %dma_wait3A_273 = tpu.memref_slice %arg10[%dma_wait3A_270, %dma_wait3A_271, %dma_wait3A_272] : memref<2x128x128xf32, #tpu.memory_space<vmem>> -> memref<1x128x128xf32, #tpu.memory_space<vmem>>
        %dma_wait3A_274 = tpu.memref_squeeze %dma_wait3A_273 : memref<1x128x128xf32, #tpu.memory_space<vmem>> -> memref<128x128xf32, #tpu.memory_space<vmem>>
        %dma_wait3A_275 = arith.constant 0 : i32
        %dma_wait3A_276 = arith.constant 0 : i32
        %dma_wait3A_277 = tpu.memref_slice %arg5[%dma_wait3A_275, %dma_wait3A_276] : memref<10240x128xf32, #tpu.memory_space<vmem_shared>> -> memref<10240x128xf32, #tpu.memory_space<vmem_shared>>
        tpu.wait_indirect_dma semaphore(%arg14 : memref<!tpu.dma_semaphore, #tpu.memory_space<semaphore_mem>>) src(%dma_wait3A_274 : memref<128x128xf32, #tpu.memory_space<vmem>>) dst(%dma_wait3A_277 : memref<10240x128xf32, #tpu.memory_space<vmem_shared>>)
      } else {
      }
      "tpu.region"() ({
        %run_scoped3A = tpu.sem_alloc : memref<!tpu.dma_semaphore, #tpu.memory_space<semaphore_mem>>
        %dma_start3A_270 = arith.constant 0 : i32
        %dma_start3A_271 = arith.constant 0 : i32
        %dma_start3A_272 = tpu.memref_slice %arg3[%add3A_49, %dma_start3A_270, %dma_start3A_271] : memref<2560x2x128xi32, #tpu.memory_space<hbm>> -> memref<1x2x128xi32, #tpu.memory_space<hbm>>
        %dma_start3A_273 = tpu.memref_squeeze %dma_start3A_272 : memref<1x2x128xi32, #tpu.memory_space<hbm>> -> memref<2x128xi32, #tpu.memory_space<hbm>>
        %dma_start3A_274 = arith.constant 0 : i32
        %dma_start3A_275 = arith.constant 0 : i32
        %dma_start3A_276 = tpu.memref_slice %arg3[%add3A_49, %dma_start3A_274, %dma_start3A_275] : memref<2560x2x128xi32, #tpu.memory_space<hbm>> -> memref<1x2x128xi32, #tpu.memory_space<hbm>>
        %dma_start3A_277 = tpu.memref_squeeze %dma_start3A_276 : memref<1x2x128xi32, #tpu.memory_space<hbm>> -> memref<2x128xi32, #tpu.memory_space<hbm>>
        tpu.enqueue_dma source(%dma_start3A_277 : memref<2x128xi32, #tpu.memory_space<hbm>>) target(%arg6 : memref<2x128xi32, #tpu.memory_space<vmem>>) target_semaphore(%run_scoped3A : memref<!tpu.dma_semaphore, #tpu.memory_space<semaphore_mem>>)
        %dma_wait3A_278 = arith.constant 0 : i32
        %dma_wait3A_279 = arith.constant 0 : i32
        %dma_wait3A_280 = tpu.memref_slice %arg3[%add3A_49, %dma_wait3A_278, %dma_wait3A_279] : memref<2560x2x128xi32, #tpu.memory_space<hbm>> -> memref<1x2x128xi32, #tpu.memory_space<hbm>>
        %dma_wait3A_281 = tpu.memref_squeeze %dma_wait3A_280 : memref<1x2x128xi32, #tpu.memory_space<hbm>> -> memref<2x128xi32, #tpu.memory_space<hbm>>
        %dma_wait3A_282 = arith.constant 0 : i32
        %dma_wait3A_283 = arith.constant 0 : i32
        %dma_wait3A_284 = tpu.memref_slice %arg3[%add3A_49, %dma_wait3A_282, %dma_wait3A_283] : memref<2560x2x128xi32, #tpu.memory_space<hbm>> -> memref<1x2x128xi32, #tpu.memory_space<hbm>>
        %dma_wait3A_285 = tpu.memref_squeeze %dma_wait3A_284 : memref<1x2x128xi32, #tpu.memory_space<hbm>> -> memref<2x128xi32, #tpu.memory_space<hbm>>
        tpu.wait_dma2 semaphore(%run_scoped3A : memref<!tpu.dma_semaphore, #tpu.memory_space<semaphore_mem>>) src(%dma_wait3A_285 : memref<2x128xi32, #tpu.memory_space<hbm>>) dst(%arg6 : memref<2x128xi32, #tpu.memory_space<vmem>>)
        tpu.yield
      }) : () -> ()
      %dma_start3A = arith.constant 0 : i32
      %dma_start3A_52 = arith.constant 0 : i32
      %dma_start3A_53 = arith.constant 0 : i32
      %dma_start3A_54 = arith.constant 0 : i32
      %dma_start3A_55 = tpu.memref_slice %arg10[%dma_start3A_52, %dma_start3A_53, %dma_start3A_54] : memref<2x128x128xf32, #tpu.memory_space<vmem>> -> memref<1x128x128xf32, #tpu.memory_space<vmem>>
      %dma_start3A_56 = tpu.memref_squeeze %dma_start3A_55 : memref<1x128x128xf32, #tpu.memory_space<vmem>> -> memref<128x128xf32, #tpu.memory_space<vmem>>
      %dma_start3A_57 = arith.constant 0 : i32
      %dma_start3A_58 = tpu.memref_slice %arg6[%dma_start3A, %dma_start3A_57] : memref<2x128xi32, #tpu.memory_space<vmem>> -> memref<1x128xi32, #tpu.memory_space<vmem>>
      %dma_start3A_59 = tpu.memref_squeeze %dma_start3A_58 : memref<1x128xi32, #tpu.memory_space<vmem>> -> memref<128xi32, #tpu.memory_space<vmem>>
      %dma_start3A_60 = arith.constant 0 : i32
      %dma_start3A_61 = arith.constant 0 : i32
      %dma_start3A_62 = tpu.memref_slice %arg2[%dma_start3A_60, %dma_start3A_61] : memref<10240x128xf32, #tpu.memory_space<hbm>> -> memref<10240x128xf32, #tpu.memory_space<hbm>>
      tpu.enqueue_indirect_dma source(%dma_start3A_62 : memref<10240x128xf32, #tpu.memory_space<hbm>>) target(%dma_start3A_56 : memref<128x128xf32, #tpu.memory_space<vmem>>) offsets(%dma_start3A_59 : memref<128xi32, #tpu.memory_space<vmem>>) semaphore(%arg12 : memref<!tpu.dma_semaphore, #tpu.memory_space<semaphore_mem>>)
      %get3A = arith.constant 1 : i32
      %get3A_63 = arith.index_cast %get3A : i32 to index
      %get3A_64 = arith.constant 0 : index
      %get3A_65 = tpu.vector_load %arg6[%get3A_63, %get3A_64] {strides = array<i32>} : memref<2x128xi32, #tpu.memory_space<vmem>>, vector<1x16xi32>,
      %get3A_66 = vector.shape_cast %get3A_65 : vector<1x16xi32> to vector<16xi32>
      %swap3A = arith.constant 0 : index
      %swap3A_67 = tpu.vector_load %arg8[%swap3A] {strides = array<i32>} : memref<128xi32, #tpu.memory_space<vmem>>, vector<16xi32>,
      %swap3A_68 = vector.shape_cast %swap3A_67 : vector<16xi32> to vector<16xi32>
      %swap3A_69 = vector.shape_cast %get3A_66 : vector<16xi32> to vector<16xi32>
      tpu.vector_store %arg8[%swap3A], %swap3A_69 {strides = array<i32>} : memref<128xi32, #tpu.memory_space<vmem>>, vector<16xi32>,
      %get3A_70 = arith.constant 1 : i32
      %get3A_71 = arith.index_cast %get3A_70 : i32 to index
      %get3A_72 = arith.constant 16 : index
      %get3A_73 = tpu.vector_load %arg6[%get3A_71, %get3A_72] {strides = array<i32>} : memref<2x128xi32, #tpu.memory_space<vmem>>, vector<1x16xi32>,
      %get3A_74 = vector.shape_cast %get3A_73 : vector<1x16xi32> to vector<16xi32>
      %swap3A_75 = arith.constant 16 : index
      %swap3A_76 = tpu.vector_load %arg8[%swap3A_75] {strides = array<i32>} : memref<128xi32, #tpu.memory_space<vmem>>, vector<16xi32>,
      %swap3A_77 = vector.shape_cast %swap3A_76 : vector<16xi32> to vector<16xi32>
      %swap3A_78 = vector.shape_cast %get3A_74 : vector<16xi32> to vector<16xi32>
      tpu.vector_store %arg8[%swap3A_75], %swap3A_78 {strides = array<i32>} : memref<128xi32, #tpu.memory_space<vmem>>, vector<16xi32>,
      %get3A_79 = arith.constant 1 : i32
      %get3A_80 = arith.index_cast %get3A_79 : i32 to index
      %get3A_81 = arith.constant 32 : index
      %get3A_82 = tpu.vector_load %arg6[%get3A_80, %get3A_81] {strides = array<i32>} : memref<2x128xi32, #tpu.memory_space<vmem>>, vector<1x16xi32>,
      %get3A_83 = vector.shape_cast %get3A_82 : vector<1x16xi32> to vector<16xi32>
      %swap3A_84 = arith.constant 32 : index
      %swap3A_85 = tpu.vector_load %arg8[%swap3A_84] {strides = array<i32>} : memref<128xi32, #tpu.memory_space<vmem>>, vector<16xi32>,
      %swap3A_86 = vector.shape_cast %swap3A_85 : vector<16xi32> to vector<16xi32>
      %swap3A_87 = vector.shape_cast %get3A_83 : vector<16xi32> to vector<16xi32>
      tpu.vector_store %arg8[%swap3A_84], %swap3A_87 {strides = array<i32>} : memref<128xi32, #tpu.memory_space<vmem>>, vector<16xi32>,
      %get3A_88 = arith.constant 1 : i32
      %get3A_89 = arith.index_cast %get3A_88 : i32 to index
      %get3A_90 = arith.constant 48 : index
      %get3A_91 = tpu.vector_load %arg6[%get3A_89, %get3A_90] {strides = array<i32>} : memref<2x128xi32, #tpu.memory_space<vmem>>, vector<1x16xi32>,
      %get3A_92 = vector.shape_cast %get3A_91 : vector<1x16xi32> to vector<16xi32>
      %swap3A_93 = arith.constant 48 : index
      %swap3A_94 = tpu.vector_load %arg8[%swap3A_93] {strides = array<i32>} : memref<128xi32, #tpu.memory_space<vmem>>, vector<16xi32>,
      %swap3A_95 = vector.shape_cast %swap3A_94 : vector<16xi32> to vector<16xi32>
      %swap3A_96 = vector.shape_cast %get3A_92 : vector<16xi32> to vector<16xi32>
      tpu.vector_store %arg8[%swap3A_93], %swap3A_96 {strides = array<i32>} : memref<128xi32, #tpu.memory_space<vmem>>, vector<16xi32>,
      %get3A_97 = arith.constant 1 : i32
      %get3A_98 = arith.index_cast %get3A_97 : i32 to index
      %get3A_99 = arith.constant 64 : index
      %get3A_100 = tpu.vector_load %arg6[%get3A_98, %get3A_99] {strides = array<i32>} : memref<2x128xi32, #tpu.memory_space<vmem>>, vector<1x16xi32>,
      %get3A_101 = vector.shape_cast %get3A_100 : vector<1x16xi32> to vector<16xi32>
      %swap3A_102 = arith.constant 64 : index
      %swap3A_103 = tpu.vector_load %arg8[%swap3A_102] {strides = array<i32>} : memref<128xi32, #tpu.memory_space<vmem>>, vector<16xi32>,
      %swap3A_104 = vector.shape_cast %swap3A_103 : vector<16xi32> to vector<16xi32>
      %swap3A_105 = vector.shape_cast %get3A_101 : vector<16xi32> to vector<16xi32>
      tpu.vector_store %arg8[%swap3A_102], %swap3A_105 {strides = array<i32>} : memref<128xi32, #tpu.memory_space<vmem>>, vector<16xi32>,
      %get3A_106 = arith.constant 1 : i32
      %get3A_107 = arith.index_cast %get3A_106 : i32 to index
      %get3A_108 = arith.constant 80 : index
      %get3A_109 = tpu.vector_load %arg6[%get3A_107, %get3A_108] {strides = array<i32>} : memref<2x128xi32, #tpu.memory_space<vmem>>, vector<1x16xi32>,
      %get3A_110 = vector.shape_cast %get3A_109 : vector<1x16xi32> to vector<16xi32>
      %swap3A_111 = arith.constant 80 : index
      %swap3A_112 = tpu.vector_load %arg8[%swap3A_111] {strides = array<i32>} : memref<128xi32, #tpu.memory_space<vmem>>, vector<16xi32>,
      %swap3A_113 = vector.shape_cast %swap3A_112 : vector<16xi32> to vector<16xi32>
      %swap3A_114 = vector.shape_cast %get3A_110 : vector<16xi32> to vector<16xi32>
      tpu.vector_store %arg8[%swap3A_111], %swap3A_114 {strides = array<i32>} : memref<128xi32, #tpu.memory_space<vmem>>, vector<16xi32>,
      %get3A_115 = arith.constant 1 : i32
      %get3A_116 = arith.index_cast %get3A_115 : i32 to index
      %get3A_117 = arith.constant 96 : index
      %get3A_118 = tpu.vector_load %arg6[%get3A_116, %get3A_117] {strides = array<i32>} : memref<2x128xi32, #tpu.memory_space<vmem>>, vector<1x16xi32>,
      %get3A_119 = vector.shape_cast %get3A_118 : vector<1x16xi32> to vector<16xi32>
      %swap3A_120 = arith.constant 96 : index
      %swap3A_121 = tpu.vector_load %arg8[%swap3A_120] {strides = array<i32>} : memref<128xi32, #tpu.memory_space<vmem>>, vector<16xi32>,
      %swap3A_122 = vector.shape_cast %swap3A_121 : vector<16xi32> to vector<16xi32>
      %swap3A_123 = vector.shape_cast %get3A_119 : vector<16xi32> to vector<16xi32>
      tpu.vector_store %arg8[%swap3A_120], %swap3A_123 {strides = array<i32>} : memref<128xi32, #tpu.memory_space<vmem>>, vector<16xi32>,
      %get3A_124 = arith.constant 1 : i32
      %get3A_125 = arith.index_cast %get3A_124 : i32 to index
      %get3A_126 = arith.constant 112 : index
      %get3A_127 = tpu.vector_load %arg6[%get3A_125, %get3A_126] {strides = array<i32>} : memref<2x128xi32, #tpu.memory_space<vmem>>, vector<1x16xi32>,
      %get3A_128 = vector.shape_cast %get3A_127 : vector<1x16xi32> to vector<16xi32>
      %swap3A_129 = arith.constant 112 : index
      %swap3A_130 = tpu.vector_load %arg8[%swap3A_129] {strides = array<i32>} : memref<128xi32, #tpu.memory_space<vmem>>, vector<16xi32>,
      %swap3A_131 = vector.shape_cast %swap3A_130 : vector<16xi32> to vector<16xi32>
      %swap3A_132 = vector.shape_cast %get3A_128 : vector<16xi32> to vector<16xi32>
      tpu.vector_store %arg8[%swap3A_129], %swap3A_132 {strides = array<i32>} : memref<128xi32, #tpu.memory_space<vmem>>, vector<16xi32>,
      %mul3A_133 = arith.constant 80 : i32
      %mul3A_134 = arith.muli %add3A, %mul3A_133 : i32
      %mul3A_135 = arith.constant 2 : i32
      %mul3A_136 = arith.muli %mul3A_135, %scan3A_41 : i32
      %add3A_137 = arith.addi %mul3A_134, %mul3A_136 : i32
      %add3A_138 = arith.constant 1 : i32
      %add3A_139 = arith.addi %add3A_137, %add3A_138 : i32
      %gt3A_140 = arith.constant 0 : i32
      %gt3A_141 = arith.cmpi sgt, %scan3A_41, %gt3A_140 : i32
      %convert_element_type3A_142 = arith.extui %gt3A_141 : i1 to i32
      %cond3A_143 = arith.constant 0 : i32
      %cond3A_144 = arith.cmpi ne, %convert_element_type3A_142, %cond3A_143 : i32
      scf.if %cond3A_144 {
        %dma_wait3A_270 = arith.constant 1 : i32
        %dma_wait3A_271 = arith.constant 0 : i32
        %dma_wait3A_272 = arith.constant 0 : i32
        %dma_wait3A_273 = tpu.memref_slice %arg10[%dma_wait3A_270, %dma_wait3A_271, %dma_wait3A_272] : memref<2x128x128xf32, #tpu.memory_space<vmem>> -> memref<1x128x128xf32, #tpu.memory_space<vmem>>
        %dma_wait3A_274 = tpu.memref_squeeze %dma_wait3A_273 : memref<1x128x128xf32, #tpu.memory_space<vmem>> -> memref<128x128xf32, #tpu.memory_space<vmem>>
        %dma_wait3A_275 = arith.constant 0 : i32
        %dma_wait3A_276 = arith.constant 0 : i32
        %dma_wait3A_277 = tpu.memref_slice %arg5[%dma_wait3A_275, %dma_wait3A_276] : memref<10240x128xf32, #tpu.memory_space<vmem_shared>> -> memref<10240x128xf32, #tpu.memory_space<vmem_shared>>
        tpu.wait_indirect_dma semaphore(%arg15 : memref<!tpu.dma_semaphore, #tpu.memory_space<semaphore_mem>>) src(%dma_wait3A_274 : memref<128x128xf32, #tpu.memory_space<vmem>>) dst(%dma_wait3A_277 : memref<10240x128xf32, #tpu.memory_space<vmem_shared>>)
      } else {
      }
      "tpu.region"() ({
        %run_scoped3A = tpu.sem_alloc : memref<!tpu.dma_semaphore, #tpu.memory_space<semaphore_mem>>
        %dma_start3A_270 = arith.constant 0 : i32
        %dma_start3A_271 = arith.constant 0 : i32
        %dma_start3A_272 = tpu.memref_slice %arg3[%add3A_139, %dma_start3A_270, %dma_start3A_271] : memref<2560x2x128xi32, #tpu.memory_space<hbm>> -> memref<1x2x128xi32, #tpu.memory_space<hbm>>
        %dma_start3A_273 = tpu.memref_squeeze %dma_start3A_272 : memref<1x2x128xi32, #tpu.memory_space<hbm>> -> memref<2x128xi32, #tpu.memory_space<hbm>>
        %dma_start3A_274 = arith.constant 0 : i32
        %dma_start3A_275 = arith.constant 0 : i32
        %dma_start3A_276 = tpu.memref_slice %arg3[%add3A_139, %dma_start3A_274, %dma_start3A_275] : memref<2560x2x128xi32, #tpu.memory_space<hbm>> -> memref<1x2x128xi32, #tpu.memory_space<hbm>>
        %dma_start3A_277 = tpu.memref_squeeze %dma_start3A_276 : memref<1x2x128xi32, #tpu.memory_space<hbm>> -> memref<2x128xi32, #tpu.memory_space<hbm>>
        tpu.enqueue_dma source(%dma_start3A_277 : memref<2x128xi32, #tpu.memory_space<hbm>>) target(%arg7 : memref<2x128xi32, #tpu.memory_space<vmem>>) target_semaphore(%run_scoped3A : memref<!tpu.dma_semaphore, #tpu.memory_space<semaphore_mem>>)
        %dma_wait3A_278 = arith.constant 0 : i32
        %dma_wait3A_279 = arith.constant 0 : i32
        %dma_wait3A_280 = tpu.memref_slice %arg3[%add3A_139, %dma_wait3A_278, %dma_wait3A_279] : memref<2560x2x128xi32, #tpu.memory_space<hbm>> -> memref<1x2x128xi32, #tpu.memory_space<hbm>>
        %dma_wait3A_281 = tpu.memref_squeeze %dma_wait3A_280 : memref<1x2x128xi32, #tpu.memory_space<hbm>> -> memref<2x128xi32, #tpu.memory_space<hbm>>
        %dma_wait3A_282 = arith.constant 0 : i32
        %dma_wait3A_283 = arith.constant 0 : i32
        %dma_wait3A_284 = tpu.memref_slice %arg3[%add3A_139, %dma_wait3A_282, %dma_wait3A_283] : memref<2560x2x128xi32, #tpu.memory_space<hbm>> -> memref<1x2x128xi32, #tpu.memory_space<hbm>>
        %dma_wait3A_285 = tpu.memref_squeeze %dma_wait3A_284 : memref<1x2x128xi32, #tpu.memory_space<hbm>> -> memref<2x128xi32, #tpu.memory_space<hbm>>
        tpu.wait_dma2 semaphore(%run_scoped3A : memref<!tpu.dma_semaphore, #tpu.memory_space<semaphore_mem>>) src(%dma_wait3A_285 : memref<2x128xi32, #tpu.memory_space<hbm>>) dst(%arg7 : memref<2x128xi32, #tpu.memory_space<vmem>>)
        tpu.yield
      }) : () -> ()
      %dma_start3A_145 = arith.constant 0 : i32
      %dma_start3A_146 = arith.constant 1 : i32
      %dma_start3A_147 = arith.constant 0 : i32
      %dma_start3A_148 = arith.constant 0 : i32
      %dma_start3A_149 = tpu.memref_slice %arg10[%dma_start3A_146, %dma_start3A_147, %dma_start3A_148] : memref<2x128x128xf32, #tpu.memory_space<vmem>> -> memref<1x128x128xf32, #tpu.memory_space<vmem>>
      %dma_start3A_150 = tpu.memref_squeeze %dma_start3A_149 : memref<1x128x128xf32, #tpu.memory_space<vmem>> -> memref<128x128xf32, #tpu.memory_space<vmem>>
      %dma_start3A_151 = arith.constant 0 : i32
      %dma_start3A_152 = tpu.memref_slice %arg7[%dma_start3A_145, %dma_start3A_151] : memref<2x128xi32, #tpu.memory_space<vmem>> -> memref<1x128xi32, #tpu.memory_space<vmem>>
      %dma_start3A_153 = tpu.memref_squeeze %dma_start3A_152 : memref<1x128xi32, #tpu.memory_space<vmem>> -> memref<128xi32, #tpu.memory_space<vmem>>
      %dma_start3A_154 = arith.constant 0 : i32
      %dma_start3A_155 = arith.constant 0 : i32
      %dma_start3A_156 = tpu.memref_slice %arg2[%dma_start3A_154, %dma_start3A_155] : memref<10240x128xf32, #tpu.memory_space<hbm>> -> memref<10240x128xf32, #tpu.memory_space<hbm>>
      tpu.enqueue_indirect_dma source(%dma_start3A_156 : memref<10240x128xf32, #tpu.memory_space<hbm>>) target(%dma_start3A_150 : memref<128x128xf32, #tpu.memory_space<vmem>>) offsets(%dma_start3A_153 : memref<128xi32, #tpu.memory_space<vmem>>) semaphore(%arg13 : memref<!tpu.dma_semaphore, #tpu.memory_space<semaphore_mem>>)
      %get3A_157 = arith.constant 1 : i32
      %get3A_158 = arith.index_cast %get3A_157 : i32 to index
      %get3A_159 = arith.constant 0 : index
      %get3A_160 = tpu.vector_load %arg7[%get3A_158, %get3A_159] {strides = array<i32>} : memref<2x128xi32, #tpu.memory_space<vmem>>, vector<1x16xi32>,
      %get3A_161 = vector.shape_cast %get3A_160 : vector<1x16xi32> to vector<16xi32>
      %swap3A_162 = arith.constant 0 : index
      %swap3A_163 = tpu.vector_load %arg9[%swap3A_162] {strides = array<i32>} : memref<128xi32, #tpu.memory_space<vmem>>, vector<16xi32>,
      %swap3A_164 = vector.shape_cast %swap3A_163 : vector<16xi32> to vector<16xi32>
      %swap3A_165 = vector.shape_cast %get3A_161 : vector<16xi32> to vector<16xi32>
      tpu.vector_store %arg9[%swap3A_162], %swap3A_165 {strides = array<i32>} : memref<128xi32, #tpu.memory_space<vmem>>, vector<16xi32>,
      %get3A_166 = arith.constant 1 : i32
      %get3A_167 = arith.index_cast %get3A_166 : i32 to index
      %get3A_168 = arith.constant 16 : index
      %get3A_169 = tpu.vector_load %arg7[%get3A_167, %get3A_168] {strides = array<i32>} : memref<2x128xi32, #tpu.memory_space<vmem>>, vector<1x16xi32>,
      %get3A_170 = vector.shape_cast %get3A_169 : vector<1x16xi32> to vector<16xi32>
      %swap3A_171 = arith.constant 16 : index
      %swap3A_172 = tpu.vector_load %arg9[%swap3A_171] {strides = array<i32>} : memref<128xi32, #tpu.memory_space<vmem>>, vector<16xi32>,
      %swap3A_173 = vector.shape_cast %swap3A_172 : vector<16xi32> to vector<16xi32>
      %swap3A_174 = vector.shape_cast %get3A_170 : vector<16xi32> to vector<16xi32>
      tpu.vector_store %arg9[%swap3A_171], %swap3A_174 {strides = array<i32>} : memref<128xi32, #tpu.memory_space<vmem>>, vector<16xi32>,
      %get3A_175 = arith.constant 1 : i32
      %get3A_176 = arith.index_cast %get3A_175 : i32 to index
      %get3A_177 = arith.constant 32 : index
      %get3A_178 = tpu.vector_load %arg7[%get3A_176, %get3A_177] {strides = array<i32>} : memref<2x128xi32, #tpu.memory_space<vmem>>, vector<1x16xi32>,
      %get3A_179 = vector.shape_cast %get3A_178 : vector<1x16xi32> to vector<16xi32>
      %swap3A_180 = arith.constant 32 : index
      %swap3A_181 = tpu.vector_load %arg9[%swap3A_180] {strides = array<i32>} : memref<128xi32, #tpu.memory_space<vmem>>, vector<16xi32>,
      %swap3A_182 = vector.shape_cast %swap3A_181 : vector<16xi32> to vector<16xi32>
      %swap3A_183 = vector.shape_cast %get3A_179 : vector<16xi32> to vector<16xi32>
      tpu.vector_store %arg9[%swap3A_180], %swap3A_183 {strides = array<i32>} : memref<128xi32, #tpu.memory_space<vmem>>, vector<16xi32>,
      %get3A_184 = arith.constant 1 : i32
      %get3A_185 = arith.index_cast %get3A_184 : i32 to index
      %get3A_186 = arith.constant 48 : index
      %get3A_187 = tpu.vector_load %arg7[%get3A_185, %get3A_186] {strides = array<i32>} : memref<2x128xi32, #tpu.memory_space<vmem>>, vector<1x16xi32>,
      %get3A_188 = vector.shape_cast %get3A_187 : vector<1x16xi32> to vector<16xi32>
      %swap3A_189 = arith.constant 48 : index
      %swap3A_190 = tpu.vector_load %arg9[%swap3A_189] {strides = array<i32>} : memref<128xi32, #tpu.memory_space<vmem>>, vector<16xi32>,
      %swap3A_191 = vector.shape_cast %swap3A_190 : vector<16xi32> to vector<16xi32>
      %swap3A_192 = vector.shape_cast %get3A_188 : vector<16xi32> to vector<16xi32>
      tpu.vector_store %arg9[%swap3A_189], %swap3A_192 {strides = array<i32>} : memref<128xi32, #tpu.memory_space<vmem>>, vector<16xi32>,
      %get3A_193 = arith.constant 1 : i32
      %get3A_194 = arith.index_cast %get3A_193 : i32 to index
      %get3A_195 = arith.constant 64 : index
      %get3A_196 = tpu.vector_load %arg7[%get3A_194, %get3A_195] {strides = array<i32>} : memref<2x128xi32, #tpu.memory_space<vmem>>, vector<1x16xi32>,
      %get3A_197 = vector.shape_cast %get3A_196 : vector<1x16xi32> to vector<16xi32>
      %swap3A_198 = arith.constant 64 : index
      %swap3A_199 = tpu.vector_load %arg9[%swap3A_198] {strides = array<i32>} : memref<128xi32, #tpu.memory_space<vmem>>, vector<16xi32>,
      %swap3A_200 = vector.shape_cast %swap3A_199 : vector<16xi32> to vector<16xi32>
      %swap3A_201 = vector.shape_cast %get3A_197 : vector<16xi32> to vector<16xi32>
      tpu.vector_store %arg9[%swap3A_198], %swap3A_201 {strides = array<i32>} : memref<128xi32, #tpu.memory_space<vmem>>, vector<16xi32>,
      %get3A_202 = arith.constant 1 : i32
      %get3A_203 = arith.index_cast %get3A_202 : i32 to index
      %get3A_204 = arith.constant 80 : index
      %get3A_205 = tpu.vector_load %arg7[%get3A_203, %get3A_204] {strides = array<i32>} : memref<2x128xi32, #tpu.memory_space<vmem>>, vector<1x16xi32>,
      %get3A_206 = vector.shape_cast %get3A_205 : vector<1x16xi32> to vector<16xi32>
      %swap3A_207 = arith.constant 80 : index
      %swap3A_208 = tpu.vector_load %arg9[%swap3A_207] {strides = array<i32>} : memref<128xi32, #tpu.memory_space<vmem>>, vector<16xi32>,
      %swap3A_209 = vector.shape_cast %swap3A_208 : vector<16xi32> to vector<16xi32>
      %swap3A_210 = vector.shape_cast %get3A_206 : vector<16xi32> to vector<16xi32>
      tpu.vector_store %arg9[%swap3A_207], %swap3A_210 {strides = array<i32>} : memref<128xi32, #tpu.memory_space<vmem>>, vector<16xi32>,
      %get3A_211 = arith.constant 1 : i32
      %get3A_212 = arith.index_cast %get3A_211 : i32 to index
      %get3A_213 = arith.constant 96 : index
      %get3A_214 = tpu.vector_load %arg7[%get3A_212, %get3A_213] {strides = array<i32>} : memref<2x128xi32, #tpu.memory_space<vmem>>, vector<1x16xi32>,
      %get3A_215 = vector.shape_cast %get3A_214 : vector<1x16xi32> to vector<16xi32>
      %swap3A_216 = arith.constant 96 : index
      %swap3A_217 = tpu.vector_load %arg9[%swap3A_216] {strides = array<i32>} : memref<128xi32, #tpu.memory_space<vmem>>, vector<16xi32>,
      %swap3A_218 = vector.shape_cast %swap3A_217 : vector<16xi32> to vector<16xi32>
      %swap3A_219 = vector.shape_cast %get3A_215 : vector<16xi32> to vector<16xi32>
      tpu.vector_store %arg9[%swap3A_216], %swap3A_219 {strides = array<i32>} : memref<128xi32, #tpu.memory_space<vmem>>, vector<16xi32>,
      %get3A_220 = arith.constant 1 : i32
      %get3A_221 = arith.index_cast %get3A_220 : i32 to index
      %get3A_222 = arith.constant 112 : index
      %get3A_223 = tpu.vector_load %arg7[%get3A_221, %get3A_222] {strides = array<i32>} : memref<2x128xi32, #tpu.memory_space<vmem>>, vector<1x16xi32>,
      %get3A_224 = vector.shape_cast %get3A_223 : vector<1x16xi32> to vector<16xi32>
      %swap3A_225 = arith.constant 112 : index
      %swap3A_226 = tpu.vector_load %arg9[%swap3A_225] {strides = array<i32>} : memref<128xi32, #tpu.memory_space<vmem>>, vector<16xi32>,
      %swap3A_227 = vector.shape_cast %swap3A_226 : vector<16xi32> to vector<16xi32>
      %swap3A_228 = vector.shape_cast %get3A_224 : vector<16xi32> to vector<16xi32>
      tpu.vector_store %arg9[%swap3A_225], %swap3A_228 {strides = array<i32>} : memref<128xi32, #tpu.memory_space<vmem>>, vector<16xi32>,
      %dma_wait3A_229 = arith.constant 0 : i32
      %dma_wait3A_230 = arith.constant 0 : i32
      %dma_wait3A_231 = arith.constant 0 : i32
      %dma_wait3A_232 = arith.constant 0 : i32
      %dma_wait3A_233 = tpu.memref_slice %arg10[%dma_wait3A_230, %dma_wait3A_231, %dma_wait3A_232] : memref<2x128x128xf32, #tpu.memory_space<vmem>> -> memref<1x128x128xf32, #tpu.memory_space<vmem>>
      %dma_wait3A_234 = tpu.memref_squeeze %dma_wait3A_233 : memref<1x128x128xf32, #tpu.memory_space<vmem>> -> memref<128x128xf32, #tpu.memory_space<vmem>>
      %dma_wait3A_235 = arith.constant 0 : i32
      %dma_wait3A_236 = tpu.memref_slice %arg6[%dma_wait3A_229, %dma_wait3A_235] : memref<2x128xi32, #tpu.memory_space<vmem>> -> memref<1x128xi32, #tpu.memory_space<vmem>>
      %dma_wait3A_237 = tpu.memref_squeeze %dma_wait3A_236 : memref<1x128xi32, #tpu.memory_space<vmem>> -> memref<128xi32, #tpu.memory_space<vmem>>
      %dma_wait3A_238 = arith.constant 0 : i32
      %dma_wait3A_239 = arith.constant 0 : i32
      %dma_wait3A_240 = tpu.memref_slice %arg2[%dma_wait3A_238, %dma_wait3A_239] : memref<10240x128xf32, #tpu.memory_space<hbm>> -> memref<10240x128xf32, #tpu.memory_space<hbm>>
      tpu.wait_indirect_dma semaphore(%arg12 : memref<!tpu.dma_semaphore, #tpu.memory_space<semaphore_mem>>) src(%dma_wait3A_240 : memref<10240x128xf32, #tpu.memory_space<hbm>>) dst(%dma_wait3A_234 : memref<128x128xf32, #tpu.memory_space<vmem>>)
      %dma_start3A_241 = arith.constant 0 : i32
      %dma_start3A_242 = arith.constant 0 : i32
      %dma_start3A_243 = arith.constant 0 : i32
      %dma_start3A_244 = tpu.memref_slice %arg10[%dma_start3A_241, %dma_start3A_242, %dma_start3A_243] : memref<2x128x128xf32, #tpu.memory_space<vmem>> -> memref<1x128x128xf32, #tpu.memory_space<vmem>>
      %dma_start3A_245 = tpu.memref_squeeze %dma_start3A_244 : memref<1x128x128xf32, #tpu.memory_space<vmem>> -> memref<128x128xf32, #tpu.memory_space<vmem>>
      %dma_start3A_246 = arith.constant 0 : i32
      %dma_start3A_247 = arith.constant 0 : i32
      %dma_start3A_248 = tpu.memref_slice %arg5[%dma_start3A_246, %dma_start3A_247] : memref<10240x128xf32, #tpu.memory_space<vmem_shared>> -> memref<10240x128xf32, #tpu.memory_space<vmem_shared>>
      tpu.enqueue_indirect_dma source(%dma_start3A_245 : memref<128x128xf32, #tpu.memory_space<vmem>>) target(%dma_start3A_248 : memref<10240x128xf32, #tpu.memory_space<vmem_shared>>) offsets(%arg8 : memref<128xi32, #tpu.memory_space<vmem>>) semaphore(%arg14 : memref<!tpu.dma_semaphore, #tpu.memory_space<semaphore_mem>>) {add = true}
      %dma_wait3A_249 = arith.constant 0 : i32
      %dma_wait3A_250 = arith.constant 1 : i32
      %dma_wait3A_251 = arith.constant 0 : i32
      %dma_wait3A_252 = arith.constant 0 : i32
      %dma_wait3A_253 = tpu.memref_slice %arg10[%dma_wait3A_250, %dma_wait3A_251, %dma_wait3A_252] : memref<2x128x128xf32, #tpu.memory_space<vmem>> -> memref<1x128x128xf32, #tpu.memory_space<vmem>>
      %dma_wait3A_254 = tpu.memref_squeeze %dma_wait3A_253 : memref<1x128x128xf32, #tpu.memory_space<vmem>> -> memref<128x128xf32, #tpu.memory_space<vmem>>
      %dma_wait3A_255 = arith.constant 0 : i32
      %dma_wait3A_256 = tpu.memref_slice %arg7[%dma_wait3A_249, %dma_wait3A_255] : memref<2x128xi32, #tpu.memory_space<vmem>> -> memref<1x128xi32, #tpu.memory_space<vmem>>
      %dma_wait3A_257 = tpu.memref_squeeze %dma_wait3A_256 : memref<1x128xi32, #tpu.memory_space<vmem>> -> memref<128xi32, #tpu.memory_space<vmem>>
      %dma_wait3A_258 = arith.constant 0 : i32
      %dma_wait3A_259 = arith.constant 0 : i32
      %dma_wait3A_260 = tpu.memref_slice %arg2[%dma_wait3A_258, %dma_wait3A_259] : memref<10240x128xf32, #tpu.memory_space<hbm>> -> memref<10240x128xf32, #tpu.memory_space<hbm>>
      tpu.wait_indirect_dma semaphore(%arg13 : memref<!tpu.dma_semaphore, #tpu.memory_space<semaphore_mem>>) src(%dma_wait3A_260 : memref<10240x128xf32, #tpu.memory_space<hbm>>) dst(%dma_wait3A_254 : memref<128x128xf32, #tpu.memory_space<vmem>>)
      %dma_start3A_261 = arith.constant 1 : i32
      %dma_start3A_262 = arith.constant 0 : i32
      %dma_start3A_263 = arith.constant 0 : i32
      %dma_start3A_264 = tpu.memref_slice %arg10[%dma_start3A_261, %dma_start3A_262, %dma_start3A_263] : memref<2x128x128xf32, #tpu.memory_space<vmem>> -> memref<1x128x128xf32, #tpu.memory_space<vmem>>
      %dma_start3A_265 = tpu.memref_squeeze %dma_start3A_264 : memref<1x128x128xf32, #tpu.memory_space<vmem>> -> memref<128x128xf32, #tpu.memory_space<vmem>>
      %dma_start3A_266 = arith.constant 0 : i32
      %dma_start3A_267 = arith.constant 0 : i32
      %dma_start3A_268 = tpu.memref_slice %arg5[%dma_start3A_266, %dma_start3A_267] : memref<10240x128xf32, #tpu.memory_space<vmem_shared>> -> memref<10240x128xf32, #tpu.memory_space<vmem_shared>>
      tpu.enqueue_indirect_dma source(%dma_start3A_265 : memref<128x128xf32, #tpu.memory_space<vmem>>) target(%dma_start3A_268 : memref<10240x128xf32, #tpu.memory_space<vmem_shared>>) offsets(%arg9 : memref<128xi32, #tpu.memory_space<vmem>>) semaphore(%arg15 : memref<!tpu.dma_semaphore, #tpu.memory_space<semaphore_mem>>) {add = true}
      %scan3A_269 = arith.constant 0 : i32
      scf.yield %scan3A_269 : i32
    }
    %scan3A_20 = arith.constant 40 : i32
    %dma_wait3A = arith.constant 0 : i32
    %dma_wait3A_21 = arith.constant 0 : i32
    %dma_wait3A_22 = arith.constant 0 : i32
    %dma_wait3A_23 = tpu.memref_slice %arg10[%dma_wait3A, %dma_wait3A_21, %dma_wait3A_22] : memref<2x128x128xf32, #tpu.memory_space<vmem>> -> memref<1x128x128xf32, #tpu.memory_space<vmem>>
    %dma_wait3A_24 = tpu.memref_squeeze %dma_wait3A_23 : memref<1x128x128xf32, #tpu.memory_space<vmem>> -> memref<128x128xf32, #tpu.memory_space<vmem>>
    %dma_wait3A_25 = arith.constant 0 : i32
    %dma_wait3A_26 = arith.constant 0 : i32
    %dma_wait3A_27 = tpu.memref_slice %arg5[%dma_wait3A_25, %dma_wait3A_26] : memref<10240x128xf32, #tpu.memory_space<vmem_shared>> -> memref<10240x128xf32, #tpu.memory_space<vmem_shared>>
    tpu.wait_indirect_dma semaphore(%arg14 : memref<!tpu.dma_semaphore, #tpu.memory_space<semaphore_mem>>) src(%dma_wait3A_24 : memref<128x128xf32, #tpu.memory_space<vmem>>) dst(%dma_wait3A_27 : memref<10240x128xf32, #tpu.memory_space<vmem_shared>>)
    %dma_wait3A_28 = arith.constant 1 : i32
    %dma_wait3A_29 = arith.constant 0 : i32
    %dma_wait3A_30 = arith.constant 0 : i32
    %dma_wait3A_31 = tpu.memref_slice %arg10[%dma_wait3A_28, %dma_wait3A_29, %dma_wait3A_30] : memref<2x128x128xf32, #tpu.memory_space<vmem>> -> memref<1x128x128xf32, #tpu.memory_space<vmem>>
    %dma_wait3A_32 = tpu.memref_squeeze %dma_wait3A_31 : memref<1x128x128xf32, #tpu.memory_space<vmem>> -> memref<128x128xf32, #tpu.memory_space<vmem>>
    %dma_wait3A_33 = arith.constant 0 : i32
    %dma_wait3A_34 = arith.constant 0 : i32
    %dma_wait3A_35 = tpu.memref_slice %arg5[%dma_wait3A_33, %dma_wait3A_34] : memref<10240x128xf32, #tpu.memory_space<vmem_shared>> -> memref<10240x128xf32, #tpu.memory_space<vmem_shared>>
    tpu.wait_indirect_dma semaphore(%arg15 : memref<!tpu.dma_semaphore, #tpu.memory_space<semaphore_mem>>) src(%dma_wait3A_32 : memref<128x128xf32, #tpu.memory_space<vmem>>) dst(%dma_wait3A_35 : memref<10240x128xf32, #tpu.memory_space<vmem_shared>>)
    %barrier3A_36 = arith.constant 0 : index
    tpu.barrier barrier_id(%barrier3A_36)
    %mul3A_37 = arith.constant 640 : i32
    %mul3A_38 = arith.muli %arg1, %mul3A_37 : i32
    %mul3A_39 = arith.constant 640 : i32
    %mul3A_40 = arith.muli %arg1, %mul3A_39 : i32
    "tpu.region"() ({
      %run_scoped3A = tpu.sem_alloc : memref<!tpu.dma_semaphore, #tpu.memory_space<semaphore_mem>>
      %dma_start3A = arith.constant 0 : i32
      %dma_start3A_41 = tpu.memref_slice %arg4[%arg0, %mul3A_40, %dma_start3A] : memref<2x10240x128xf32, #tpu.memory_space<hbm>> -> memref<1x640x128xf32, #tpu.memory_space<hbm>>
      %dma_start3A_42 = tpu.memref_squeeze %dma_start3A_41 : memref<1x640x128xf32, #tpu.memory_space<hbm>> -> memref<640x128xf32, #tpu.memory_space<hbm>>
      %dma_start3A_43 = arith.constant 0 : i32
      %dma_start3A_44 = tpu.memref_slice %arg5[%mul3A_38, %dma_start3A_43] : memref<10240x128xf32, #tpu.memory_space<vmem_shared>> -> memref<640x128xf32, #tpu.memory_space<vmem_shared>>
      tpu.enqueue_dma source(%dma_start3A_44 : memref<640x128xf32, #tpu.memory_space<vmem_shared>>) target(%dma_start3A_42 : memref<640x128xf32, #tpu.memory_space<hbm>>) target_semaphore(%run_scoped3A : memref<!tpu.dma_semaphore, #tpu.memory_space<semaphore_mem>>)
      %dma_wait3A_45 = arith.constant 0 : i32
      %dma_wait3A_46 = tpu.memref_slice %arg4[%arg0, %mul3A_40, %dma_wait3A_45] : memref<2x10240x128xf32, #tpu.memory_space<hbm>> -> memref<1x640x128xf32, #tpu.memory_space<hbm>>
      %dma_wait3A_47 = tpu.memref_squeeze %dma_wait3A_46 : memref<1x640x128xf32, #tpu.memory_space<hbm>> -> memref<640x128xf32, #tpu.memory_space<hbm>>
      %dma_wait3A_48 = arith.constant 0 : i32
      %dma_wait3A_49 = tpu.memref_slice %arg5[%mul3A_38, %dma_wait3A_48] : memref<10240x128xf32, #tpu.memory_space<vmem_shared>> -> memref<640x128xf32, #tpu.memory_space<vmem_shared>>
      tpu.wait_dma2 semaphore(%run_scoped3A : memref<!tpu.dma_semaphore, #tpu.memory_space<semaphore_mem>>) src(%dma_wait3A_49 : memref<640x128xf32, #tpu.memory_space<vmem_shared>>) dst(%dma_wait3A_47 : memref<640x128xf32, #tpu.memory_space<hbm>>)
      tpu.yield
    }) : () -> ()
    return
  }
}

module attributes {stable_mosaic.version = 14 : i64} {
  func.func @_tc1_body(%arg0: i32, %arg1: memref<512x128xf32, #tpu.memory_space<vmem>>, %arg2: memref<128x128xf32, #tpu.memory_space<vmem>>, %arg3: memref<512xf32, #tpu.memory_space<vmem>>, %arg4: memref<512xf32, #tpu.memory_space<vmem>>, %arg5: memref<512x128xf32, #tpu.memory_space<vmem>>) attributes {dimension_semantics = [#tpu.dimension_semantics<arbitrary>], iteration_bounds = array<i64: 20>, scalar_prefetch = 0 : i64, scratch_operands = 0 : i64, tpu.core_type = #tpu.core_type<tc>, window_params = [{transform_indices = @transform_0, window_bounds = array<i64: 512, 128>}, {pipeline_mode = #tpu.pipeline_mode<synchronous>, transform_indices = @transform_1, window_bounds = array<i64: 128, 128>}, {transform_indices = @transform_2, window_bounds = array<i64: 512>}, {transform_indices = @transform_3, window_bounds = array<i64: 512>}, {transform_indices = @transform_4, window_bounds = array<i64: 512, 128>}]} {
    %get3A = arith.constant 0 : index
    %get3A_0 = vector.load %arg3[%get3A] : memref<512xf32, #tpu.memory_space<vmem>>, vector<512xf32>
    %get3A_1 = arith.constant 0 : index
    %get3A_2 = vector.load %arg4[%get3A_1] : memref<512xf32, #tpu.memory_space<vmem>>, vector<512xf32>
    %add3A = arith.addf %get3A_0, %get3A_2 : vector<512xf32>
    %max3A = arith.constant 1.000000e+00 : f32
    %max3A_3 = vector.broadcast %max3A : f32 to vector<512xf32>
    %max3A_4 = arith.maximumf %add3A, %max3A_3 : vector<512xf32>
    %rsqrt3A = math.rsqrt %max3A_4 : vector<512xf32>
    %get3A_5 = arith.constant 0 : index
    %get3A_6 = arith.constant 0 : index
    %get3A_7 = vector.load %arg1[%get3A_5, %get3A_6] : memref<512x128xf32, #tpu.memory_space<vmem>>, vector<512x128xf32>
    %get3A_8 = arith.constant 0 : index
    %get3A_9 = arith.constant 0 : index
    %get3A_10 = vector.load %arg2[%get3A_8, %get3A_9] : memref<128x128xf32, #tpu.memory_space<vmem>>, vector<128x128xf32>
    %dot_general3A = arith.constant dense<0.000000e+00> : vector<512x128xf32>
    %dot_general3A_11 = tpu.matmul %get3A_7, %get3A_10, %dot_general3A {dimension_numbers = #tpu.dot_dimension_numbers<[1], [0], [0], [1], [0, 0, 1, 1], [], []>, transpose_lhs_hint = false} : vector<512x128xf32>, vector<128x128xf32>, vector<512x128xf32> -> vector<512x128xf32>
    %broadcast_in_dim3A = vector.shape_cast %rsqrt3A : vector<512xf32> to vector<512x1xf32>
    %mul3A = vector.broadcast %broadcast_in_dim3A : vector<512x1xf32> to vector<512x128xf32>
    %mul3A_12 = arith.mulf %dot_general3A_11, %mul3A : vector<512x128xf32>
    %swap3A = arith.constant 0 : index
    %swap3A_13 = arith.constant 0 : index
    %swap3A_14 = vector.load %arg5[%swap3A, %swap3A_13] : memref<512x128xf32, #tpu.memory_space<vmem>>, vector<512x128xf32>
    tpu.vector_store %arg5[%swap3A, %swap3A_13], %mul3A_12 {strides = array<i32>} : memref<512x128xf32, #tpu.memory_space<vmem>>, vector<512x128xf32>,
    return
  }
  func.func @transform_0(%arg0: i32) -> (i32, i32) {
    %c0_i32 = arith.constant 0 : i32
    %c0_i32_0 = arith.constant 0 : i32
    return %arg0, %c0_i32 : i32, i32
  }
  func.func @transform_1(%arg0: i32) -> (i32, i32) {
    %c0_i32 = arith.constant 0 : i32
    %c0_i32_0 = arith.constant 0 : i32
    %c0_i32_1 = arith.constant 0 : i32
    return %c0_i32, %c0_i32_0 : i32, i32
  }
  func.func @transform_2(%arg0: i32) -> i32 {
    %c0_i32 = arith.constant 0 : i32
    return %arg0 : i32
  }
  func.func @transform_3(%arg0: i32) -> i32 {
    %c0_i32 = arith.constant 0 : i32
    return %arg0 : i32
  }
  func.func @transform_4(%arg0: i32) -> (i32, i32) {
    %c0_i32 = arith.constant 0 : i32
    %c0_i32_0 = arith.constant 0 : i32
    return %arg0, %c0_i32 : i32, i32
  }
}

module attributes {stable_mosaic.version = 14 : i64} {
  func.func @_tc2_body(%arg0: i32, %arg1: memref<512x128xf32, #tpu.memory_space<vmem>>, %arg2: memref<512x128xf32, #tpu.memory_space<vmem>>, %arg3: memref<512xf32, #tpu.memory_space<vmem>>, %arg4: memref<512xf32, #tpu.memory_space<vmem>>, %arg5: memref<512xf32, #tpu.memory_space<vmem>>, %arg6: memref<512xf32, #tpu.memory_space<vmem>>, %arg7: memref<128xf32, #tpu.memory_space<vmem>>, %arg8: memref<128xf32, #tpu.memory_space<vmem>>, %arg9: memref<128xf32, #tpu.memory_space<vmem>>, %arg10: memref<128x128xf32, #tpu.memory_space<vmem>>, %arg11: memref<512x128xf32, #tpu.memory_space<vmem>>) attributes {dimension_semantics = [#tpu.dimension_semantics<arbitrary>], iteration_bounds = array<i64: 20>, scalar_prefetch = 0 : i64, scratch_operands = 0 : i64, tpu.core_type = #tpu.core_type<tc>, window_params = [{transform_indices = @transform_0, window_bounds = array<i64: 512, 128>}, {transform_indices = @transform_1, window_bounds = array<i64: 512, 128>}, {transform_indices = @transform_2, window_bounds = array<i64: 512>}, {transform_indices = @transform_3, window_bounds = array<i64: 512>}, {transform_indices = @transform_4, window_bounds = array<i64: 512>}, {transform_indices = @transform_5, window_bounds = array<i64: 512>}, {pipeline_mode = #tpu.pipeline_mode<synchronous>, transform_indices = @transform_6, window_bounds = array<i64: 128>}, {pipeline_mode = #tpu.pipeline_mode<synchronous>, transform_indices = @transform_7, window_bounds = array<i64: 128>}, {pipeline_mode = #tpu.pipeline_mode<synchronous>, transform_indices = @transform_8, window_bounds = array<i64: 128>}, {pipeline_mode = #tpu.pipeline_mode<synchronous>, transform_indices = @transform_9, window_bounds = array<i64: 128, 128>}, {transform_indices = @transform_10, window_bounds = array<i64: 512, 128>}]} {
    %get3A = arith.constant 0 : index
    %get3A_0 = arith.constant 0 : index
    %get3A_1 = vector.load %arg1[%get3A, %get3A_0] : memref<512x128xf32, #tpu.memory_space<vmem>>, vector<512x128xf32>
    %get3A_2 = arith.constant 0 : index
    %get3A_3 = arith.constant 0 : index
    %get3A_4 = vector.load %arg2[%get3A_2, %get3A_3] : memref<512x128xf32, #tpu.memory_space<vmem>>, vector<512x128xf32>
    %add3A = arith.addf %get3A_1, %get3A_4 : vector<512x128xf32>
    %get3A_5 = arith.constant 0 : index
    %get3A_6 = vector.load %arg3[%get3A_5] : memref<512xf32, #tpu.memory_space<vmem>>, vector<512xf32>
    %get3A_7 = arith.constant 0 : index
    %get3A_8 = vector.load %arg4[%get3A_7] : memref<512xf32, #tpu.memory_space<vmem>>, vector<512xf32>
    %add3A_9 = arith.addf %get3A_6, %get3A_8 : vector<512xf32>
    %max3A = arith.constant 1.000000e+00 : f32
    %max3A_10 = vector.broadcast %max3A : f32 to vector<512xf32>
    %max3A_11 = arith.maximumf %add3A_9, %max3A_10 : vector<512xf32>
    %rsqrt3A = math.rsqrt %max3A_11 : vector<512xf32>
    %get3A_12 = arith.constant 0 : index
    %get3A_13 = vector.load %arg8[%get3A_12] : memref<128xf32, #tpu.memory_space<vmem>>, vector<128xf32>
    %broadcast_in_dim3A = vector.shape_cast %rsqrt3A : vector<512xf32> to vector<512x1xf32>
    %mul3A = vector.broadcast %broadcast_in_dim3A : vector<512x1xf32> to vector<512x128xf32>
    %mul3A_14 = arith.mulf %add3A, %mul3A : vector<512x128xf32>
    %get3A_15 = arith.constant 0 : index
    %get3A_16 = vector.load %arg7[%get3A_15] : memref<128xf32, #tpu.memory_space<vmem>>, vector<128xf32>
    %broadcast_in_dim3A_17 = vector.shape_cast %get3A_16 : vector<128xf32> to vector<1x128xf32>
    %add3A_18 = vector.broadcast %broadcast_in_dim3A_17 : vector<1x128xf32> to vector<512x128xf32>
    %add3A_19 = arith.addf %mul3A_14, %add3A_18 : vector<512x128xf32>
    %broadcast_in_dim3A_20 = vector.shape_cast %get3A_13 : vector<128xf32> to vector<1x128xf32>
    %mul3A_21 = vector.broadcast %broadcast_in_dim3A_20 : vector<1x128xf32> to vector<512x128xf32>
    %mul3A_22 = arith.mulf %mul3A_21, %add3A_19 : vector<512x128xf32>
    %get3A_23 = arith.constant 0 : index
    %get3A_24 = vector.load %arg9[%get3A_23] : memref<128xf32, #tpu.memory_space<vmem>>, vector<128xf32>
    %broadcast_in_dim3A_25 = vector.shape_cast %get3A_24 : vector<128xf32> to vector<1x128xf32>
    %add3A_26 = vector.broadcast %broadcast_in_dim3A_25 : vector<1x128xf32> to vector<512x128xf32>
    %add3A_27 = arith.addf %mul3A_22, %add3A_26 : vector<512x128xf32>
    %max3A_28 = arith.constant 0.000000e+00 : f32
    %max3A_29 = vector.broadcast %max3A_28 : f32 to vector<512x128xf32>
    %max3A_30 = arith.maximumf %add3A_27, %max3A_29 : vector<512x128xf32>
    %get3A_31 = arith.constant 0 : index
    %get3A_32 = vector.load %arg5[%get3A_31] : memref<512xf32, #tpu.memory_space<vmem>>, vector<512xf32>
    %get3A_33 = arith.constant 0 : index
    %get3A_34 = vector.load %arg6[%get3A_33] : memref<512xf32, #tpu.memory_space<vmem>>, vector<512xf32>
    %add3A_35 = arith.addf %get3A_32, %get3A_34 : vector<512xf32>
    %max3A_36 = arith.constant 1.000000e+00 : f32
    %max3A_37 = vector.broadcast %max3A_36 : f32 to vector<512xf32>
    %max3A_38 = arith.maximumf %add3A_35, %max3A_37 : vector<512xf32>
    %rsqrt3A_39 = math.rsqrt %max3A_38 : vector<512xf32>
    %get3A_40 = arith.constant 0 : index
    %get3A_41 = arith.constant 0 : index
    %get3A_42 = vector.load %arg10[%get3A_40, %get3A_41] : memref<128x128xf32, #tpu.memory_space<vmem>>, vector<128x128xf32>
    %dot_general3A = arith.constant dense<0.000000e+00> : vector<512x128xf32>
    %dot_general3A_43 = tpu.matmul %max3A_30, %get3A_42, %dot_general3A {dimension_numbers = #tpu.dot_dimension_numbers<[1], [0], [0], [1], [0, 0, 1, 1], [], []>, transpose_lhs_hint = false} : vector<512x128xf32>, vector<128x128xf32>, vector<512x128xf32> -> vector<512x128xf32>
    %broadcast_in_dim3A_44 = vector.shape_cast %rsqrt3A_39 : vector<512xf32> to vector<512x1xf32>
    %mul3A_45 = vector.broadcast %broadcast_in_dim3A_44 : vector<512x1xf32> to vector<512x128xf32>
    %mul3A_46 = arith.mulf %dot_general3A_43, %mul3A_45 : vector<512x128xf32>
    %swap3A = arith.constant 0 : index
    %swap3A_47 = arith.constant 0 : index
    %swap3A_48 = vector.load %arg11[%swap3A, %swap3A_47] : memref<512x128xf32, #tpu.memory_space<vmem>>, vector<512x128xf32>
    tpu.vector_store %arg11[%swap3A, %swap3A_47], %mul3A_46 {strides = array<i32>} : memref<512x128xf32, #tpu.memory_space<vmem>>, vector<512x128xf32>,
    return
  }
  func.func @transform_0(%arg0: i32) -> (i32, i32) {
    %c0_i32 = arith.constant 0 : i32
    %c0_i32_0 = arith.constant 0 : i32
    return %arg0, %c0_i32 : i32, i32
  }
  func.func @transform_1(%arg0: i32) -> (i32, i32) {
    %c0_i32 = arith.constant 0 : i32
    %c0_i32_0 = arith.constant 0 : i32
    return %arg0, %c0_i32 : i32, i32
  }
  func.func @transform_2(%arg0: i32) -> i32 {
    %c0_i32 = arith.constant 0 : i32
    return %arg0 : i32
  }
  func.func @transform_3(%arg0: i32) -> i32 {
    %c0_i32 = arith.constant 0 : i32
    return %arg0 : i32
  }
  func.func @transform_4(%arg0: i32) -> i32 {
    %c0_i32 = arith.constant 0 : i32
    return %arg0 : i32
  }
  func.func @transform_5(%arg0: i32) -> i32 {
    %c0_i32 = arith.constant 0 : i32
    return %arg0 : i32
  }
  func.func @transform_6(%arg0: i32) -> i32 {
    %c0_i32 = arith.constant 0 : i32
    %c0_i32_0 = arith.constant 0 : i32
    return %c0_i32 : i32
  }
  func.func @transform_7(%arg0: i32) -> i32 {
    %c0_i32 = arith.constant 0 : i32
    %c0_i32_0 = arith.constant 0 : i32
    return %c0_i32 : i32
  }
  func.func @transform_8(%arg0: i32) -> i32 {
    %c0_i32 = arith.constant 0 : i32
    %c0_i32_0 = arith.constant 0 : i32
    return %c0_i32 : i32
  }
  func.func @transform_9(%arg0: i32) -> (i32, i32) {
    %c0_i32 = arith.constant 0 : i32
    %c0_i32_0 = arith.constant 0 : i32
    %c0_i32_1 = arith.constant 0 : i32
    return %c0_i32, %c0_i32_0 : i32, i32
  }
  func.func @transform_10(%arg0: i32) -> (i32, i32) {
    %c0_i32 = arith.constant 0 : i32
    %c0_i32_0 = arith.constant 0 : i32
    return %arg0, %c0_i32 : i32, i32
  }
}

module attributes {stable_mosaic.version = 14 : i64} {
  func.func @_tc3_body(%arg0: i32, %arg1: memref<512x128xf32, #tpu.memory_space<vmem>>, %arg2: memref<512x128xf32, #tpu.memory_space<vmem>>, %arg3: memref<512xf32, #tpu.memory_space<vmem>>, %arg4: memref<512xf32, #tpu.memory_space<vmem>>, %arg5: memref<512xi32, #tpu.memory_space<vmem>>, %arg6: memref<128xf32, #tpu.memory_space<vmem>>, %arg7: memref<128xf32, #tpu.memory_space<vmem>>, %arg8: memref<128xf32, #tpu.memory_space<vmem>>, %arg9: memref<128x256xf32, #tpu.memory_space<vmem>>, %arg10: memref<256xf32, #tpu.memory_space<vmem>>, %arg11: memref<256x128xf32, #tpu.memory_space<vmem>>, %arg12: memref<128xf32, #tpu.memory_space<vmem>>, %arg13: memref<64x128xf32, #tpu.memory_space<vmem>>, %arg14: memref<256x256xf32, #tpu.memory_space<vmem>>, %arg15: memref<256xf32, #tpu.memory_space<vmem>>, %arg16: memref<256x128xf32, #tpu.memory_space<vmem>>, %arg17: memref<128xf32, #tpu.memory_space<vmem>>, %arg18: memref<128x2xf32, #tpu.memory_space<vmem>>, %arg19: memref<2xf32, #tpu.memory_space<vmem>>, %arg20: memref<64x2xf32, #tpu.memory_space<vmem>>, %arg21: memref<64x128xf32, #tpu.memory_space<vmem>>, %arg22: memref<64x128xf32, #tpu.memory_space<vmem>>) attributes {dimension_semantics = [#tpu.dimension_semantics<arbitrary>], iteration_bounds = array<i64: 20>, scalar_prefetch = 0 : i64, scratch_operands = 1 : i64, tpu.core_type = #tpu.core_type<tc>, window_params = [{transform_indices = @transform_0, window_bounds = array<i64: 512, 128>}, {transform_indices = @transform_1, window_bounds = array<i64: 512, 128>}, {transform_indices = @transform_2, window_bounds = array<i64: 512>}, {transform_indices = @transform_3, window_bounds = array<i64: 512>}, {transform_indices = @transform_4, window_bounds = array<i64: 512>}, {pipeline_mode = #tpu.pipeline_mode<synchronous>, transform_indices = @transform_5, window_bounds = array<i64: 128>}, {pipeline_mode = #tpu.pipeline_mode<synchronous>, transform_indices = @transform_6, window_bounds = array<i64: 128>}, {pipeline_mode = #tpu.pipeline_mode<synchronous>, transform_indices = @transform_7, window_bounds = array<i64: 128>}, {pipeline_mode = #tpu.pipeline_mode<synchronous>, transform_indices = @transform_8, window_bounds = array<i64: 128, 256>}, {pipeline_mode = #tpu.pipeline_mode<synchronous>, transform_indices = @transform_9, window_bounds = array<i64: 256>}, {pipeline_mode = #tpu.pipeline_mode<synchronous>, transform_indices = @transform_10, window_bounds = array<i64: 256, 128>}, {pipeline_mode = #tpu.pipeline_mode<synchronous>, transform_indices = @transform_11, window_bounds = array<i64: 128>}, {pipeline_mode = #tpu.pipeline_mode<synchronous>, transform_indices = @transform_12, window_bounds = array<i64: 64, 128>}, {pipeline_mode = #tpu.pipeline_mode<synchronous>, transform_indices = @transform_13, window_bounds = array<i64: 256, 256>}, {pipeline_mode = #tpu.pipeline_mode<synchronous>, transform_indices = @transform_14, window_bounds = array<i64: 256>}, {pipeline_mode = #tpu.pipeline_mode<synchronous>, transform_indices = @transform_15, window_bounds = array<i64: 256, 128>}, {pipeline_mode = #tpu.pipeline_mode<synchronous>, transform_indices = @transform_16, window_bounds = array<i64: 128>}, {pipeline_mode = #tpu.pipeline_mode<synchronous>, transform_indices = @transform_17, window_bounds = array<i64: 128, 2>}, {pipeline_mode = #tpu.pipeline_mode<synchronous>, transform_indices = @transform_18, window_bounds = array<i64: 2>}, {pipeline_mode = #tpu.pipeline_mode<synchronous>, transform_indices = @transform_19, window_bounds = array<i64: 64, 2>}, {pipeline_mode = #tpu.pipeline_mode<synchronous>, transform_indices = @transform_20, window_bounds = array<i64: 64, 128>}]} {
    %eq3A = arith.constant 0 : i32
    %eq3A_0 = arith.cmpi eq, %arg0, %eq3A : i32
    %convert_element_type3A = arith.extui %eq3A_0 : i1 to i32
    %cond3A = arith.constant 0 : i32
    %cond3A_1 = arith.cmpi ne, %convert_element_type3A, %cond3A : i32
    scf.if %cond3A_1 {
      %broadcast_in_dim3A_71 = arith.constant 0xFF800000 : f32
      %broadcast_in_dim3A_72 = vector.broadcast %broadcast_in_dim3A_71 : f32 to vector<64x128xf32>
      %swap3A = arith.constant 0 : index
      %swap3A_73 = arith.constant 0 : index
      %swap3A_74 = vector.load %arg22[%swap3A, %swap3A_73] : memref<64x128xf32, #tpu.memory_space<vmem>>, vector<64x128xf32>
      tpu.vector_store %arg22[%swap3A, %swap3A_73], %broadcast_in_dim3A_72 {strides = array<i32>} : memref<64x128xf32, #tpu.memory_space<vmem>>, vector<64x128xf32>,
    } else {
    }
    %get3A = arith.constant 0 : index
    %get3A_2 = arith.constant 0 : index
    %get3A_3 = vector.load %arg1[%get3A, %get3A_2] : memref<512x128xf32, #tpu.memory_space<vmem>>, vector<512x128xf32>
    %get3A_4 = arith.constant 0 : index
    %get3A_5 = arith.constant 0 : index
    %get3A_6 = vector.load %arg2[%get3A_4, %get3A_5] : memref<512x128xf32, #tpu.memory_space<vmem>>, vector<512x128xf32>
    %add3A = arith.addf %get3A_3, %get3A_6 : vector<512x128xf32>
    %get3A_7 = arith.constant 0 : index
    %get3A_8 = vector.load %arg3[%get3A_7] : memref<512xf32, #tpu.memory_space<vmem>>, vector<512xf32>
    %get3A_9 = arith.constant 0 : index
    %get3A_10 = vector.load %arg4[%get3A_9] : memref<512xf32, #tpu.memory_space<vmem>>, vector<512xf32>
    %add3A_11 = arith.addf %get3A_8, %get3A_10 : vector<512xf32>
    %max3A = arith.constant 1.000000e+00 : f32
    %max3A_12 = vector.broadcast %max3A : f32 to vector<512xf32>
    %max3A_13 = arith.maximumf %add3A_11, %max3A_12 : vector<512xf32>
    %rsqrt3A = math.rsqrt %max3A_13 : vector<512xf32>
    %get3A_14 = arith.constant 0 : index
    %get3A_15 = vector.load %arg7[%get3A_14] : memref<128xf32, #tpu.memory_space<vmem>>, vector<128xf32>
    %broadcast_in_dim3A = vector.shape_cast %rsqrt3A : vector<512xf32> to vector<512x1xf32>
    %mul3A = vector.broadcast %broadcast_in_dim3A : vector<512x1xf32> to vector<512x128xf32>
    %mul3A_16 = arith.mulf %add3A, %mul3A : vector<512x128xf32>
    %get3A_17 = arith.constant 0 : index
    %get3A_18 = vector.load %arg6[%get3A_17] : memref<128xf32, #tpu.memory_space<vmem>>, vector<128xf32>
    %broadcast_in_dim3A_19 = vector.shape_cast %get3A_18 : vector<128xf32> to vector<1x128xf32>
    %add3A_20 = vector.broadcast %broadcast_in_dim3A_19 : vector<1x128xf32> to vector<512x128xf32>
    %add3A_21 = arith.addf %mul3A_16, %add3A_20 : vector<512x128xf32>
    %broadcast_in_dim3A_22 = vector.shape_cast %get3A_15 : vector<128xf32> to vector<1x128xf32>
    %mul3A_23 = vector.broadcast %broadcast_in_dim3A_22 : vector<1x128xf32> to vector<512x128xf32>
    %mul3A_24 = arith.mulf %mul3A_23, %add3A_21 : vector<512x128xf32>
    %get3A_25 = arith.constant 0 : index
    %get3A_26 = vector.load %arg8[%get3A_25] : memref<128xf32, #tpu.memory_space<vmem>>, vector<128xf32>
    %broadcast_in_dim3A_27 = vector.shape_cast %get3A_26 : vector<128xf32> to vector<1x128xf32>
    %add3A_28 = vector.broadcast %broadcast_in_dim3A_27 : vector<1x128xf32> to vector<512x128xf32>
    %add3A_29 = arith.addf %mul3A_24, %add3A_28 : vector<512x128xf32>
    %max3A_30 = arith.constant 0.000000e+00 : f32
    %max3A_31 = vector.broadcast %max3A_30 : f32 to vector<512x128xf32>
    %max3A_32 = arith.maximumf %add3A_29, %max3A_31 : vector<512x128xf32>
    %mul3A_33 = arith.constant 512 : i32
    %mul3A_34 = arith.muli %arg0, %mul3A_33 : i32
    %iota3A = tpu.iota {dimensions = array<i32: 1>} : vector<1x512xi32>
    %iota3A_35 = vector.shape_cast %iota3A : vector<1x512xi32> to vector<512xi32>
    %add3A_36 = vector.broadcast %mul3A_34 : i32 to vector<512xi32>
    %add3A_37 = arith.addi %add3A_36, %iota3A_35 : vector<512xi32>
    %lt3A = arith.constant 10000 : i32
    %lt3A_38 = vector.broadcast %lt3A : i32 to vector<512xi32>
    %lt3A_39 = arith.cmpi slt, %add3A_37, %lt3A_38 : vector<512xi32>
    %get3A_40 = arith.constant 0 : index
    %get3A_41 = vector.load %arg5[%get3A_40] : memref<512xi32, #tpu.memory_space<vmem>>, vector<512xi32>
    %jit3A = arith.constant 63 : i32
    %broadcast_in_dim3A_42 = vector.broadcast %jit3A : i32 to vector<512xi32>
    %select_n3A = arith.select %lt3A_39, %get3A_41, %broadcast_in_dim3A_42 : vector<512xi1>, vector<512xi32>
    %reduce_min3A = vector.shape_cast %select_n3A : vector<512xi32> to vector<1x512xi32>
    %reduce_min3A_43 = arith.constant dense<2147483647> : vector<1xi32>
    %reduce_min3A_44 = vector.multi_reduction <minsi>, %reduce_min3A, %reduce_min3A_43 [1] : vector<1x512xi32> to vector<1xi32>
    %reduce_min3A_45 = vector.shape_cast %reduce_min3A_44 : vector<1xi32> to vector<1x1xi32>
    %reduce_min3A_46 = vector.extract %reduce_min3A_45[0, 0] : i32 from vector<1x1xi32>
    %jit3A_47 = arith.constant 0 : i32
    %broadcast_in_dim3A_48 = vector.broadcast %jit3A_47 : i32 to vector<512xi32>
    %select_n3A_49 = arith.select %lt3A_39, %get3A_41, %broadcast_in_dim3A_48 : vector<512xi1>, vector<512xi32>
    %reduce_max3A = vector.shape_cast %select_n3A_49 : vector<512xi32> to vector<1x512xi32>
    %reduce_max3A_50 = arith.constant dense<-2147483648> : vector<1xi32>
    %reduce_max3A_51 = vector.multi_reduction <maxsi>, %reduce_max3A, %reduce_max3A_50 [1] : vector<1x512xi32> to vector<1xi32>
    %reduce_max3A_52 = vector.shape_cast %reduce_max3A_51 : vector<1xi32> to vector<1x1xi32>
    %reduce_max3A_53 = vector.extract %reduce_max3A_52[0, 0] : i32 from vector<1x1xi32>
    %add3A_54 = arith.constant 1 : i32
    %add3A_55 = arith.addi %reduce_max3A_53, %add3A_54 : i32
    %while3A = arith.constant 0 : i32
    %while3A_56 = arith.subi %add3A_55, %reduce_min3A_46 : i32
    %while3A_57 = arith.addi %reduce_min3A_46, %while3A_56 : i32
    %while3A_58 = arith.constant 1 : i32
    %while3A_59 = arith.divsi %while3A_56, %while3A_58 : i32
    %while3A_60 = arith.muli %while3A_59, %while3A_58 : i32
    %while3A_61 = arith.addi %reduce_min3A_46, %while3A_60 : i32
    %while3A_62 = arith.constant 1 : i32
    %while3A_63 = scf.for %while3A_71 = %reduce_min3A_46 to %while3A_61 step %while3A_62 iter_args(%while3A_72 = %while3A) -> (i32)  : i32 {
      %eq3A_73 = vector.broadcast %while3A_71 : i32 to vector<512xi32>
      %eq3A_74 = arith.cmpi eq, %get3A_41, %eq3A_73 : vector<512xi32>
      %and3A = arith.andi %eq3A_74, %lt3A_39 : vector<512xi1>
      %jit3A_75 = arith.constant 0.000000e+00 : f32
      %jit3A_76 = arith.constant 0xFF800000 : f32
      %broadcast_in_dim3A_77 = vector.broadcast %jit3A_75 : f32 to vector<512xf32>
      %broadcast_in_dim3A_78 = vector.broadcast %jit3A_76 : f32 to vector<512xf32>
      %select_n3A_79 = arith.select %and3A, %broadcast_in_dim3A_77, %broadcast_in_dim3A_78 : vector<512xi1>, vector<512xf32>
      %broadcast_in_dim3A_80 = vector.shape_cast %select_n3A_79 : vector<512xf32> to vector<512x1xf32>
      %add3A_81 = vector.broadcast %broadcast_in_dim3A_80 : vector<512x1xf32> to vector<512x128xf32>
      %add3A_82 = arith.addf %max3A_32, %add3A_81 : vector<512x128xf32>
      %reduce_max3A_83 = arith.constant dense<0xFF800000> : vector<128xf32>
      %reduce_max3A_84 = vector.multi_reduction <maximumf>, %add3A_82, %reduce_max3A_83 [0] : vector<512x128xf32> to vector<128xf32>
      %get3A_85 = arith.index_cast %while3A_71 : i32 to index
      %get3A_86 = arith.constant 0 : index
      %get3A_87 = vector.load %arg22[%get3A_85, %get3A_86] : memref<64x128xf32, #tpu.memory_space<vmem>>, vector<1x128xf32>
      %broadcast_in_dim3A_88 = vector.shape_cast %reduce_max3A_84 : vector<128xf32> to vector<1x128xf32>
      %max3A_89 = arith.maximumf %get3A_87, %broadcast_in_dim3A_88 : vector<1x128xf32>
      %swap3A = arith.index_cast %while3A_71 : i32 to index
      %swap3A_90 = arith.constant 0 : index
      %swap3A_91 = vector.load %arg22[%swap3A, %swap3A_90] : memref<64x128xf32, #tpu.memory_space<vmem>>, vector<1x128xf32>
      tpu.vector_store %arg22[%swap3A, %swap3A_90], %max3A_89 {strides = array<i32>} : memref<64x128xf32, #tpu.memory_space<vmem>>, vector<1x128xf32>,
      %while3A_92 = arith.constant 0 : i32
      scf.yield %while3A_92 : i32
    }
    %while3A_64 = arith.constant 1 : i32
    %while3A_65 = scf.for %while3A_71 = %while3A_61 to %while3A_57 step %while3A_64 iter_args(%while3A_72 = %while3A_63) -> (i32)  : i32 {
      %eq3A_73 = vector.broadcast %while3A_71 : i32 to vector<512xi32>
      %eq3A_74 = arith.cmpi eq, %get3A_41, %eq3A_73 : vector<512xi32>
      %and3A = arith.andi %eq3A_74, %lt3A_39 : vector<512xi1>
      %jit3A_75 = arith.constant 0.000000e+00 : f32
      %jit3A_76 = arith.constant 0xFF800000 : f32
      %broadcast_in_dim3A_77 = vector.broadcast %jit3A_75 : f32 to vector<512xf32>
      %broadcast_in_dim3A_78 = vector.broadcast %jit3A_76 : f32 to vector<512xf32>
      %select_n3A_79 = arith.select %and3A, %broadcast_in_dim3A_77, %broadcast_in_dim3A_78 : vector<512xi1>, vector<512xf32>
      %broadcast_in_dim3A_80 = vector.shape_cast %select_n3A_79 : vector<512xf32> to vector<512x1xf32>
      %add3A_81 = vector.broadcast %broadcast_in_dim3A_80 : vector<512x1xf32> to vector<512x128xf32>
      %add3A_82 = arith.addf %max3A_32, %add3A_81 : vector<512x128xf32>
      %reduce_max3A_83 = arith.constant dense<0xFF800000> : vector<128xf32>
      %reduce_max3A_84 = vector.multi_reduction <maximumf>, %add3A_82, %reduce_max3A_83 [0] : vector<512x128xf32> to vector<128xf32>
      %get3A_85 = arith.index_cast %while3A_71 : i32 to index
      %get3A_86 = arith.constant 0 : index
      %get3A_87 = vector.load %arg22[%get3A_85, %get3A_86] : memref<64x128xf32, #tpu.memory_space<vmem>>, vector<1x128xf32>
      %broadcast_in_dim3A_88 = vector.shape_cast %reduce_max3A_84 : vector<128xf32> to vector<1x128xf32>
      %max3A_89 = arith.maximumf %get3A_87, %broadcast_in_dim3A_88 : vector<1x128xf32>
      %swap3A = arith.index_cast %while3A_71 : i32 to index
      %swap3A_90 = arith.constant 0 : index
      %swap3A_91 = vector.load %arg22[%swap3A, %swap3A_90] : memref<64x128xf32, #tpu.memory_space<vmem>>, vector<1x128xf32>
      tpu.vector_store %arg22[%swap3A, %swap3A_90], %max3A_89 {strides = array<i32>} : memref<64x128xf32, #tpu.memory_space<vmem>>, vector<1x128xf32>,
      %while3A_92 = arith.constant 0 : i32
      scf.yield %while3A_92 : i32
    }
    %eq3A_66 = arith.constant 19 : i32
    %eq3A_67 = arith.cmpi eq, %arg0, %eq3A_66 : i32
    %convert_element_type3A_68 = arith.extui %eq3A_67 : i1 to i32
    %cond3A_69 = arith.constant 0 : i32
    %cond3A_70 = arith.cmpi ne, %convert_element_type3A_68, %cond3A_69 : i32
    scf.if %cond3A_70 {
      %get3A_71 = arith.constant 0 : index
      %get3A_72 = arith.constant 0 : index
      %get3A_73 = vector.load %arg22[%get3A_71, %get3A_72] : memref<64x128xf32, #tpu.memory_space<vmem>>, vector<64x128xf32>
      %get3A_74 = arith.constant 0 : index
      %get3A_75 = arith.constant 0 : index
      %get3A_76 = vector.load %arg9[%get3A_74, %get3A_75] : memref<128x256xf32, #tpu.memory_space<vmem>>, vector<128x256xf32>
      %dot_general3A = arith.constant dense<0.000000e+00> : vector<64x256xf32>
      %dot_general3A_77 = tpu.matmul %get3A_73, %get3A_76, %dot_general3A {dimension_numbers = #tpu.dot_dimension_numbers<[1], [0], [0], [1], [0, 0, 1, 1], [], []>, transpose_lhs_hint = false} : vector<64x128xf32>, vector<128x256xf32>, vector<64x256xf32> -> vector<64x256xf32>
      %get3A_78 = arith.constant 0 : index
      %get3A_79 = vector.load %arg10[%get3A_78] : memref<256xf32, #tpu.memory_space<vmem>>, vector<256xf32>
      %broadcast_in_dim3A_80 = vector.shape_cast %get3A_79 : vector<256xf32> to vector<1x256xf32>
      %add3A_81 = vector.broadcast %broadcast_in_dim3A_80 : vector<1x256xf32> to vector<64x256xf32>
      %add3A_82 = arith.addf %dot_general3A_77, %add3A_81 : vector<64x256xf32>
      %max3A_83 = arith.constant 0.000000e+00 : f32
      %max3A_84 = vector.broadcast %max3A_83 : f32 to vector<64x256xf32>
      %max3A_85 = arith.maximumf %add3A_82, %max3A_84 : vector<64x256xf32>
      %get3A_86 = arith.constant 0 : index
      %get3A_87 = arith.constant 0 : index
      %get3A_88 = vector.load %arg11[%get3A_86, %get3A_87] : memref<256x128xf32, #tpu.memory_space<vmem>>, vector<256x128xf32>
      %dot_general3A_89 = arith.constant dense<0.000000e+00> : vector<64x128xf32>
      %dot_general3A_90 = tpu.matmul %max3A_85, %get3A_88, %dot_general3A_89 {dimension_numbers = #tpu.dot_dimension_numbers<[1], [0], [0], [1], [0, 0, 1, 1], [], []>, transpose_lhs_hint = false} : vector<64x256xf32>, vector<256x128xf32>, vector<64x128xf32> -> vector<64x128xf32>
      %get3A_91 = arith.constant 0 : index
      %get3A_92 = vector.load %arg12[%get3A_91] : memref<128xf32, #tpu.memory_space<vmem>>, vector<128xf32>
      %broadcast_in_dim3A_93 = vector.shape_cast %get3A_92 : vector<128xf32> to vector<1x128xf32>
      %add3A_94 = vector.broadcast %broadcast_in_dim3A_93 : vector<1x128xf32> to vector<64x128xf32>
      %add3A_95 = arith.addf %dot_general3A_90, %add3A_94 : vector<64x128xf32>
      %swap3A = arith.constant 0 : index
      %swap3A_96 = arith.constant 0 : index
      %swap3A_97 = vector.load %arg21[%swap3A, %swap3A_96] : memref<64x128xf32, #tpu.memory_space<vmem>>, vector<64x128xf32>
      tpu.vector_store %arg21[%swap3A, %swap3A_96], %add3A_95 {strides = array<i32>} : memref<64x128xf32, #tpu.memory_space<vmem>>, vector<64x128xf32>,
      %get3A_98 = arith.constant 0 : index
      %get3A_99 = arith.constant 0 : index
      %get3A_100 = vector.load %arg14[%get3A_98, %get3A_99] : memref<256x256xf32, #tpu.memory_space<vmem>>, vector<128x256xf32>
      %dot_general3A_101 = arith.constant dense<0.000000e+00> : vector<64x256xf32>
      %dot_general3A_102 = tpu.matmul %add3A_95, %get3A_100, %dot_general3A_101 {dimension_numbers = #tpu.dot_dimension_numbers<[1], [0], [0], [1], [0, 0, 1, 1], [], []>, transpose_lhs_hint = false} : vector<64x128xf32>, vector<128x256xf32>, vector<64x256xf32> -> vector<64x256xf32>
      %get3A_103 = arith.constant 0 : index
      %get3A_104 = arith.constant 0 : index
      %get3A_105 = vector.load %arg13[%get3A_103, %get3A_104] : memref<64x128xf32, #tpu.memory_space<vmem>>, vector<64x128xf32>
      %get3A_106 = arith.constant 128 : index
      %get3A_107 = arith.constant 0 : index
      %get3A_108 = vector.load %arg14[%get3A_106, %get3A_107] : memref<256x256xf32, #tpu.memory_space<vmem>>, vector<128x256xf32>
      %dot_general3A_109 = arith.constant dense<0.000000e+00> : vector<64x256xf32>
      %dot_general3A_110 = tpu.matmul %get3A_105, %get3A_108, %dot_general3A_109 {dimension_numbers = #tpu.dot_dimension_numbers<[1], [0], [0], [1], [0, 0, 1, 1], [], []>, transpose_lhs_hint = false} : vector<64x128xf32>, vector<128x256xf32>, vector<64x256xf32> -> vector<64x256xf32>
      %add3A_111 = arith.addf %dot_general3A_102, %dot_general3A_110 : vector<64x256xf32>
      %get3A_112 = arith.constant 0 : index
      %get3A_113 = vector.load %arg15[%get3A_112] : memref<256xf32, #tpu.memory_space<vmem>>, vector<256xf32>
      %broadcast_in_dim3A_114 = vector.shape_cast %get3A_113 : vector<256xf32> to vector<1x256xf32>
      %add3A_115 = vector.broadcast %broadcast_in_dim3A_114 : vector<1x256xf32> to vector<64x256xf32>
      %add3A_116 = arith.addf %add3A_111, %add3A_115 : vector<64x256xf32>
      %max3A_117 = arith.constant 0.000000e+00 : f32
      %max3A_118 = vector.broadcast %max3A_117 : f32 to vector<64x256xf32>
      %max3A_119 = arith.maximumf %add3A_116, %max3A_118 : vector<64x256xf32>
      %get3A_120 = arith.constant 0 : index
      %get3A_121 = arith.constant 0 : index
      %get3A_122 = vector.load %arg16[%get3A_120, %get3A_121] : memref<256x128xf32, #tpu.memory_space<vmem>>, vector<256x128xf32>
      %dot_general3A_123 = arith.constant dense<0.000000e+00> : vector<64x128xf32>
      %dot_general3A_124 = tpu.matmul %max3A_119, %get3A_122, %dot_general3A_123 {dimension_numbers = #tpu.dot_dimension_numbers<[1], [0], [0], [1], [0, 0, 1, 1], [], []>, transpose_lhs_hint = false} : vector<64x256xf32>, vector<256x128xf32>, vector<64x128xf32> -> vector<64x128xf32>
      %get3A_125 = arith.constant 0 : index
      %get3A_126 = vector.load %arg17[%get3A_125] : memref<128xf32, #tpu.memory_space<vmem>>, vector<128xf32>
      %broadcast_in_dim3A_127 = vector.shape_cast %get3A_126 : vector<128xf32> to vector<1x128xf32>
      %add3A_128 = vector.broadcast %broadcast_in_dim3A_127 : vector<1x128xf32> to vector<64x128xf32>
      %add3A_129 = arith.addf %dot_general3A_124, %add3A_128 : vector<64x128xf32>
      %max3A_130 = arith.constant 0.000000e+00 : f32
      %max3A_131 = vector.broadcast %max3A_130 : f32 to vector<64x128xf32>
      %max3A_132 = arith.maximumf %add3A_129, %max3A_131 : vector<64x128xf32>
      %get3A_133 = arith.constant 0 : index
      %get3A_134 = arith.constant 0 : index
      %get3A_135 = vector.load %arg18[%get3A_133, %get3A_134] : memref<128x2xf32, #tpu.memory_space<vmem>>, vector<128x2xf32>
      %dot_general3A_136 = arith.constant dense<0.000000e+00> : vector<64x2xf32>
      %dot_general3A_137 = tpu.matmul %max3A_132, %get3A_135, %dot_general3A_136 {dimension_numbers = #tpu.dot_dimension_numbers<[1], [0], [0], [1], [0, 0, 1, 1], [], []>, transpose_lhs_hint = false} : vector<64x128xf32>, vector<128x2xf32>, vector<64x2xf32> -> vector<64x2xf32>
      %get3A_138 = arith.constant 0 : index
      %get3A_139 = vector.load %arg19[%get3A_138] : memref<2xf32, #tpu.memory_space<vmem>>, vector<2xf32>
      %broadcast_in_dim3A_140 = vector.shape_cast %get3A_139 : vector<2xf32> to vector<1x2xf32>
      %add3A_141 = vector.broadcast %broadcast_in_dim3A_140 : vector<1x2xf32> to vector<64x2xf32>
      %add3A_142 = arith.addf %dot_general3A_137, %add3A_141 : vector<64x2xf32>
      %swap3A_143 = arith.constant 0 : index
      %swap3A_144 = arith.constant 0 : index
      %swap3A_145 = vector.load %arg20[%swap3A_143, %swap3A_144] : memref<64x2xf32, #tpu.memory_space<vmem>>, vector<64x2xf32>
      tpu.vector_store %arg20[%swap3A_143, %swap3A_144], %add3A_142 {strides = array<i32>} : memref<64x2xf32, #tpu.memory_space<vmem>>, vector<64x2xf32>,
    } else {
    }
    return
  }
  func.func @transform_0(%arg0: i32) -> (i32, i32) {
    %c0_i32 = arith.constant 0 : i32
    %c0_i32_0 = arith.constant 0 : i32
    return %arg0, %c0_i32 : i32, i32
  }
  func.func @transform_1(%arg0: i32) -> (i32, i32) {
    %c0_i32 = arith.constant 0 : i32
    %c0_i32_0 = arith.constant 0 : i32
    return %arg0, %c0_i32 : i32, i32
  }
  func.func @transform_2(%arg0: i32) -> i32 {
    %c0_i32 = arith.constant 0 : i32
    return %arg0 : i32
  }
  func.func @transform_3(%arg0: i32) -> i32 {
    %c0_i32 = arith.constant 0 : i32
    return %arg0 : i32
  }
  func.func @transform_4(%arg0: i32) -> i32 {
    %c0_i32 = arith.constant 0 : i32
    return %arg0 : i32
  }
  func.func @transform_5(%arg0: i32) -> i32 {
    %c0_i32 = arith.constant 0 : i32
    %c0_i32_0 = arith.constant 0 : i32
    return %c0_i32 : i32
  }
  func.func @transform_6(%arg0: i32) -> i32 {
    %c0_i32 = arith.constant 0 : i32
    %c0_i32_0 = arith.constant 0 : i32
    return %c0_i32 : i32
  }
  func.func @transform_7(%arg0: i32) -> i32 {
    %c0_i32 = arith.constant 0 : i32
    %c0_i32_0 = arith.constant 0 : i32
    return %c0_i32 : i32
  }
  func.func @transform_8(%arg0: i32) -> (i32, i32) {
    %c0_i32 = arith.constant 0 : i32
    %c0_i32_0 = arith.constant 0 : i32
    %c0_i32_1 = arith.constant 0 : i32
    return %c0_i32, %c0_i32_0 : i32, i32
  }
  func.func @transform_9(%arg0: i32) -> i32 {
    %c0_i32 = arith.constant 0 : i32
    %c0_i32_0 = arith.constant 0 : i32
    return %c0_i32 : i32
  }
  func.func @transform_10(%arg0: i32) -> (i32, i32) {
    %c0_i32 = arith.constant 0 : i32
    %c0_i32_0 = arith.constant 0 : i32
    %c0_i32_1 = arith.constant 0 : i32
    return %c0_i32, %c0_i32_0 : i32, i32
  }
  func.func @transform_11(%arg0: i32) -> i32 {
    %c0_i32 = arith.constant 0 : i32
    %c0_i32_0 = arith.constant 0 : i32
    return %c0_i32 : i32
  }
  func.func @transform_12(%arg0: i32) -> (i32, i32) {
    %c0_i32 = arith.constant 0 : i32
    %c0_i32_0 = arith.constant 0 : i32
    %c0_i32_1 = arith.constant 0 : i32
    return %c0_i32, %c0_i32_0 : i32, i32
  }
  func.func @transform_13(%arg0: i32) -> (i32, i32) {
    %c0_i32 = arith.constant 0 : i32
    %c0_i32_0 = arith.constant 0 : i32
    %c0_i32_1 = arith.constant 0 : i32
    return %c0_i32, %c0_i32_0 : i32, i32
  }
  func.func @transform_14(%arg0: i32) -> i32 {
    %c0_i32 = arith.constant 0 : i32
    %c0_i32_0 = arith.constant 0 : i32
    return %c0_i32 : i32
  }
  func.func @transform_15(%arg0: i32) -> (i32, i32) {
    %c0_i32 = arith.constant 0 : i32
    %c0_i32_0 = arith.constant 0 : i32
    %c0_i32_1 = arith.constant 0 : i32
    return %c0_i32, %c0_i32_0 : i32, i32
  }
  func.func @transform_16(%arg0: i32) -> i32 {
    %c0_i32 = arith.constant 0 : i32
    %c0_i32_0 = arith.constant 0 : i32
    return %c0_i32 : i32
  }
  func.func @transform_17(%arg0: i32) -> (i32, i32) {
    %c0_i32 = arith.constant 0 : i32
    %c0_i32_0 = arith.constant 0 : i32
    %c0_i32_1 = arith.constant 0 : i32
    return %c0_i32, %c0_i32_0 : i32, i32
  }
  func.func @transform_18(%arg0: i32) -> i32 {
    %c0_i32 = arith.constant 0 : i32
    %c0_i32_0 = arith.constant 0 : i32
    return %c0_i32 : i32
  }
  func.func @transform_19(%arg0: i32) -> (i32, i32) {
    %c0_i32 = arith.constant 0 : i32
    %c0_i32_0 = arith.constant 0 : i32
    %c0_i32_1 = arith.constant 0 : i32
    return %c0_i32, %c0_i32_0 : i32, i32
  }
  func.func @transform_20(%arg0: i32) -> (i32, i32) {
    %c0_i32 = arith.constant 0 : i32
    %c0_i32_0 = arith.constant 0 : i32
    %c0_i32_1 = arith.constant 0 : i32
    return %c0_i32, %c0_i32_0 : i32, i32
  }
}

</mosaic_0001>

<sc_bundles>
// kernel: kernel.11.cloned.1.call-start
scs
__scs_entry_jumppad:
0x0: {  	(pc) =	sbr.rel $0x88, $3  }
0x1: {  	(tag) =	ssettag $0x0;
	lr =	simm.s32 $0x1  }
0x2: {  	[smem:$0x3F8B] =	sst lr;
	_ =	strace $0xD0000000  }
0x3: {  	_ = 	snop  }
0x4: {  	_ = 	snop  }
0x5: {  	_ = 	snop  }
0x6: {  	_ = 	snop  }
0x7: {  	_ = 	snop  }
__scs_overlays_trampoline_lowered:
0x8: {  	[smem:$0x3F9A] =	sst s0  }
0x9: {  	[smem:$0x3F9B] =	sst s1  }
0xa: {  	[smem:$0x3F9C] =	sst s2  }
0xb: {  	[smem:$0x3F9D] =	sst s3  }
0xc: {  	[smem:$0x3F9E] =	sst s4  }
0xd: {  	[smem:$0x3F9F] =	sst s5  }
0xe: {  	[smem:$0x3FA0] =	sst s6  }
0xf: {  	[smem:$0x3FA1] =	sst s7  }
0x10: {  	[smem:$0x3FA2] =	sst s8  }
0x11: {  	[smem:$0x3FA3] =	sst s9;
	s0 =	simm.s32 @!p0 $0x0  }
0x12: {  	s1 =	sld [smem:$0x3F89];
	s0 =	simm.s32 @p0 $0x1  }
0x13: {  	[smem:$0x3FA4] =	sst s0;
	s0 =	simm.s32 @!p1 $0x0  }
0x14: {  	s2 =	sld [smem:$0x3F88];
	s0 =	simm.s32 @p1 $0x1  }
0x15: {  	[smem:$0x3FA5] =	sst s0;
	s0 =	simm.s32 @!p2 $0x0  }
0x16: {  	s3 =	sld [smem:$0x3FDB];
	s0 =	simm.s32 @p2 $0x1  }
0x17: {  	s4 =	simm.s32 $0x1BF5;
	[smem:$0x3FA7] =	sst s0  }
0x18: {  	s0 =	sld [smem:$0x3F8A];
	_ =	swait.ge [sflag:s4], $0x0  }
0x19: {  	s7 =	sld [smem:$0x3F8B]  }
0x1a: {  	s8 =	sadd.s32 $0xFFFFE003, lr  }
0x1b: {  	s9 =	sadd.s32 $0xFFFFFEF7, lr;
	s5 =	simm.s32 $0xFFFFFFFF;
	p2 =	slt.u32 s8, $0xFFFFF086  }
0x1c: {  	p1 =	slt.u32 s9, $0xF7A;
	s5 =	simm.s32 @!p2 $0x0  }
0x1d: {  	s5 =	simm.s32 @p1 $0x1;
	p0 =	seq.s32 s7, s2  }
0x1e: {  	s7 =	smul.u32 @!p0 $0xF7A, s2;
	p2 =	seq.s32 @!p0 s5, $0x0  }
0x1f: {  	s9 =	smul.u32 $0xF7A, s1;
	s8 =	simm.s32 @!p0 $0x1BF5;
	p2 =	por !p2, p0  }
0x20: {  	[sflag:s8] =	ssyncset.s32 @!p0 $0xFFFFF086;
	s6 =	sadd.s32 @!p0 s3, s7;
	s7 =	simm.s32 @!p0 $0x108  }
0x21: {  	s3 =	sadd.s32 s3, s9;
	s6 =	sadd.s32 @!p0 $0x88, s6;
	s7 =	simm.s32 @p2 $0x1082  }
0x22: {  	[simem:s7], [sflag:s8] =	dma.local @!p0 [hbm:s6], $0xF7A  }
0x23: {  	s9 =	sor.u32 $0xD0000000, s2;
	s6 =	simm.s32 $0x108;
	_ =	swait.ge @!p0 [sflag:s8], $0x0  }
0x24: {  	s3 =	sadd.s32 $0x88, s3;
	s6 =	simm.s32 @!p1 $0x1082;
	[sflag:s4] =	ssyncset.s32 $0xFFFFF086  }
0x25: {  	[simem:s6], [sflag:s4] =	dma.local [hbm:s3], $0xF7A  }
0x26: {  	[smem:$0x3F8B] =	sst s1;
	(tag) =	ssettag s2;
	_ =	strace s9  }
0x27: {  	s1 =	sld [smem:$0x3F9B]  }
0x28: {  	s2 =	sld [smem:$0x3F9C]  }
0x29: {  	s4 =	sld [smem:$0x3F9E]  }
0x2a: {  	p0 =	seq.s32 s5, $0x0;
	s5 =	sld [smem:$0x3F9F]  }
0x2b: {  	s6 =	sld [smem:$0x3FA0]  }
0x2c: {  	s7 =	sld [smem:$0x3FA1]  }
0x2d: {  	s3 =	simm.s32 $0x108;
	s8 =	sld [smem:$0x3FA2]  }
0x2e: {  	s3 =	simm.s32 @!p0 $0x1082;
	s9 =	sld [smem:$0x3FA3]  }
0x2f: {  	lr =	sadd.s32 s0, s3;
	s0 =	sld [smem:$0x3F9A]  }
0x30: {  	s3 =	sld [smem:$0x3F9D]  }
0x31: {  	[smem:$0x3FA6] =	sst s10  }
0x32: {  	s10 =	sld [smem:$0x3FA4];
	_ =	sdelay $0x3  }
0x33: {  	p0 =	seq.s32 s10, $0x1;
	s10 =	sld [smem:$0x3FA6];
	_ =	sdelay $0x3  }
0x34: {  	[smem:$0x3FA6] =	sst s10  }
0x35: {  	s10 =	sld [smem:$0x3FA5];
	_ =	sdelay $0x3  }
0x36: {  	p1 =	seq.s32 s10, $0x1;
	s10 =	sld [smem:$0x3FA6];
	_ =	sdelay $0x3  }
0x37: {  	[smem:$0x3FA6] =	sst s10  }
0x38: {  	s10 =	sld [smem:$0x3FA7]  }
0x39: {  	_ = 	snop;
	(pc) =	sbr.ind lr, $3  }
0x3a: {  	_ = 	snop  }
0x3b: {  	_ = 	snop  }
0x3c: {  	p2 =	seq.s32 s10, $0x1;
	s10 =	sld [smem:$0x3FA6]  }
0x3d: {  	_ =	shalt  }
0x3e: {  	_ =	shalt  }
0x3f: {  	_ =	shalt  }
0x40: {  	_ =	shalt  }
0x41: {  	_ =	shalt  }
0x42: {  	_ =	shalt  }
0x43: {  	_ =	shalt  }
0x44: {  	_ =	shalt  }
0x45: {  	_ =	shalt  }
0x46: {  	_ =	shalt  }
0x47: {  	_ =	shalt  }
0x48: {  	_ =	shalt  }
0x49: {  	_ =	shalt  }
0x4a: {  	_ =	shalt  }
0x4b: {  	_ =	shalt  }
0x4c: {  	_ =	shalt  }
0x4d: {  	_ =	shalt  }
0x4e: {  	_ =	shalt  }
0x4f: {  	_ =	shalt  }
0x50: {  	_ =	shalt  }
0x51: {  	_ =	shalt  }
0x52: {  	_ =	shalt  }
0x53: {  	_ =	shalt  }
0x54: {  	_ =	shalt  }
0x55: {  	_ =	shalt  }
0x56: {  	_ =	shalt  }
0x57: {  	_ =	shalt  }
0x58: {  	_ =	shalt  }
0x59: {  	_ =	shalt  }
0x5a: {  	_ =	shalt  }
0x5b: {  	_ =	shalt  }
0x5c: {  	_ =	shalt  }
0x5d: {  	_ =	shalt  }
0x5e: {  	_ =	shalt  }
0x5f: {  	_ =	shalt  }
0x60: {  	_ =	shalt  }
0x61: {  	_ =	shalt  }
0x62: {  	_ =	shalt  }
0x63: {  	_ =	shalt  }
0x64: {  	_ =	shalt  }
0x65: {  	_ =	shalt  }
0x66: {  	_ =	shalt  }
0x67: {  	_ =	shalt  }
0x68: {  	_ =	shalt  }
0x69: {  	_ =	shalt  }
0x6a: {  	_ =	shalt  }
0x6b: {  	_ =	shalt  }
0x6c: {  	_ =	shalt  }
0x6d: {  	_ =	shalt  }
0x6e: {  	_ =	shalt  }
0x6f: {  	_ =	shalt  }
0x70: {  	_ =	shalt  }
0x71: {  	_ =	shalt  }
0x72: {  	_ =	shalt  }
0x73: {  	_ =	shalt  }
0x74: {  	_ =	shalt  }
0x75: {  	_ =	shalt  }
0x76: {  	_ =	shalt  }
0x77: {  	_ =	shalt  }
0x78: {  	_ =	shalt  }
0x79: {  	_ =	shalt  }
0x7a: {  	_ =	shalt  }
0x7b: {  	_ =	shalt  }
0x7c: {  	_ =	shalt  }
0x7d: {  	_ =	shalt  }
0x7e: {  	_ =	shalt  }
0x7f: {  	_ =	shalt  }
0x80: {  	_ =	shalt  }
0x81: {  	_ =	shalt  }
0x82: {  	_ =	shalt  }
0x83: {  	_ =	shalt  }
0x84: {  	_ =	shalt  }
0x85: {  	_ =	shalt  }
0x86: {  	_ =	shalt  }
0x87: {  	_ =	shalt  }
.Lfunc_end0:
.L_simem_size_0:
called_computation.1_lowered:
.L_overlay_start_0:
0x88: {  	s2 =	sld [smem:$0x3FD9]  }
0x89: {  	s3 =	sld [smem:$0x3FFE];
	_ =	sdelay $0x1  }
0x8a: {  	s1 =	srdreg.scid  }
0x8b: {  	s0 =	sand.u32 $0x1, s1  }
0x8c: {  	s16 =	sshll.u32 s0, $0xA;
	s2 =	sadd.s32 s3, s2  }
0x8d: {  	s2 =	sadd.s32 s2, s16  }
0x8e: {  	[smem:$0x3FB2] =	sst s2  }
0x8f: {  	_ = 	snop  }
0x90: {  	(tm) =	ssettm $0x1  }
0x91: {  	s17 =	sld [smem:$0x3FFB];
	_ =	sdelay $0x3  }
0x92: {  	_ =	strace s17  }
0x93: {  	s2 =	sld [smem:$0x3FFC];
	_ =	sdelay $0x3  }
0x94: {  	_ =	strace s2  }
0x95: {  	s2 =	sld [smem:$0x3FFD];
	_ =	sdelay $0x3  }
0x96: {  	_ =	strace s2  }
0x97: {  	_ =	strace $0x8FFFFFFF  }
0x98: {  	s18 =	sld [smem:$0x3FDB];
	_ =	sdelay $0x1  }
0x99: {  	s19 =	simm.s32 $_scs_section_size  }
0x9a: {  	s4 =	simm.s32 $_size__tile_overlayer_lowered;
	s5 =	simm.s32 $_tile_overlayer_lowered  }
0x9b: {  	s22 =	simm.s32 $0x1BFF;
	s21 =	sshll.u32 s5, $0x1;
	s2 =	sadd.s32 s19, s18  }
0x9c: {  	s6 =	simm.s32 $0x0;
	s20 =	sshll.u32 s4, $0x1;
	s4 =	sadd.s32 s21, s2  }
0x9d: {  	[timem:s6], [sflag:s22] =	dma.local [hbm:s4], s20  }
0x9e: {  	_ =	swait.ge [sflag:s22], s20  }
0x9f: {  	s3 =	ssub.s32 $0x0, s20;
	[sflag:s22] =	ssyncset.done $0x0  }
0xa0: {  	[sflag:s22] =	ssyncadd.s32 s3;
	_ =	sdelay $0x1  }
0xa1: {  	s23 =	simm.s32 $0x1B8B  }
0xa2: {  	_ =	swait.ge [sflag:s23], $0x1  }
0xa3: {  	[sflag:s23] =	ssyncset.done $0x0  }
0xa4: {  	s25 =	simm.s32 $0x1B8E;
	s24 =	sld [smem:$0x3FFE];
	[sflag:s23] =	ssyncadd.s32 $0xFFFFFFFF  }
0xa5: {  	s26 =	simm.s32 $execute0_lowered;
	[smem:$0x3FD2] =	sst s25  }
0xa6: {  	s4 =	sshll.u32 s26, $0x1;
	_ =	strace $0x80000049;
	[dreg:$0x1] =	wrdreg $0xFFFFFFFF  }
0xa7: {  	s28 =	simm.s32 $_size_execute0_lowered;
	s2 =	sadd.s32 s2, s4;
	[dreg:$0x0] =	wrdreg $0x0  }
0xa8: {  	s4 =	sshll.u32 s28, $0x1;
	[dreg:$0x2] =	wrdreg s2  }
0xa9: {  	[dreg:$0x3] =	wrdreg s4  }
0xaa: {  	[dreg:$0x4] =	wrdreg $0xC0  }
0xab: {  	_ =	task [dreg:s6], $0x5FFFF  }
0xac: {  	[dreg:$0x1] =	wrdreg $0xFFFFFFFF  }
0xad: {  	[dreg:$0x0] =	wrdreg $0x60  }
0xae: {  	[dreg:$0x2] =	wrdreg s24  }
0xaf: {  	[dreg:$0x3] =	wrdreg $0x0  }
0xb0: {  	[dreg:$0x4] =	wrdreg $0x9  }
0xb1: {  	_ =	task.clear_ibuf [dreg:s6], $0x5FFFF;
	_ =	strace $0x90000049  }
0xb2: {  	s29 =	simm.s32 $0x9;
	_ =	strace $0x8000004B  }
0xb3: {  	_ =	swait.ge [sflag:s29], $0x1  }
0xb4: {  	[sflag:s29] =	ssyncadd.s32 $0xFFFFFFFF  }
0xb5: {  	_ =	strace $0x9000004B  }
0xb6: {  	_ =	sfence  }
0xb7: {  	s30 =	sld [smem:$0x0];
	_ =	sdelay $0x2  }
0xb8: {  	s31 =	sshll.u32 s1, $0xD;
	s1 =	sshrl.u32 s1, $0x2  }
0xb9: {  	s3 =	sand.u32 $0x4000, s31;
	s1 =	sadd.s32 s1, s30  }
0xba: {  	s0 =	sor.u32 s3, s0;
	s1 =	sshll.u32 s1, $0x11  }
0xbb: {  	s0 =	sor.u32 s1, s0  }
0xbc: {  	s0 =	sadd.s32 $0x8F2B, s0  }
0xbd: {  	[sflag:s0] =	ssyncadd.remote.s32 $0x1  }
0xbe: {  	_ =	sfence.sel $0xFFFF  }
0xbf: {  	[dreg:$0x0] =	wrdreg $0xFFFFFFFF;
	(pc) =	sbr.abs _section_cstart, $3  }
0xc0: {  	[dreg:$0x1] =	wrdreg $0xFFFFFFFF  }
0xc1: {  	_ =	task.clear_ibuf [dreg:s6], $0x2FFFF;
	_ =	strace $0x9FFFFFFF  }
0xc2: {  	(tm) =	ssettm $0x7FFFFFFF  }
0xc3: {  	_ =	shalt  }
tec
execute0_lowered:
.L_overlay_start_1:
0x0: {  	(tag) =	ssettag $0x1  }
0x1: {  	s5 =	rddreg [dreg:$0x0]  }
0x2: {  	s1 =	rddreg [dreg:$0x1]  }
0x3: {  	s2 =	srdreg.scid;
	s0 =	rddreg [dreg:$0x2];
	s3 =	simm.s32 $0x0  }
0x4: {  	s14 =	simm.s32 $0x80;
	s15 =	simm.s32 $0x14300;
	s16 =	simm.s32 $0x14100  }
0x5: {  	s17 =	simm.s32 $0x18300;
	s18 =	simm.s32 $0x1;
	s19 =	simm.s32 $0x14200  }
0x6: {  	s20 =	simm.s32 $0x2;
	s21 =	simm.s32 $0x14280;
	s6 =	sand.u32 $0x1, s2  }
0x7: {  	s22 =	simm.s32 $0x3;
	s2 =	stileid.u32;
	s7 =	smul.u32 $0x140000, s6  }
0x8: {  	s23 =	simm.s32 $0x4;
	s24 =	simm.s32 $0x0;
	s8 =	smul.u32 $0x14000, s2  }
0x9: {  	[smem:$0x7FF] =	sst s3;
	s4 =	sadd.s32 $0x2DA00, s5;
	s9 =	smul.u32 $0x50000, s2  }
0xa: {  	s10 =	sadd.s32 $0x19A00, s5;
	_ =	strace $0x8000004A;
	s12 =	smul.u32 $0xA000, s6  }
0xb: {  	s30 =	sshll.u32 s6, $0x4;
	s31 =	ssub.s32 $0x2, s6;
	s13 =	smul.u32 $0xA00, s2  }
0xc: {  	s11 =	sshrl.u32 s31, $0x1;
	s7 =	sadd.s32 s8, s7;
	s8 =	sor.u32 s2, s30  }
0xd: {  	s9 =	sshrl.u32 s9, $0x2;
	s7 =	sshrl.u32 s7, $0x3;
	s8 =	smul.u32 $0xA00, s8  }
0xe: {  	s11 =	ssub.s32 s31, s11;
	s7 =	sadd.s32 s7, s5;
	s5 =	sadd.s32 s9, s1  }
0xf: {  	s6 =	sadd.s32 $0x55A00, s7;
	s7 =	sadd.s32 s10, s8;
	s8 =	smax.u32 s11, $0x1  }
0x10: {  	s10 =	sadd.s32 s12, s10;
	s11 =	simm.s32 $0x1C300;
	s12 =	simm.s32 $0x5  }
0x11: {  	v0 =	vimm.f32 $0.0e+00;
	s9 =	sadd.s32 $0x20, s7;
	s10 =	sadd.s32 s13, s10;
	s13 =	simm.s32 $0x14000  }
.LBB2_1:
0x12: {  	s25 =	simm.s32 $0x0;
	s26 =	simm.s32 $0x200  }
.LBB2_2:
0x13: {  	p0 =	sne.s32 s26, $0x1E00;
	[tilespmem:s25+$0x1C370] =	vst v0  }
0x14: {  	[tilespmem:s25+$0x1C300] =	vst v0  }
0x15: {  	[tilespmem:s25+$0x1C310] =	vst v0  }
.Ltmp0:
0x16: {  	[tilespmem:s25+$0x1C320] =	vst v0;
	(pc) =	sbr.rel @p0 .LBB2_2-.Ltmp0, $4  }
0x17: {  	[tilespmem:s25+$0x1C330] =	vst v0  }
0x18: {  	[tilespmem:s25+$0x1C340] =	vst v0  }
0x19: {  	[tilespmem:s25+$0x1C350] =	vst v0  }
0x1a: {  	[tilespmem:s25+$0x1C360] =	vst v0;
	s25 =	sshra.s32 s26, $0x2;
	s26 =	sadd.s32 $0x200, s26  }
0x1b: {  	[tilespmem:s25+$0x1C370] =	vst v0  }
0x1c: {  	[tilespmem:s25+$0x1C300] =	vst v0  }
0x1d: {  	[tilespmem:s25+$0x1C310] =	vst v0  }
0x1e: {  	[tilespmem:s25+$0x1C320] =	vst v0  }
0x1f: {  	[tilespmem:s25+$0x1C330] =	vst v0  }
0x20: {  	[tilespmem:s25+$0x1C340] =	vst v0  }
0x21: {  	[tilespmem:s25+$0x1C350] =	vst v0  }
0x22: {  	[tilespmem:s25+$0x1C360] =	vst v0;
	s31 =	sadd.s32 $0x0, s5  }
0x23: {  	[spmem:s31] =	stream.linear.scatter [tilespmem:s11], [sflag:$0x5], $0x800, $0x38;
	[tilespmem:$0x1CB00] =	vst v63  }
0x24: {  	s25 =	simm.s32 $0x2000;
	_ =	swait.ge [sflag:s12], $0x800  }
.LBB2_4:
0x25: {  	s26 =	sshra.s32 s25, $0x2;
	[sflag:s12] =	ssyncset.done $0x0;
	p0 =	sne.s32 s25, $0x4E000  }
.Ltmp1:
0x26: {  	s26 =	sadd.s32 s26, s5;
	[sflag:s12] =	ssyncadd.s32 $0xFFFFF800;
	(pc) =	sbr.rel @p0 .LBB2_4-.Ltmp1, $3  }
0x27: {  	[spmem:s26] =	stream.linear.scatter [tilespmem:s11], [sflag:$0x5], $0x800, $0x38;
	[tilespmem:$0x1CB00] =	vst v63  }
0x28: {  	s25 =	sadd.s32 $0x2000, s25;
	_ =	sdelay $0x1  }
0x29: {  	_ =	swait.ge [sflag:s12], $0x800  }
0x2a: {  	[sflag:s12] =	ssyncset.done $0x0  }
0x2b: {  	[sflag:s12] =	ssyncadd.s32 $0xFFFFF800  }
0x2c: {  	[bflag:$0x0] =	sbarrier.arrive $0xFFFF  }
0x2d: {  	[tilespmem:s13], [sflag:$0x5] =	stream.linear.gather [hbm4b:s7+s3], $0x100, $0x38;
	[tilespmem:$0x1CB00] =	vst v63  }
0x2e: {  	_ =	swait.ge [sflag:s12], $0x100  }
0x2f: {  	[sflag:s12] =	ssyncset.done $0x0  }
0x30: {  	[sflag:s12] =	ssyncadd.s32 $0xFFFFFF00  }
0x31: {  	[tilespmem:s15], [sflag:$0x1] =	stream.indirect.gather [hbm4b:s4+s14], $0x80, s13, s14, $0xb8;
	[tilespmem:$0x1CB00] =	vst v63  }
0x32: {  	v1 =	vld [tilespmem:$0x14080]  }
0x33: {  	v2 =	vld [tilespmem:$0x14090]  }
0x34: {  	v3 =	vld [tilespmem:$0x140A0]  }
0x35: {  	v4 =	vld [tilespmem:$0x140B0]  }
0x36: {  	v5 =	vld [tilespmem:$0x140C0]  }
0x37: {  	[tilespmem:$0x14200] =	vst v1;
	v1 =	vld [tilespmem:$0x140D0]  }
0x38: {  	[tilespmem:$0x14210] =	vst v2;
	v2 =	vld [tilespmem:$0x140E0]  }
0x39: {  	[tilespmem:$0x14220] =	vst v3;
	v3 =	vld [tilespmem:$0x140F0]  }
0x3a: {  	[tilespmem:$0x14230] =	vst v4  }
0x3b: {  	[tilespmem:$0x14240] =	vst v5  }
0x3c: {  	[tilespmem:$0x14250] =	vst v1  }
0x3d: {  	[tilespmem:$0x14260] =	vst v2  }
0x3e: {  	[tilespmem:$0x14270] =	vst v3  }
0x3f: {  	[tilespmem:s16], [sflag:$0x5] =	stream.linear.gather [hbm4b:s9+s3], $0x100, $0x38;
	[tilespmem:$0x1CB00] =	vst v63  }
0x40: {  	_ =	swait.ge [sflag:s12], $0x100  }
0x41: {  	[sflag:s12] =	ssyncset.done $0x0  }
0x42: {  	[sflag:s12] =	ssyncadd.s32 $0xFFFFFF00  }
0x43: {  	[tilespmem:s17], [sflag:$0x2] =	stream.indirect.gather [hbm4b:s4+s14], $0x80, s16, s14, $0xb8;
	[tilespmem:$0x1CB00] =	vst v63  }
0x44: {  	v1 =	vld [tilespmem:$0x14180]  }
0x45: {  	v2 =	vld [tilespmem:$0x14190]  }
0x46: {  	v3 =	vld [tilespmem:$0x141A0]  }
0x47: {  	v4 =	vld [tilespmem:$0x141B0]  }
0x48: {  	v5 =	vld [tilespmem:$0x141C0]  }
0x49: {  	[tilespmem:$0x14280] =	vst v1;
	v1 =	vld [tilespmem:$0x141D0]  }
0x4a: {  	[tilespmem:$0x14290] =	vst v2;
	v2 =	vld [tilespmem:$0x141E0]  }
0x4b: {  	[tilespmem:$0x142A0] =	vst v3;
	v3 =	vld [tilespmem:$0x141F0]  }
0x4c: {  	[tilespmem:$0x142B0] =	vst v4  }
0x4d: {  	[tilespmem:$0x142C0] =	vst v5  }
0x4e: {  	[tilespmem:$0x142D0] =	vst v1  }
0x4f: {  	[tilespmem:$0x142E0] =	vst v2  }
0x50: {  	[tilespmem:$0x142F0] =	vst v3  }
0x51: {  	_ =	swait.ge [sflag:s18], $0x4000  }
0x52: {  	[sflag:s18] =	ssyncset.done $0x0  }
0x53: {  	[sflag:s18] =	ssyncadd.s32 $0xFFFFC000  }
0x54: {  	[spmem:s1] =	stream.indirect.scatter.add.f32 [tilespmem:s15], [sflag:$0x3], $0x80, s19, s14, $0xb8;
	[tilespmem:$0x1CB00] =	vst v63  }
0x55: {  	_ =	swait.ge [sflag:s20], $0x4000  }
0x56: {  	[sflag:s20] =	ssyncset.done $0x0  }
0x57: {  	[sflag:s20] =	ssyncadd.s32 $0xFFFFC000  }
0x58: {  	[spmem:s1] =	stream.indirect.scatter.add.f32 [tilespmem:s17], [sflag:$0x4], $0x80, s21, s14, $0xb8;
	[tilespmem:$0x1CB00] =	vst v63  }
0x59: {  	_ =	swait.ge [sflag:s22], $0x4000  }
0x5a: {  	s25 =	sadd.s32 $0xFFFFF640, s10;
	[sflag:s22] =	ssyncset.done $0x0  }
0x5b: {  	s26 =	sadd.s32 $0xA00, s25;
	[sflag:s22] =	ssyncadd.s32 $0xFFFFC000  }
0x5c: {  	[tilespmem:s13], [sflag:$0x5] =	stream.linear.gather [hbm4b:s26+s3], $0x100, $0x38;
	[tilespmem:$0x1CB00] =	vst v63  }
0x5d: {  	_ =	swait.ge [sflag:s12], $0x100  }
0x5e: {  	[sflag:s12] =	ssyncset.done $0x0  }
0x5f: {  	[sflag:s12] =	ssyncadd.s32 $0xFFFFFF00  }
0x60: {  	[tilespmem:s15], [sflag:$0x1] =	stream.indirect.gather [hbm4b:s4+s14], $0x80, s13, s14, $0xb8;
	[tilespmem:$0x1CB00] =	vst v63  }
0x61: {  	v1 =	vld [tilespmem:$0x140F0]  }
0x62: {  	v2 =	vld [tilespmem:$0x140D0]  }
0x63: {  	v3 =	vld [tilespmem:$0x140E0]  }
0x64: {  	v4 =	vld [tilespmem:$0x140B0]  }
0x65: {  	v5 =	vld [tilespmem:$0x140C0]  }
0x66: {  	v6 =	vld [tilespmem:$0x14080];
	[tilespmem:$0x14270] =	vst v1  }
0x67: {  	v1 =	vld [tilespmem:$0x140A0];
	[tilespmem:$0x14250] =	vst v2  }
0x68: {  	v2 =	vld [tilespmem:$0x14090];
	[tilespmem:$0x14260] =	vst v3  }
0x69: {  	[tilespmem:$0x14230] =	vst v4  }
0x6a: {  	[tilespmem:$0x14240] =	vst v5  }
0x6b: {  	[tilespmem:$0x14200] =	vst v6  }
0x6c: {  	[tilespmem:$0x14220] =	vst v1  }
0x6d: {  	[tilespmem:$0x14210] =	vst v2  }
0x6e: {  	_ =	swait.ge [sflag:s23], $0x4000  }
0x6f: {  	[sflag:s23] =	ssyncset.done $0x0  }
0x70: {  	s25 =	sadd.s32 $0xA20, s25;
	[sflag:s23] =	ssyncadd.s32 $0xFFFFC000  }
0x71: {  	[tilespmem:s16], [sflag:$0x5] =	stream.linear.gather [hbm4b:s25+s3], $0x100, $0x38;
	[tilespmem:$0x1CB00] =	vst v63  }
0x72: {  	_ =	swait.ge [sflag:s12], $0x100  }
0x73: {  	[sflag:s12] =	ssyncset.done $0x0  }
0x74: {  	[sflag:s12] =	ssyncadd.s32 $0xFFFFFF00  }
0x75: {  	[tilespmem:s17], [sflag:$0x2] =	stream.indirect.gather [hbm4b:s4+s14], $0x80, s16, s14, $0xb8;
	[tilespmem:$0x1CB00] =	vst v63  }
0x76: {  	v4 =	vld [tilespmem:$0x14180]  }
0x77: {  	v5 =	vld [tilespmem:$0x141D0]  }
0x78: {  	v1 =	vld [tilespmem:$0x141F0]  }
0x79: {  	v2 =	vld [tilespmem:$0x141E0]  }
0x7a: {  	v3 =	vld [tilespmem:$0x141A0]  }
0x7b: {  	s25 =	simm.s32 $0xFFFFF680;
	[tilespmem:$0x14280] =	vst v4;
	v4 =	vld [tilespmem:$0x14190]  }
.LBB2_6:
0x7c: {  	p0 =	sne.s32 s25, $0xFFFFFFC0;
	v6 =	vld [tilespmem:$0x141B0];
	[tilespmem:$0x142D0] =	vst v5;
	s26 =	smov.u32 s25;
	s25 =	sadd.s32 $0x40, s25  }
0x7d: {  	v5 =	vld [tilespmem:$0x141C0];
	[tilespmem:$0x142F0] =	vst v1  }
0x7e: {  	[tilespmem:$0x142E0] =	vst v2  }
0x7f: {  	[tilespmem:$0x142A0] =	vst v3  }
0x80: {  	[tilespmem:$0x14290] =	vst v4  }
0x81: {  	[tilespmem:$0x142B0] =	vst v6  }
0x82: {  	[tilespmem:$0x142C0] =	vst v5  }
0x83: {  	_ =	swait.ge [sflag:s18], $0x4000  }
0x84: {  	[sflag:s18] =	ssyncset.done $0x0  }
0x85: {  	[sflag:s18] =	ssyncadd.s32 $0xFFFFC000  }
0x86: {  	[spmem:s1] =	stream.indirect.scatter.add.f32 [tilespmem:s15], [sflag:$0x3], $0x80, s19, s14, $0xb8;
	[tilespmem:$0x1CB00] =	vst v63  }
0x87: {  	_ =	swait.ge [sflag:s20], $0x4000  }
0x88: {  	[sflag:s20] =	ssyncset.done $0x0  }
0x89: {  	[sflag:s20] =	ssyncadd.s32 $0xFFFFC000  }
0x8a: {  	[spmem:s1] =	stream.indirect.scatter.add.f32 [tilespmem:s17], [sflag:$0x4], $0x80, s21, s14, $0xb8;
	[tilespmem:$0x1CB00] =	vst v63  }
0x8b: {  	_ =	swait.ge [sflag:s22], $0x4000  }
0x8c: {  	s26 =	sadd.s32 s26, s10;
	[sflag:s22] =	ssyncset.done $0x0  }
0x8d: {  	s28 =	sadd.s32 $0xA00, s26;
	[sflag:s22] =	ssyncadd.s32 $0xFFFFC000  }
0x8e: {  	[tilespmem:s13], [sflag:$0x5] =	stream.linear.gather [hbm4b:s28+s3], $0x100, $0x38;
	[tilespmem:$0x1CB00] =	vst v63  }
0x8f: {  	_ =	swait.ge [sflag:s12], $0x100  }
0x90: {  	[sflag:s12] =	ssyncset.done $0x0  }
0x91: {  	[sflag:s12] =	ssyncadd.s32 $0xFFFFFF00  }
0x92: {  	[tilespmem:s15], [sflag:$0x1] =	stream.indirect.gather [hbm4b:s4+s14], $0x80, s13, s14, $0xb8;
	[tilespmem:$0x1CB00] =	vst v63  }
0x93: {  	v1 =	vld [tilespmem:$0x140F0]  }
0x94: {  	v2 =	vld [tilespmem:$0x140D0]  }
0x95: {  	v3 =	vld [tilespmem:$0x140E0]  }
0x96: {  	v4 =	vld [tilespmem:$0x140B0]  }
0x97: {  	v5 =	vld [tilespmem:$0x140C0]  }
0x98: {  	v6 =	vld [tilespmem:$0x14080];
	[tilespmem:$0x14270] =	vst v1  }
0x99: {  	v1 =	vld [tilespmem:$0x140A0];
	[tilespmem:$0x14250] =	vst v2  }
0x9a: {  	v2 =	vld [tilespmem:$0x14090];
	[tilespmem:$0x14260] =	vst v3  }
0x9b: {  	[tilespmem:$0x14230] =	vst v4  }
0x9c: {  	[tilespmem:$0x14240] =	vst v5  }
0x9d: {  	[tilespmem:$0x14200] =	vst v6  }
0x9e: {  	[tilespmem:$0x14220] =	vst v1  }
0x9f: {  	[tilespmem:$0x14210] =	vst v2  }
0xa0: {  	_ =	swait.ge [sflag:s23], $0x4000  }
0xa1: {  	[sflag:s23] =	ssyncset.done $0x0  }
0xa2: {  	s26 =	sadd.s32 $0xA20, s26;
	[sflag:s23] =	ssyncadd.s32 $0xFFFFC000  }
0xa3: {  	[tilespmem:s16], [sflag:$0x5] =	stream.linear.gather [hbm4b:s26+s3], $0x100, $0x38;
	[tilespmem:$0x1CB00] =	vst v63  }
0xa4: {  	_ =	swait.ge [sflag:s12], $0x100  }
0xa5: {  	[sflag:s12] =	ssyncset.done $0x0  }
0xa6: {  	[sflag:s12] =	ssyncadd.s32 $0xFFFFFF00  }
0xa7: {  	[tilespmem:s17], [sflag:$0x2] =	stream.indirect.gather [hbm4b:s4+s14], $0x80, s16, s14, $0xb8;
	[tilespmem:$0x1CB00] =	vst v63  }
0xa8: {  	v4 =	vld [tilespmem:$0x14180]  }
.Ltmp2:
0xa9: {  	v5 =	vld [tilespmem:$0x141D0];
	(pc) =	sbr.rel @p0 .LBB2_6-.Ltmp2, $4  }
0xaa: {  	v1 =	vld [tilespmem:$0x141F0]  }
0xab: {  	v2 =	vld [tilespmem:$0x141E0]  }
0xac: {  	v3 =	vld [tilespmem:$0x141A0]  }
0xad: {  	[tilespmem:$0x14280] =	vst v4;
	v4 =	vld [tilespmem:$0x14190]  }
0xae: {  	v6 =	vld [tilespmem:$0x141B0];
	[tilespmem:$0x142D0] =	vst v5  }
0xaf: {  	v63 =	vld [tilespmem:$0x141C0];
	[tilespmem:$0x142F0] =	vst v1  }
0xb0: {  	[tilespmem:$0x142E0] =	vst v2  }
0xb1: {  	[tilespmem:$0x142A0] =	vst v3  }
0xb2: {  	[tilespmem:$0x14290] =	vst v4  }
0xb3: {  	[tilespmem:$0x142B0] =	vst v6  }
0xb4: {  	[tilespmem:$0x142C0] =	vst v63  }
0xb5: {  	_ =	swait.ge [sflag:s18], $0x4000  }
0xb6: {  	[sflag:s18] =	ssyncset.done $0x0  }
0xb7: {  	[sflag:s18] =	ssyncadd.s32 $0xFFFFC000  }
0xb8: {  	[spmem:s1] =	stream.indirect.scatter.add.f32 [tilespmem:s15], [sflag:$0x3], $0x80, s19, s14, $0xb8;
	[tilespmem:$0x1CB00] =	vst v63  }
0xb9: {  	_ =	swait.ge [sflag:s20], $0x4000  }
0xba: {  	[sflag:s20] =	ssyncset.done $0x0  }
0xbb: {  	[sflag:s20] =	ssyncadd.s32 $0xFFFFC000  }
0xbc: {  	[spmem:s1] =	stream.indirect.scatter.add.f32 [tilespmem:s17], [sflag:$0x4], $0x80, s21, s14, $0xb8;
	[tilespmem:$0x1CB00] =	vst v63  }
0xbd: {  	_ =	swait.ge [sflag:s22], $0x4000  }
0xbe: {  	[sflag:s22] =	ssyncset.done $0x0  }
0xbf: {  	[sflag:s22] =	ssyncadd.s32 $0xFFFFC000  }
0xc0: {  	_ =	swait.ge [sflag:s23], $0x4000  }
0xc1: {  	s25 =	sshll.u32 s2, $0x6;
	s24 =	sadd.s32 $0x1, s24;
	[sflag:s23] =	ssyncset.done $0x0  }
0xc2: {  	s26 =	sshrl.u32 s5, $0x3;
	p0 =	sne.s32 s24, s8;
	[sflag:s23] =	ssyncadd.s32 $0xFFFFC000  }
.Ltmp3:
0xc3: {  	s25 =	sor.u32 $0x1C05, s25;
	[bflag:$0x0] =	sbarrier.arrive $0xFFFF;
	(pc) =	sbr.rel @p0 .LBB2_1-.Ltmp3, $4  }
0xc4: {  	[hbm:s6], [sflag:s25] =	dma.local [spmem:s26], $0x2800  }
0xc5: {  	_ =	swait.ge [sflag:s12], $0x2800  }
0xc6: {  	[sflag:s12] =	ssyncset.done $0x0  }
0xc7: {  	[sflag:s12] =	ssyncadd.s32 $0xFFFFD800  }
0xc8: {  	_ =	sfence.sel $0x180000  }
0xc9: {  	[bflag:$0x0] =	sbarrier.arrive $0xFFFF  }
0xca: {  	p0 =	sne.s32 s2, $0x0;
	_ =	strace $0x9000004A  }
0xcb: {  	s0 =	sadd.s32 @!p0 $0x100000, s0;
	[bflag:$0x2] =	sbarrier.arrive $0xFFFF  }
0xcc: {  	[sflag:s0] =	ssyncadd.tile.s32 @!p0 $0x1;
	_ =	shalt  }
.Lfunc_end2:
_tile_overlayer_lowered:
.L_overlay_start_2:
0xcd: {  	(tag) =	ssettag $0x2  }
0xce: {  	s0 =	rddreg [dreg:$0x0];
	s2 =	stileid.u32  }
0xcf: {  	s1 =	rddreg [dreg:$0x1];
	p0 =	sne.s32 s2, $0x0  }
0xd0: {  	s3 =	rddreg [dreg:$0x2];
	[bflag:$0x3] =	sbarrier.arrive $0xFFFF;
	s2 =	simm.s32 @!p0 $0x1C05  }
0xd1: {  	[timem:s3], [sflag:s2] =	dma.local @!p0 [hbm:s0], s1  }
0xd2: {  	s0 =	simm.s32 @!p0 $0x5  }
0xd3: {  	_ =	swait.ge @!p0 [sflag:s0], s1  }
0xd4: {  	s1 =	ssub.s32 @!p0 $0x0, s1;
	[sflag:s0] =	ssyncset.done @!p0 $0x0  }
0xd5: {  	[sflag:s0] =	ssyncadd.s32 @!p0 s1  }
0xd6: {  	[bflag:$0x3] =	sbarrier.arrive $0xFFFF  }
0xd7: {  	_ =	shalt  }

// kernel: kernel.14.cloned.1.call-start
scs
__scs_entry_jumppad:
0x0: {  	(pc) =	sbr.rel $0x88, $3  }
0x1: {  	(tag) =	ssettag $0x0;
	lr =	simm.s32 $0x1  }
0x2: {  	[smem:$0x3F8B] =	sst lr;
	_ =	strace $0xD0000000  }
0x3: {  	_ = 	snop  }
0x4: {  	_ = 	snop  }
0x5: {  	_ = 	snop  }
0x6: {  	_ = 	snop  }
0x7: {  	_ = 	snop  }
__scs_overlays_trampoline_lowered:
0x8: {  	[smem:$0x3F9A] =	sst s0  }
0x9: {  	[smem:$0x3F9B] =	sst s1  }
0xa: {  	[smem:$0x3F9C] =	sst s2  }
0xb: {  	[smem:$0x3F9D] =	sst s3  }
0xc: {  	[smem:$0x3F9E] =	sst s4  }
0xd: {  	[smem:$0x3F9F] =	sst s5  }
0xe: {  	[smem:$0x3FA0] =	sst s6  }
0xf: {  	[smem:$0x3FA1] =	sst s7  }
0x10: {  	[smem:$0x3FA2] =	sst s8  }
0x11: {  	[smem:$0x3FA3] =	sst s9;
	s0 =	simm.s32 @!p0 $0x0  }
0x12: {  	s1 =	sld [smem:$0x3F89];
	s0 =	simm.s32 @p0 $0x1  }
0x13: {  	[smem:$0x3FA4] =	sst s0;
	s0 =	simm.s32 @!p1 $0x0  }
0x14: {  	s2 =	sld [smem:$0x3F88];
	s0 =	simm.s32 @p1 $0x1  }
0x15: {  	[smem:$0x3FA5] =	sst s0;
	s0 =	simm.s32 @!p2 $0x0  }
0x16: {  	s3 =	sld [smem:$0x3FDB];
	s0 =	simm.s32 @p2 $0x1  }
0x17: {  	s4 =	simm.s32 $0x1BF5;
	[smem:$0x3FA7] =	sst s0  }
0x18: {  	s0 =	sld [smem:$0x3F8A];
	_ =	swait.ge [sflag:s4], $0x0  }
0x19: {  	s7 =	sld [smem:$0x3F8B]  }
0x1a: {  	s8 =	sadd.s32 $0xFFFFE003, lr  }
0x1b: {  	s9 =	sadd.s32 $0xFFFFFEF7, lr;
	s5 =	simm.s32 $0xFFFFFFFF;
	p2 =	slt.u32 s8, $0xFFFFF086  }
0x1c: {  	p1 =	slt.u32 s9, $0xF7A;
	s5 =	simm.s32 @!p2 $0x0  }
0x1d: {  	s5 =	simm.s32 @p1 $0x1;
	p0 =	seq.s32 s7, s2  }
0x1e: {  	s7 =	smul.u32 @!p0 $0xF7A, s2;
	p2 =	seq.s32 @!p0 s5, $0x0  }
0x1f: {  	s9 =	smul.u32 $0xF7A, s1;
	s8 =	simm.s32 @!p0 $0x1BF5;
	p2 =	por !p2, p0  }
0x20: {  	[sflag:s8] =	ssyncset.s32 @!p0 $0xFFFFF086;
	s6 =	sadd.s32 @!p0 s3, s7;
	s7 =	simm.s32 @!p0 $0x108  }
0x21: {  	s3 =	sadd.s32 s3, s9;
	s6 =	sadd.s32 @!p0 $0x88, s6;
	s7 =	simm.s32 @p2 $0x1082  }
0x22: {  	[simem:s7], [sflag:s8] =	dma.local @!p0 [hbm:s6], $0xF7A  }
0x23: {  	s9 =	sor.u32 $0xD0000000, s2;
	s6 =	simm.s32 $0x108;
	_ =	swait.ge @!p0 [sflag:s8], $0x0  }
0x24: {  	s3 =	sadd.s32 $0x88, s3;
	s6 =	simm.s32 @!p1 $0x1082;
	[sflag:s4] =	ssyncset.s32 $0xFFFFF086  }
0x25: {  	[simem:s6], [sflag:s4] =	dma.local [hbm:s3], $0xF7A  }
0x26: {  	[smem:$0x3F8B] =	sst s1;
	(tag) =	ssettag s2;
	_ =	strace s9  }
0x27: {  	s1 =	sld [smem:$0x3F9B]  }
0x28: {  	s2 =	sld [smem:$0x3F9C]  }
0x29: {  	s4 =	sld [smem:$0x3F9E]  }
0x2a: {  	p0 =	seq.s32 s5, $0x0;
	s5 =	sld [smem:$0x3F9F]  }
0x2b: {  	s6 =	sld [smem:$0x3FA0]  }
0x2c: {  	s7 =	sld [smem:$0x3FA1]  }
0x2d: {  	s3 =	simm.s32 $0x108;
	s8 =	sld [smem:$0x3FA2]  }
0x2e: {  	s3 =	simm.s32 @!p0 $0x1082;
	s9 =	sld [smem:$0x3FA3]  }
0x2f: {  	lr =	sadd.s32 s0, s3;
	s0 =	sld [smem:$0x3F9A]  }
0x30: {  	s3 =	sld [smem:$0x3F9D]  }
0x31: {  	[smem:$0x3FA6] =	sst s10  }
0x32: {  	s10 =	sld [smem:$0x3FA4];
	_ =	sdelay $0x3  }
0x33: {  	p0 =	seq.s32 s10, $0x1;
	s10 =	sld [smem:$0x3FA6];
	_ =	sdelay $0x3  }
0x34: {  	[smem:$0x3FA6] =	sst s10  }
0x35: {  	s10 =	sld [smem:$0x3FA5];
	_ =	sdelay $0x3  }
0x36: {  	p1 =	seq.s32 s10, $0x1;
	s10 =	sld [smem:$0x3FA6];
	_ =	sdelay $0x3  }
0x37: {  	[smem:$0x3FA6] =	sst s10  }
0x38: {  	s10 =	sld [smem:$0x3FA7]  }
0x39: {  	_ = 	snop;
	(pc) =	sbr.ind lr, $3  }
0x3a: {  	_ = 	snop  }
0x3b: {  	_ = 	snop  }
0x3c: {  	p2 =	seq.s32 s10, $0x1;
	s10 =	sld [smem:$0x3FA6]  }
0x3d: {  	_ =	shalt  }
0x3e: {  	_ =	shalt  }
0x3f: {  	_ =	shalt  }
0x40: {  	_ =	shalt  }
0x41: {  	_ =	shalt  }
0x42: {  	_ =	shalt  }
0x43: {  	_ =	shalt  }
0x44: {  	_ =	shalt  }
0x45: {  	_ =	shalt  }
0x46: {  	_ =	shalt  }
0x47: {  	_ =	shalt  }
0x48: {  	_ =	shalt  }
0x49: {  	_ =	shalt  }
0x4a: {  	_ =	shalt  }
0x4b: {  	_ =	shalt  }
0x4c: {  	_ =	shalt  }
0x4d: {  	_ =	shalt  }
0x4e: {  	_ =	shalt  }
0x4f: {  	_ =	shalt  }
0x50: {  	_ =	shalt  }
0x51: {  	_ =	shalt  }
0x52: {  	_ =	shalt  }
0x53: {  	_ =	shalt  }
0x54: {  	_ =	shalt  }
0x55: {  	_ =	shalt  }
0x56: {  	_ =	shalt  }
0x57: {  	_ =	shalt  }
0x58: {  	_ =	shalt  }
0x59: {  	_ =	shalt  }
0x5a: {  	_ =	shalt  }
0x5b: {  	_ =	shalt  }
0x5c: {  	_ =	shalt  }
0x5d: {  	_ =	shalt  }
0x5e: {  	_ =	shalt  }
0x5f: {  	_ =	shalt  }
0x60: {  	_ =	shalt  }
0x61: {  	_ =	shalt  }
0x62: {  	_ =	shalt  }
0x63: {  	_ =	shalt  }
0x64: {  	_ =	shalt  }
0x65: {  	_ =	shalt  }
0x66: {  	_ =	shalt  }
0x67: {  	_ =	shalt  }
0x68: {  	_ =	shalt  }
0x69: {  	_ =	shalt  }
0x6a: {  	_ =	shalt  }
0x6b: {  	_ =	shalt  }
0x6c: {  	_ =	shalt  }
0x6d: {  	_ =	shalt  }
0x6e: {  	_ =	shalt  }
0x6f: {  	_ =	shalt  }
0x70: {  	_ =	shalt  }
0x71: {  	_ =	shalt  }
0x72: {  	_ =	shalt  }
0x73: {  	_ =	shalt  }
0x74: {  	_ =	shalt  }
0x75: {  	_ =	shalt  }
0x76: {  	_ =	shalt  }
0x77: {  	_ =	shalt  }
0x78: {  	_ =	shalt  }
0x79: {  	_ =	shalt  }
0x7a: {  	_ =	shalt  }
0x7b: {  	_ =	shalt  }
0x7c: {  	_ =	shalt  }
0x7d: {  	_ =	shalt  }
0x7e: {  	_ =	shalt  }
0x7f: {  	_ =	shalt  }
0x80: {  	_ =	shalt  }
0x81: {  	_ =	shalt  }
0x82: {  	_ =	shalt  }
0x83: {  	_ =	shalt  }
0x84: {  	_ =	shalt  }
0x85: {  	_ =	shalt  }
0x86: {  	_ =	shalt  }
0x87: {  	_ =	shalt  }
.Lfunc_end0:
.L_simem_size_0:
called_computation.2_lowered:
.L_overlay_start_0:
0x88: {  	s2 =	sld [smem:$0x3FD9]  }
0x89: {  	s3 =	sld [smem:$0x3FFE];
	_ =	sdelay $0x1  }
0x8a: {  	s1 =	srdreg.scid  }
0x8b: {  	s0 =	sand.u32 $0x1, s1  }
0x8c: {  	s16 =	sshll.u32 s0, $0xA;
	s2 =	sadd.s32 s3, s2  }
0x8d: {  	s2 =	sadd.s32 s2, s16  }
0x8e: {  	[smem:$0x3FB2] =	sst s2  }
0x8f: {  	_ = 	snop  }
0x90: {  	(tm) =	ssettm $0x1  }
0x91: {  	s17 =	sld [smem:$0x3FFB];
	_ =	sdelay $0x3  }
0x92: {  	_ =	strace s17  }
0x93: {  	s2 =	sld [smem:$0x3FFC];
	_ =	sdelay $0x3  }
0x94: {  	_ =	strace s2  }
0x95: {  	s2 =	sld [smem:$0x3FFD];
	_ =	sdelay $0x3  }
0x96: {  	_ =	strace s2  }
0x97: {  	_ =	strace $0x8FFFFFFF  }
0x98: {  	s18 =	sld [smem:$0x3FDB];
	_ =	sdelay $0x1  }
0x99: {  	s19 =	simm.s32 $_scs_section_size  }
0x9a: {  	s4 =	simm.s32 $_size__tile_overlayer_lowered;
	s5 =	simm.s32 $_tile_overlayer_lowered  }
0x9b: {  	s22 =	simm.s32 $0x1BFF;
	s21 =	sshll.u32 s5, $0x1;
	s2 =	sadd.s32 s19, s18  }
0x9c: {  	s6 =	simm.s32 $0x0;
	s20 =	sshll.u32 s4, $0x1;
	s4 =	sadd.s32 s21, s2  }
0x9d: {  	[timem:s6], [sflag:s22] =	dma.local [hbm:s4], s20  }
0x9e: {  	_ =	swait.ge [sflag:s22], s20  }
0x9f: {  	s3 =	ssub.s32 $0x0, s20;
	[sflag:s22] =	ssyncset.done $0x0  }
0xa0: {  	[sflag:s22] =	ssyncadd.s32 s3;
	_ =	sdelay $0x1  }
0xa1: {  	s23 =	simm.s32 $0x1B8B  }
0xa2: {  	_ =	swait.ge [sflag:s23], $0x1  }
0xa3: {  	[sflag:s23] =	ssyncset.done $0x0  }
0xa4: {  	s25 =	simm.s32 $0x1B8E;
	s24 =	sld [smem:$0x3FFE];
	[sflag:s23] =	ssyncadd.s32 $0xFFFFFFFF  }
0xa5: {  	s26 =	simm.s32 $execute0_lowered;
	[smem:$0x3FD2] =	sst s25  }
0xa6: {  	s4 =	sshll.u32 s26, $0x1;
	_ =	strace $0x8000004C;
	[dreg:$0x1] =	wrdreg $0xFFFFFFFF  }
0xa7: {  	s28 =	simm.s32 $_size_execute0_lowered;
	s2 =	sadd.s32 s2, s4;
	[dreg:$0x0] =	wrdreg $0x0  }
0xa8: {  	s4 =	sshll.u32 s28, $0x1;
	[dreg:$0x2] =	wrdreg s2  }
0xa9: {  	[dreg:$0x3] =	wrdreg s4  }
0xaa: {  	[dreg:$0x4] =	wrdreg $0xC0  }
0xab: {  	_ =	task [dreg:s6], $0x5FFFF  }
0xac: {  	[dreg:$0x1] =	wrdreg $0xFFFFFFFF  }
0xad: {  	[dreg:$0x0] =	wrdreg $0x60  }
0xae: {  	[dreg:$0x2] =	wrdreg s24  }
0xaf: {  	[dreg:$0x3] =	wrdreg $0x0  }
0xb0: {  	[dreg:$0x4] =	wrdreg $0x9  }
0xb1: {  	_ =	task.clear_ibuf [dreg:s6], $0x5FFFF;
	_ =	strace $0x9000004C  }
0xb2: {  	s29 =	simm.s32 $0x9;
	_ =	strace $0x8000004E  }
0xb3: {  	_ =	swait.ge [sflag:s29], $0x1  }
0xb4: {  	[sflag:s29] =	ssyncadd.s32 $0xFFFFFFFF  }
0xb5: {  	_ =	strace $0x9000004E  }
0xb6: {  	_ =	sfence  }
0xb7: {  	s30 =	sld [smem:$0x0];
	_ =	sdelay $0x2  }
0xb8: {  	s31 =	sshll.u32 s1, $0xD;
	s1 =	sshrl.u32 s1, $0x2  }
0xb9: {  	s3 =	sand.u32 $0x4000, s31;
	s1 =	sadd.s32 s1, s30  }
0xba: {  	s0 =	sor.u32 s3, s0;
	s1 =	sshll.u32 s1, $0x11  }
0xbb: {  	s0 =	sor.u32 s1, s0  }
0xbc: {  	s0 =	sadd.s32 $0x8F2B, s0  }
0xbd: {  	[sflag:s0] =	ssyncadd.remote.s32 $0x1  }
0xbe: {  	_ =	sfence.sel $0xFFFF  }
0xbf: {  	[dreg:$0x0] =	wrdreg $0xFFFFFFFF;
	(pc) =	sbr.abs _section_cstart, $3  }
0xc0: {  	[dreg:$0x1] =	wrdreg $0xFFFFFFFF  }
0xc1: {  	_ =	task.clear_ibuf [dreg:s6], $0x2FFFF;
	_ =	strace $0x9FFFFFFF  }
0xc2: {  	(tm) =	ssettm $0x7FFFFFFF  }
0xc3: {  	_ =	shalt  }
tec
execute0_lowered:
.L_overlay_start_1:
0x0: {  	(tag) =	ssettag $0x1  }
0x1: {  	s5 =	rddreg [dreg:$0x0]  }
0x2: {  	s1 =	rddreg [dreg:$0x1]  }
0x3: {  	s2 =	srdreg.scid;
	s0 =	rddreg [dreg:$0x2];
	s3 =	simm.s32 $0x0  }
0x4: {  	s14 =	simm.s32 $0x80;
	s15 =	simm.s32 $0x14300;
	s16 =	simm.s32 $0x14100  }
0x5: {  	s17 =	simm.s32 $0x18300;
	s18 =	simm.s32 $0x1;
	s19 =	simm.s32 $0x14200  }
0x6: {  	s20 =	simm.s32 $0x2;
	s21 =	simm.s32 $0x14280;
	s6 =	sand.u32 $0x1, s2  }
0x7: {  	s22 =	simm.s32 $0x3;
	s2 =	stileid.u32;
	s7 =	smul.u32 $0x140000, s6  }
0x8: {  	s23 =	simm.s32 $0x4;
	s24 =	simm.s32 $0x0;
	s8 =	smul.u32 $0x14000, s2  }
0x9: {  	[smem:$0x7FF] =	sst s3;
	s4 =	sadd.s32 $0x2DA00, s5;
	s9 =	smul.u32 $0x50000, s2  }
0xa: {  	s10 =	sadd.s32 $0x19A00, s5;
	_ =	strace $0x8000004D;
	s12 =	smul.u32 $0xA000, s6  }
0xb: {  	s30 =	sshll.u32 s6, $0x4;
	s31 =	ssub.s32 $0x2, s6;
	s13 =	smul.u32 $0xA00, s2  }
0xc: {  	s11 =	sshrl.u32 s31, $0x1;
	s7 =	sadd.s32 s8, s7;
	s8 =	sor.u32 s2, s30  }
0xd: {  	s9 =	sshrl.u32 s9, $0x2;
	s7 =	sshrl.u32 s7, $0x3;
	s8 =	smul.u32 $0xA00, s8  }
0xe: {  	s11 =	ssub.s32 s31, s11;
	s7 =	sadd.s32 s7, s5;
	s5 =	sadd.s32 s9, s1  }
0xf: {  	s6 =	sadd.s32 $0x55A00, s7;
	s7 =	sadd.s32 s10, s8;
	s8 =	smax.u32 s11, $0x1  }
0x10: {  	s10 =	sadd.s32 s12, s10;
	s11 =	simm.s32 $0x1C300;
	s12 =	simm.s32 $0x5  }
0x11: {  	v0 =	vimm.f32 $0.0e+00;
	s9 =	sadd.s32 $0x20, s7;
	s10 =	sadd.s32 s13, s10;
	s13 =	simm.s32 $0x14000  }
.LBB2_1:
0x12: {  	s25 =	simm.s32 $0x0;
	s26 =	simm.s32 $0x200  }
.LBB2_2:
0x13: {  	p0 =	sne.s32 s26, $0x1E00;
	[tilespmem:s25+$0x1C370] =	vst v0  }
0x14: {  	[tilespmem:s25+$0x1C300] =	vst v0  }
0x15: {  	[tilespmem:s25+$0x1C310] =	vst v0  }
.Ltmp0:
0x16: {  	[tilespmem:s25+$0x1C320] =	vst v0;
	(pc) =	sbr.rel @p0 .LBB2_2-.Ltmp0, $4  }
0x17: {  	[tilespmem:s25+$0x1C330] =	vst v0  }
0x18: {  	[tilespmem:s25+$0x1C340] =	vst v0  }
0x19: {  	[tilespmem:s25+$0x1C350] =	vst v0  }
0x1a: {  	[tilespmem:s25+$0x1C360] =	vst v0;
	s25 =	sshra.s32 s26, $0x2;
	s26 =	sadd.s32 $0x200, s26  }
0x1b: {  	[tilespmem:s25+$0x1C370] =	vst v0  }
0x1c: {  	[tilespmem:s25+$0x1C300] =	vst v0  }
0x1d: {  	[tilespmem:s25+$0x1C310] =	vst v0  }
0x1e: {  	[tilespmem:s25+$0x1C320] =	vst v0  }
0x1f: {  	[tilespmem:s25+$0x1C330] =	vst v0  }
0x20: {  	[tilespmem:s25+$0x1C340] =	vst v0  }
0x21: {  	[tilespmem:s25+$0x1C350] =	vst v0  }
0x22: {  	[tilespmem:s25+$0x1C360] =	vst v0;
	s31 =	sadd.s32 $0x0, s5  }
0x23: {  	[spmem:s31] =	stream.linear.scatter [tilespmem:s11], [sflag:$0x5], $0x800, $0x38;
	[tilespmem:$0x1CB00] =	vst v63  }
0x24: {  	s25 =	simm.s32 $0x2000;
	_ =	swait.ge [sflag:s12], $0x800  }
.LBB2_4:
0x25: {  	s26 =	sshra.s32 s25, $0x2;
	[sflag:s12] =	ssyncset.done $0x0;
	p0 =	sne.s32 s25, $0x4E000  }
.Ltmp1:
0x26: {  	s26 =	sadd.s32 s26, s5;
	[sflag:s12] =	ssyncadd.s32 $0xFFFFF800;
	(pc) =	sbr.rel @p0 .LBB2_4-.Ltmp1, $3  }
0x27: {  	[spmem:s26] =	stream.linear.scatter [tilespmem:s11], [sflag:$0x5], $0x800, $0x38;
	[tilespmem:$0x1CB00] =	vst v63  }
0x28: {  	s25 =	sadd.s32 $0x2000, s25;
	_ =	sdelay $0x1  }
0x29: {  	_ =	swait.ge [sflag:s12], $0x800  }
0x2a: {  	[sflag:s12] =	ssyncset.done $0x0  }
0x2b: {  	[sflag:s12] =	ssyncadd.s32 $0xFFFFF800  }
0x2c: {  	[bflag:$0x0] =	sbarrier.arrive $0xFFFF  }
0x2d: {  	[tilespmem:s13], [sflag:$0x5] =	stream.linear.gather [hbm4b:s7+s3], $0x100, $0x38;
	[tilespmem:$0x1CB00] =	vst v63  }
0x2e: {  	_ =	swait.ge [sflag:s12], $0x100  }
0x2f: {  	[sflag:s12] =	ssyncset.done $0x0  }
0x30: {  	[sflag:s12] =	ssyncadd.s32 $0xFFFFFF00  }
0x31: {  	[tilespmem:s15], [sflag:$0x1] =	stream.indirect.gather [hbm4b:s4+s14], $0x80, s13, s14, $0xb8;
	[tilespmem:$0x1CB00] =	vst v63  }
0x32: {  	v1 =	vld [tilespmem:$0x14080]  }
0x33: {  	v2 =	vld [tilespmem:$0x14090]  }
0x34: {  	v3 =	vld [tilespmem:$0x140A0]  }
0x35: {  	v4 =	vld [tilespmem:$0x140B0]  }
0x36: {  	v5 =	vld [tilespmem:$0x140C0]  }
0x37: {  	[tilespmem:$0x14200] =	vst v1;
	v1 =	vld [tilespmem:$0x140D0]  }
0x38: {  	[tilespmem:$0x14210] =	vst v2;
	v2 =	vld [tilespmem:$0x140E0]  }
0x39: {  	[tilespmem:$0x14220] =	vst v3;
	v3 =	vld [tilespmem:$0x140F0]  }
0x3a: {  	[tilespmem:$0x14230] =	vst v4  }
0x3b: {  	[tilespmem:$0x14240] =	vst v5  }
0x3c: {  	[tilespmem:$0x14250] =	vst v1  }
0x3d: {  	[tilespmem:$0x14260] =	vst v2  }
0x3e: {  	[tilespmem:$0x14270] =	vst v3  }
0x3f: {  	[tilespmem:s16], [sflag:$0x5] =	stream.linear.gather [hbm4b:s9+s3], $0x100, $0x38;
	[tilespmem:$0x1CB00] =	vst v63  }
0x40: {  	_ =	swait.ge [sflag:s12], $0x100  }
0x41: {  	[sflag:s12] =	ssyncset.done $0x0  }
0x42: {  	[sflag:s12] =	ssyncadd.s32 $0xFFFFFF00  }
0x43: {  	[tilespmem:s17], [sflag:$0x2] =	stream.indirect.gather [hbm4b:s4+s14], $0x80, s16, s14, $0xb8;
	[tilespmem:$0x1CB00] =	vst v63  }
0x44: {  	v1 =	vld [tilespmem:$0x14180]  }
0x45: {  	v2 =	vld [tilespmem:$0x14190]  }
0x46: {  	v3 =	vld [tilespmem:$0x141A0]  }
0x47: {  	v4 =	vld [tilespmem:$0x141B0]  }
0x48: {  	v5 =	vld [tilespmem:$0x141C0]  }
0x49: {  	[tilespmem:$0x14280] =	vst v1;
	v1 =	vld [tilespmem:$0x141D0]  }
0x4a: {  	[tilespmem:$0x14290] =	vst v2;
	v2 =	vld [tilespmem:$0x141E0]  }
0x4b: {  	[tilespmem:$0x142A0] =	vst v3;
	v3 =	vld [tilespmem:$0x141F0]  }
0x4c: {  	[tilespmem:$0x142B0] =	vst v4  }
0x4d: {  	[tilespmem:$0x142C0] =	vst v5  }
0x4e: {  	[tilespmem:$0x142D0] =	vst v1  }
0x4f: {  	[tilespmem:$0x142E0] =	vst v2  }
0x50: {  	[tilespmem:$0x142F0] =	vst v3  }
0x51: {  	_ =	swait.ge [sflag:s18], $0x4000  }
0x52: {  	[sflag:s18] =	ssyncset.done $0x0  }
0x53: {  	[sflag:s18] =	ssyncadd.s32 $0xFFFFC000  }
0x54: {  	[spmem:s1] =	stream.indirect.scatter.add.f32 [tilespmem:s15], [sflag:$0x3], $0x80, s19, s14, $0xb8;
	[tilespmem:$0x1CB00] =	vst v63  }
0x55: {  	_ =	swait.ge [sflag:s20], $0x4000  }
0x56: {  	[sflag:s20] =	ssyncset.done $0x0  }
0x57: {  	[sflag:s20] =	ssyncadd.s32 $0xFFFFC000  }
0x58: {  	[spmem:s1] =	stream.indirect.scatter.add.f32 [tilespmem:s17], [sflag:$0x4], $0x80, s21, s14, $0xb8;
	[tilespmem:$0x1CB00] =	vst v63  }
0x59: {  	_ =	swait.ge [sflag:s22], $0x4000  }
0x5a: {  	s25 =	sadd.s32 $0xFFFFF640, s10;
	[sflag:s22] =	ssyncset.done $0x0  }
0x5b: {  	s26 =	sadd.s32 $0xA00, s25;
	[sflag:s22] =	ssyncadd.s32 $0xFFFFC000  }
0x5c: {  	[tilespmem:s13], [sflag:$0x5] =	stream.linear.gather [hbm4b:s26+s3], $0x100, $0x38;
	[tilespmem:$0x1CB00] =	vst v63  }
0x5d: {  	_ =	swait.ge [sflag:s12], $0x100  }
0x5e: {  	[sflag:s12] =	ssyncset.done $0x0  }
0x5f: {  	[sflag:s12] =	ssyncadd.s32 $0xFFFFFF00  }
0x60: {  	[tilespmem:s15], [sflag:$0x1] =	stream.indirect.gather [hbm4b:s4+s14], $0x80, s13, s14, $0xb8;
	[tilespmem:$0x1CB00] =	vst v63  }
0x61: {  	v1 =	vld [tilespmem:$0x140F0]  }
0x62: {  	v2 =	vld [tilespmem:$0x140D0]  }
0x63: {  	v3 =	vld [tilespmem:$0x140E0]  }
0x64: {  	v4 =	vld [tilespmem:$0x140B0]  }
0x65: {  	v5 =	vld [tilespmem:$0x140C0]  }
0x66: {  	v6 =	vld [tilespmem:$0x14080];
	[tilespmem:$0x14270] =	vst v1  }
0x67: {  	v1 =	vld [tilespmem:$0x140A0];
	[tilespmem:$0x14250] =	vst v2  }
0x68: {  	v2 =	vld [tilespmem:$0x14090];
	[tilespmem:$0x14260] =	vst v3  }
0x69: {  	[tilespmem:$0x14230] =	vst v4  }
0x6a: {  	[tilespmem:$0x14240] =	vst v5  }
0x6b: {  	[tilespmem:$0x14200] =	vst v6  }
0x6c: {  	[tilespmem:$0x14220] =	vst v1  }
0x6d: {  	[tilespmem:$0x14210] =	vst v2  }
0x6e: {  	_ =	swait.ge [sflag:s23], $0x4000  }
0x6f: {  	[sflag:s23] =	ssyncset.done $0x0  }
0x70: {  	s25 =	sadd.s32 $0xA20, s25;
	[sflag:s23] =	ssyncadd.s32 $0xFFFFC000  }
0x71: {  	[tilespmem:s16], [sflag:$0x5] =	stream.linear.gather [hbm4b:s25+s3], $0x100, $0x38;
	[tilespmem:$0x1CB00] =	vst v63  }
0x72: {  	_ =	swait.ge [sflag:s12], $0x100  }
0x73: {  	[sflag:s12] =	ssyncset.done $0x0  }
0x74: {  	[sflag:s12] =	ssyncadd.s32 $0xFFFFFF00  }
0x75: {  	[tilespmem:s17], [sflag:$0x2] =	stream.indirect.gather [hbm4b:s4+s14], $0x80, s16, s14, $0xb8;
	[tilespmem:$0x1CB00] =	vst v63  }
0x76: {  	v4 =	vld [tilespmem:$0x14180]  }
0x77: {  	v5 =	vld [tilespmem:$0x141D0]  }
0x78: {  	v1 =	vld [tilespmem:$0x141F0]  }
0x79: {  	v2 =	vld [tilespmem:$0x141E0]  }
0x7a: {  	v3 =	vld [tilespmem:$0x141A0]  }
0x7b: {  	s25 =	simm.s32 $0xFFFFF680;
	[tilespmem:$0x14280] =	vst v4;
	v4 =	vld [tilespmem:$0x14190]  }
.LBB2_6:
0x7c: {  	p0 =	sne.s32 s25, $0xFFFFFFC0;
	v6 =	vld [tilespmem:$0x141B0];
	[tilespmem:$0x142D0] =	vst v5;
	s26 =	smov.u32 s25;
	s25 =	sadd.s32 $0x40, s25  }
0x7d: {  	v5 =	vld [tilespmem:$0x141C0];
	[tilespmem:$0x142F0] =	vst v1  }
0x7e: {  	[tilespmem:$0x142E0] =	vst v2  }
0x7f: {  	[tilespmem:$0x142A0] =	vst v3  }
0x80: {  	[tilespmem:$0x14290] =	vst v4  }
0x81: {  	[tilespmem:$0x142B0] =	vst v6  }
0x82: {  	[tilespmem:$0x142C0] =	vst v5  }
0x83: {  	_ =	swait.ge [sflag:s18], $0x4000  }
0x84: {  	[sflag:s18] =	ssyncset.done $0x0  }
0x85: {  	[sflag:s18] =	ssyncadd.s32 $0xFFFFC000  }
0x86: {  	[spmem:s1] =	stream.indirect.scatter.add.f32 [tilespmem:s15], [sflag:$0x3], $0x80, s19, s14, $0xb8;
	[tilespmem:$0x1CB00] =	vst v63  }
0x87: {  	_ =	swait.ge [sflag:s20], $0x4000  }
0x88: {  	[sflag:s20] =	ssyncset.done $0x0  }
0x89: {  	[sflag:s20] =	ssyncadd.s32 $0xFFFFC000  }
0x8a: {  	[spmem:s1] =	stream.indirect.scatter.add.f32 [tilespmem:s17], [sflag:$0x4], $0x80, s21, s14, $0xb8;
	[tilespmem:$0x1CB00] =	vst v63  }
0x8b: {  	_ =	swait.ge [sflag:s22], $0x4000  }
0x8c: {  	s26 =	sadd.s32 s26, s10;
	[sflag:s22] =	ssyncset.done $0x0  }
0x8d: {  	s28 =	sadd.s32 $0xA00, s26;
	[sflag:s22] =	ssyncadd.s32 $0xFFFFC000  }
0x8e: {  	[tilespmem:s13], [sflag:$0x5] =	stream.linear.gather [hbm4b:s28+s3], $0x100, $0x38;
	[tilespmem:$0x1CB00] =	vst v63  }
0x8f: {  	_ =	swait.ge [sflag:s12], $0x100  }
0x90: {  	[sflag:s12] =	ssyncset.done $0x0  }
0x91: {  	[sflag:s12] =	ssyncadd.s32 $0xFFFFFF00  }
0x92: {  	[tilespmem:s15], [sflag:$0x1] =	stream.indirect.gather [hbm4b:s4+s14], $0x80, s13, s14, $0xb8;
	[tilespmem:$0x1CB00] =	vst v63  }
0x93: {  	v1 =	vld [tilespmem:$0x140F0]  }
0x94: {  	v2 =	vld [tilespmem:$0x140D0]  }
0x95: {  	v3 =	vld [tilespmem:$0x140E0]  }
0x96: {  	v4 =	vld [tilespmem:$0x140B0]  }
0x97: {  	v5 =	vld [tilespmem:$0x140C0]  }
0x98: {  	v6 =	vld [tilespmem:$0x14080];
	[tilespmem:$0x14270] =	vst v1  }
0x99: {  	v1 =	vld [tilespmem:$0x140A0];
	[tilespmem:$0x14250] =	vst v2  }
0x9a: {  	v2 =	vld [tilespmem:$0x14090];
	[tilespmem:$0x14260] =	vst v3  }
0x9b: {  	[tilespmem:$0x14230] =	vst v4  }
0x9c: {  	[tilespmem:$0x14240] =	vst v5  }
0x9d: {  	[tilespmem:$0x14200] =	vst v6  }
0x9e: {  	[tilespmem:$0x14220] =	vst v1  }
0x9f: {  	[tilespmem:$0x14210] =	vst v2  }
0xa0: {  	_ =	swait.ge [sflag:s23], $0x4000  }
0xa1: {  	[sflag:s23] =	ssyncset.done $0x0  }
0xa2: {  	s26 =	sadd.s32 $0xA20, s26;
	[sflag:s23] =	ssyncadd.s32 $0xFFFFC000  }
0xa3: {  	[tilespmem:s16], [sflag:$0x5] =	stream.linear.gather [hbm4b:s26+s3], $0x100, $0x38;
	[tilespmem:$0x1CB00] =	vst v63  }
0xa4: {  	_ =	swait.ge [sflag:s12], $0x100  }
0xa5: {  	[sflag:s12] =	ssyncset.done $0x0  }
0xa6: {  	[sflag:s12] =	ssyncadd.s32 $0xFFFFFF00  }
0xa7: {  	[tilespmem:s17], [sflag:$0x2] =	stream.indirect.gather [hbm4b:s4+s14], $0x80, s16, s14, $0xb8;
	[tilespmem:$0x1CB00] =	vst v63  }
0xa8: {  	v4 =	vld [tilespmem:$0x14180]  }
.Ltmp2:
0xa9: {  	v5 =	vld [tilespmem:$0x141D0];
	(pc) =	sbr.rel @p0 .LBB2_6-.Ltmp2, $4  }
0xaa: {  	v1 =	vld [tilespmem:$0x141F0]  }
0xab: {  	v2 =	vld [tilespmem:$0x141E0]  }
0xac: {  	v3 =	vld [tilespmem:$0x141A0]  }
0xad: {  	[tilespmem:$0x14280] =	vst v4;
	v4 =	vld [tilespmem:$0x14190]  }
0xae: {  	v6 =	vld [tilespmem:$0x141B0];
	[tilespmem:$0x142D0] =	vst v5  }
0xaf: {  	v63 =	vld [tilespmem:$0x141C0];
	[tilespmem:$0x142F0] =	vst v1  }
0xb0: {  	[tilespmem:$0x142E0] =	vst v2  }
0xb1: {  	[tilespmem:$0x142A0] =	vst v3  }
0xb2: {  	[tilespmem:$0x14290] =	vst v4  }
0xb3: {  	[tilespmem:$0x142B0] =	vst v6  }
0xb4: {  	[tilespmem:$0x142C0] =	vst v63  }
0xb5: {  	_ =	swait.ge [sflag:s18], $0x4000  }
0xb6: {  	[sflag:s18] =	ssyncset.done $0x0  }
0xb7: {  	[sflag:s18] =	ssyncadd.s32 $0xFFFFC000  }
0xb8: {  	[spmem:s1] =	stream.indirect.scatter.add.f32 [tilespmem:s15], [sflag:$0x3], $0x80, s19, s14, $0xb8;
	[tilespmem:$0x1CB00] =	vst v63  }
0xb9: {  	_ =	swait.ge [sflag:s20], $0x4000  }
0xba: {  	[sflag:s20] =	ssyncset.done $0x0  }
0xbb: {  	[sflag:s20] =	ssyncadd.s32 $0xFFFFC000  }
0xbc: {  	[spmem:s1] =	stream.indirect.scatter.add.f32 [tilespmem:s17], [sflag:$0x4], $0x80, s21, s14, $0xb8;
	[tilespmem:$0x1CB00] =	vst v63  }
0xbd: {  	_ =	swait.ge [sflag:s22], $0x4000  }
0xbe: {  	[sflag:s22] =	ssyncset.done $0x0  }
0xbf: {  	[sflag:s22] =	ssyncadd.s32 $0xFFFFC000  }
0xc0: {  	_ =	swait.ge [sflag:s23], $0x4000  }
0xc1: {  	s25 =	sshll.u32 s2, $0x6;
	s24 =	sadd.s32 $0x1, s24;
	[sflag:s23] =	ssyncset.done $0x0  }
0xc2: {  	s26 =	sshrl.u32 s5, $0x3;
	p0 =	sne.s32 s24, s8;
	[sflag:s23] =	ssyncadd.s32 $0xFFFFC000  }
.Ltmp3:
0xc3: {  	s25 =	sor.u32 $0x1C05, s25;
	[bflag:$0x0] =	sbarrier.arrive $0xFFFF;
	(pc) =	sbr.rel @p0 .LBB2_1-.Ltmp3, $4  }
0xc4: {  	[hbm:s6], [sflag:s25] =	dma.local [spmem:s26], $0x2800  }
0xc5: {  	_ =	swait.ge [sflag:s12], $0x2800  }
0xc6: {  	[sflag:s12] =	ssyncset.done $0x0  }
0xc7: {  	[sflag:s12] =	ssyncadd.s32 $0xFFFFD800  }
0xc8: {  	_ =	sfence.sel $0x180000  }
0xc9: {  	[bflag:$0x0] =	sbarrier.arrive $0xFFFF  }
0xca: {  	p0 =	sne.s32 s2, $0x0;
	_ =	strace $0x9000004D  }
0xcb: {  	s0 =	sadd.s32 @!p0 $0x100000, s0;
	[bflag:$0x2] =	sbarrier.arrive $0xFFFF  }
0xcc: {  	[sflag:s0] =	ssyncadd.tile.s32 @!p0 $0x1;
	_ =	shalt  }
.Lfunc_end2:
_tile_overlayer_lowered:
.L_overlay_start_2:
0xcd: {  	(tag) =	ssettag $0x2  }
0xce: {  	s0 =	rddreg [dreg:$0x0];
	s2 =	stileid.u32  }
0xcf: {  	s1 =	rddreg [dreg:$0x1];
	p0 =	sne.s32 s2, $0x0  }
0xd0: {  	s3 =	rddreg [dreg:$0x2];
	[bflag:$0x3] =	sbarrier.arrive $0xFFFF;
	s2 =	simm.s32 @!p0 $0x1C05  }
0xd1: {  	[timem:s3], [sflag:s2] =	dma.local @!p0 [hbm:s0], s1  }
0xd2: {  	s0 =	simm.s32 @!p0 $0x5  }
0xd3: {  	_ =	swait.ge @!p0 [sflag:s0], s1  }
0xd4: {  	s1 =	ssub.s32 @!p0 $0x0, s1;
	[sflag:s0] =	ssyncset.done @!p0 $0x0  }
0xd5: {  	[sflag:s0] =	ssyncadd.s32 @!p0 s1  }
0xd6: {  	[bflag:$0x3] =	sbarrier.arrive $0xFFFF  }
0xd7: {  	_ =	shalt  }

// kernel: kernel.8.cloned.1.call-start
scs
__scs_entry_jumppad:
0x0: {  	(pc) =	sbr.rel $0x88, $3  }
0x1: {  	(tag) =	ssettag $0x0;
	lr =	simm.s32 $0x1  }
0x2: {  	[smem:$0x3F8B] =	sst lr;
	_ =	strace $0xD0000000  }
0x3: {  	_ = 	snop  }
0x4: {  	_ = 	snop  }
0x5: {  	_ = 	snop  }
0x6: {  	_ = 	snop  }
0x7: {  	_ = 	snop  }
__scs_overlays_trampoline_lowered:
0x8: {  	[smem:$0x3F9A] =	sst s0  }
0x9: {  	[smem:$0x3F9B] =	sst s1  }
0xa: {  	[smem:$0x3F9C] =	sst s2  }
0xb: {  	[smem:$0x3F9D] =	sst s3  }
0xc: {  	[smem:$0x3F9E] =	sst s4  }
0xd: {  	[smem:$0x3F9F] =	sst s5  }
0xe: {  	[smem:$0x3FA0] =	sst s6  }
0xf: {  	[smem:$0x3FA1] =	sst s7  }
0x10: {  	[smem:$0x3FA2] =	sst s8  }
0x11: {  	[smem:$0x3FA3] =	sst s9;
	s0 =	simm.s32 @!p0 $0x0  }
0x12: {  	s1 =	sld [smem:$0x3F89];
	s0 =	simm.s32 @p0 $0x1  }
0x13: {  	[smem:$0x3FA4] =	sst s0;
	s0 =	simm.s32 @!p1 $0x0  }
0x14: {  	s2 =	sld [smem:$0x3F88];
	s0 =	simm.s32 @p1 $0x1  }
0x15: {  	[smem:$0x3FA5] =	sst s0;
	s0 =	simm.s32 @!p2 $0x0  }
0x16: {  	s3 =	sld [smem:$0x3FDB];
	s0 =	simm.s32 @p2 $0x1  }
0x17: {  	s4 =	simm.s32 $0x1BF5;
	[smem:$0x3FA7] =	sst s0  }
0x18: {  	s0 =	sld [smem:$0x3F8A];
	_ =	swait.ge [sflag:s4], $0x0  }
0x19: {  	s7 =	sld [smem:$0x3F8B]  }
0x1a: {  	s8 =	sadd.s32 $0xFFFFE003, lr  }
0x1b: {  	s9 =	sadd.s32 $0xFFFFFEF7, lr;
	s5 =	simm.s32 $0xFFFFFFFF;
	p2 =	slt.u32 s8, $0xFFFFF086  }
0x1c: {  	p1 =	slt.u32 s9, $0xF7A;
	s5 =	simm.s32 @!p2 $0x0  }
0x1d: {  	s5 =	simm.s32 @p1 $0x1;
	p0 =	seq.s32 s7, s2  }
0x1e: {  	s7 =	smul.u32 @!p0 $0xF7A, s2;
	p2 =	seq.s32 @!p0 s5, $0x0  }
0x1f: {  	s9 =	smul.u32 $0xF7A, s1;
	s8 =	simm.s32 @!p0 $0x1BF5;
	p2 =	por !p2, p0  }
0x20: {  	[sflag:s8] =	ssyncset.s32 @!p0 $0xFFFFF086;
	s6 =	sadd.s32 @!p0 s3, s7;
	s7 =	simm.s32 @!p0 $0x108  }
0x21: {  	s3 =	sadd.s32 s3, s9;
	s6 =	sadd.s32 @!p0 $0x88, s6;
	s7 =	simm.s32 @p2 $0x1082  }
0x22: {  	[simem:s7], [sflag:s8] =	dma.local @!p0 [hbm:s6], $0xF7A  }
0x23: {  	s9 =	sor.u32 $0xD0000000, s2;
	s6 =	simm.s32 $0x108;
	_ =	swait.ge @!p0 [sflag:s8], $0x0  }
0x24: {  	s3 =	sadd.s32 $0x88, s3;
	s6 =	simm.s32 @!p1 $0x1082;
	[sflag:s4] =	ssyncset.s32 $0xFFFFF086  }
0x25: {  	[simem:s6], [sflag:s4] =	dma.local [hbm:s3], $0xF7A  }
0x26: {  	[smem:$0x3F8B] =	sst s1;
	(tag) =	ssettag s2;
	_ =	strace s9  }
0x27: {  	s1 =	sld [smem:$0x3F9B]  }
0x28: {  	s2 =	sld [smem:$0x3F9C]  }
0x29: {  	s4 =	sld [smem:$0x3F9E]  }
0x2a: {  	p0 =	seq.s32 s5, $0x0;
	s5 =	sld [smem:$0x3F9F]  }
0x2b: {  	s6 =	sld [smem:$0x3FA0]  }
0x2c: {  	s7 =	sld [smem:$0x3FA1]  }
0x2d: {  	s3 =	simm.s32 $0x108;
	s8 =	sld [smem:$0x3FA2]  }
0x2e: {  	s3 =	simm.s32 @!p0 $0x1082;
	s9 =	sld [smem:$0x3FA3]  }
0x2f: {  	lr =	sadd.s32 s0, s3;
	s0 =	sld [smem:$0x3F9A]  }
0x30: {  	s3 =	sld [smem:$0x3F9D]  }
0x31: {  	[smem:$0x3FA6] =	sst s10  }
0x32: {  	s10 =	sld [smem:$0x3FA4];
	_ =	sdelay $0x3  }
0x33: {  	p0 =	seq.s32 s10, $0x1;
	s10 =	sld [smem:$0x3FA6];
	_ =	sdelay $0x3  }
0x34: {  	[smem:$0x3FA6] =	sst s10  }
0x35: {  	s10 =	sld [smem:$0x3FA5];
	_ =	sdelay $0x3  }
0x36: {  	p1 =	seq.s32 s10, $0x1;
	s10 =	sld [smem:$0x3FA6];
	_ =	sdelay $0x3  }
0x37: {  	[smem:$0x3FA6] =	sst s10  }
0x38: {  	s10 =	sld [smem:$0x3FA7]  }
0x39: {  	_ = 	snop;
	(pc) =	sbr.ind lr, $3  }
0x3a: {  	_ = 	snop  }
0x3b: {  	_ = 	snop  }
0x3c: {  	p2 =	seq.s32 s10, $0x1;
	s10 =	sld [smem:$0x3FA6]  }
0x3d: {  	_ =	shalt  }
0x3e: {  	_ =	shalt  }
0x3f: {  	_ =	shalt  }
0x40: {  	_ =	shalt  }
0x41: {  	_ =	shalt  }
0x42: {  	_ =	shalt  }
0x43: {  	_ =	shalt  }
0x44: {  	_ =	shalt  }
0x45: {  	_ =	shalt  }
0x46: {  	_ =	shalt  }
0x47: {  	_ =	shalt  }
0x48: {  	_ =	shalt  }
0x49: {  	_ =	shalt  }
0x4a: {  	_ =	shalt  }
0x4b: {  	_ =	shalt  }
0x4c: {  	_ =	shalt  }
0x4d: {  	_ =	shalt  }
0x4e: {  	_ =	shalt  }
0x4f: {  	_ =	shalt  }
0x50: {  	_ =	shalt  }
0x51: {  	_ =	shalt  }
0x52: {  	_ =	shalt  }
0x53: {  	_ =	shalt  }
0x54: {  	_ =	shalt  }
0x55: {  	_ =	shalt  }
0x56: {  	_ =	shalt  }
0x57: {  	_ =	shalt  }
0x58: {  	_ =	shalt  }
0x59: {  	_ =	shalt  }
0x5a: {  	_ =	shalt  }
0x5b: {  	_ =	shalt  }
0x5c: {  	_ =	shalt  }
0x5d: {  	_ =	shalt  }
0x5e: {  	_ =	shalt  }
0x5f: {  	_ =	shalt  }
0x60: {  	_ =	shalt  }
0x61: {  	_ =	shalt  }
0x62: {  	_ =	shalt  }
0x63: {  	_ =	shalt  }
0x64: {  	_ =	shalt  }
0x65: {  	_ =	shalt  }
0x66: {  	_ =	shalt  }
0x67: {  	_ =	shalt  }
0x68: {  	_ =	shalt  }
0x69: {  	_ =	shalt  }
0x6a: {  	_ =	shalt  }
0x6b: {  	_ =	shalt  }
0x6c: {  	_ =	shalt  }
0x6d: {  	_ =	shalt  }
0x6e: {  	_ =	shalt  }
0x6f: {  	_ =	shalt  }
0x70: {  	_ =	shalt  }
0x71: {  	_ =	shalt  }
0x72: {  	_ =	shalt  }
0x73: {  	_ =	shalt  }
0x74: {  	_ =	shalt  }
0x75: {  	_ =	shalt  }
0x76: {  	_ =	shalt  }
0x77: {  	_ =	shalt  }
0x78: {  	_ =	shalt  }
0x79: {  	_ =	shalt  }
0x7a: {  	_ =	shalt  }
0x7b: {  	_ =	shalt  }
0x7c: {  	_ =	shalt  }
0x7d: {  	_ =	shalt  }
0x7e: {  	_ =	shalt  }
0x7f: {  	_ =	shalt  }
0x80: {  	_ =	shalt  }
0x81: {  	_ =	shalt  }
0x82: {  	_ =	shalt  }
0x83: {  	_ =	shalt  }
0x84: {  	_ =	shalt  }
0x85: {  	_ =	shalt  }
0x86: {  	_ =	shalt  }
0x87: {  	_ =	shalt  }
.Lfunc_end0:
.L_simem_size_0:
called_computation_lowered:
.L_overlay_start_0:
0x88: {  	s2 =	sld [smem:$0x3FD9]  }
0x89: {  	s3 =	sld [smem:$0x3FFE];
	_ =	sdelay $0x1  }
0x8a: {  	s1 =	srdreg.scid  }
0x8b: {  	s0 =	sand.u32 $0x1, s1  }
0x8c: {  	s16 =	sshll.u32 s0, $0xA;
	s2 =	sadd.s32 s3, s2  }
0x8d: {  	s2 =	sadd.s32 s2, s16  }
0x8e: {  	[smem:$0x3FB2] =	sst s2  }
0x8f: {  	_ = 	snop  }
0x90: {  	(tm) =	ssettm $0x1  }
0x91: {  	s17 =	sld [smem:$0x3FFB];
	_ =	sdelay $0x3  }
0x92: {  	_ =	strace s17  }
0x93: {  	s2 =	sld [smem:$0x3FFC];
	_ =	sdelay $0x3  }
0x94: {  	_ =	strace s2  }
0x95: {  	s2 =	sld [smem:$0x3FFD];
	_ =	sdelay $0x3  }
0x96: {  	_ =	strace s2  }
0x97: {  	_ =	strace $0x8FFFFFFF  }
0x98: {  	s18 =	sld [smem:$0x3FDB];
	_ =	sdelay $0x1  }
0x99: {  	s19 =	simm.s32 $_scs_section_size  }
0x9a: {  	s4 =	simm.s32 $_size__tile_overlayer_lowered;
	s5 =	simm.s32 $_tile_overlayer_lowered  }
0x9b: {  	s22 =	simm.s32 $0x1BFF;
	s21 =	sshll.u32 s5, $0x1;
	s2 =	sadd.s32 s19, s18  }
0x9c: {  	s6 =	simm.s32 $0x0;
	s20 =	sshll.u32 s4, $0x1;
	s4 =	sadd.s32 s21, s2  }
0x9d: {  	[timem:s6], [sflag:s22] =	dma.local [hbm:s4], s20  }
0x9e: {  	_ =	swait.ge [sflag:s22], s20  }
0x9f: {  	s3 =	ssub.s32 $0x0, s20;
	[sflag:s22] =	ssyncset.done $0x0  }
0xa0: {  	[sflag:s22] =	ssyncadd.s32 s3;
	_ =	sdelay $0x1  }
0xa1: {  	s23 =	simm.s32 $0x1B8B  }
0xa2: {  	_ =	swait.ge [sflag:s23], $0x1  }
0xa3: {  	[sflag:s23] =	ssyncset.done $0x0  }
0xa4: {  	s25 =	simm.s32 $0x1B8E;
	s24 =	sld [smem:$0x3FFE];
	[sflag:s23] =	ssyncadd.s32 $0xFFFFFFFF  }
0xa5: {  	s26 =	simm.s32 $execute0_lowered;
	[smem:$0x3FD2] =	sst s25  }
0xa6: {  	s4 =	sshll.u32 s26, $0x1;
	_ =	strace $0x80000046;
	[dreg:$0x1] =	wrdreg $0xFFFFFFFF  }
0xa7: {  	s28 =	simm.s32 $_size_execute0_lowered;
	s2 =	sadd.s32 s2, s4;
	[dreg:$0x0] =	wrdreg $0x0  }
0xa8: {  	s4 =	sshll.u32 s28, $0x1;
	[dreg:$0x2] =	wrdreg s2  }
0xa9: {  	[dreg:$0x3] =	wrdreg s4  }
0xaa: {  	[dreg:$0x4] =	wrdreg $0xC0  }
0xab: {  	_ =	task [dreg:s6], $0x5FFFF  }
0xac: {  	[dreg:$0x1] =	wrdreg $0xFFFFFFFF  }
0xad: {  	[dreg:$0x0] =	wrdreg $0x60  }
0xae: {  	[dreg:$0x2] =	wrdreg s24  }
0xaf: {  	[dreg:$0x3] =	wrdreg $0x0  }
0xb0: {  	[dreg:$0x4] =	wrdreg $0x2800  }
0xb1: {  	[dreg:$0x5] =	wrdreg $0x9  }
0xb2: {  	_ =	task.clear_ibuf [dreg:s6], $0x6FFFF;
	_ =	strace $0x90000046  }
0xb3: {  	s29 =	simm.s32 $0x9;
	_ =	strace $0x80000048  }
0xb4: {  	_ =	swait.ge [sflag:s29], $0x1  }
0xb5: {  	[sflag:s29] =	ssyncadd.s32 $0xFFFFFFFF  }
0xb6: {  	_ =	strace $0x90000048  }
0xb7: {  	_ =	sfence  }
0xb8: {  	s30 =	sld [smem:$0x0];
	_ =	sdelay $0x2  }
0xb9: {  	s31 =	sshll.u32 s1, $0xD;
	s1 =	sshrl.u32 s1, $0x2  }
0xba: {  	s3 =	sand.u32 $0x4000, s31;
	s1 =	sadd.s32 s1, s30  }
0xbb: {  	s0 =	sor.u32 s3, s0;
	s1 =	sshll.u32 s1, $0x11  }
0xbc: {  	s0 =	sor.u32 s1, s0  }
0xbd: {  	s0 =	sadd.s32 $0x8F2B, s0  }
0xbe: {  	[sflag:s0] =	ssyncadd.remote.s32 $0x1  }
0xbf: {  	_ =	sfence.sel $0xFFFF  }
0xc0: {  	[dreg:$0x0] =	wrdreg $0xFFFFFFFF;
	(pc) =	sbr.abs _section_cstart, $3  }
0xc1: {  	[dreg:$0x1] =	wrdreg $0xFFFFFFFF  }
0xc2: {  	_ =	task.clear_ibuf [dreg:s6], $0x2FFFF;
	_ =	strace $0x9FFFFFFF  }
0xc3: {  	(tm) =	ssettm $0x7FFFFFFF  }
tec
execute0_lowered:
.L_overlay_start_1:
0x0: {  	(tag) =	ssettag $0x1  }
0x1: {  	s0 =	rddreg [dreg:$0x0]  }
0x2: {  	s1 =	rddreg [dreg:$0x1]  }
0x3: {  	s2 =	rddreg [dreg:$0x2];
	s3 =	srdreg.scid  }
0x4: {  	s4 =	simm.s32 $0x0;
	s24 =	stileid.u32;
	s17 =	simm.s32 $0x780  }
0x5: {  	s18 =	simm.s32 $0x5;
	s19 =	simm.s32 $0x500;
	s20 =	simm.s32 $0x600  }
0x6: {  	s21 =	simm.s32 $0x580;
	s22 =	simm.s32 $0x680;
	s23 =	simm.s32 $0x1  }
0x7: {  	s28 =	simm.s32 $0x3;
	s29 =	simm.s32 $0x4;
	s30 =	simm.s32 $0x100  }
0x8: {  	s31 =	simm.s32 $0x0;
	s8 =	sand.u32 $0x1, s3;
	s9 =	smul.u32 $0x500, s24  }
0x9: {  	[smem:$0x7FF] =	sst s4;
	s5 =	sadd.s32 $0xE600, s0;
	s12 =	smul.u32 $0x280, s24  }
0xa: {  	s6 =	sadd.s32 $0x4600, s0;
	s7 =	smul.u32 $0x5000, s8;
	s10 =	ssub.s32 $0x2, s8  }
0xb: {  	_ =	strace $0x80000047;
	s8 =	sshll.u32 s8, $0x4;
	s11 =	sshrl.u32 s10, $0x1  }
0xc: {  	s8 =	sor.u32 s24, s8;
	s24 =	simm.s32 $0x80;
	s7 =	sadd.s32 s9, s7  }
0xd: {  	s13 =	ssub.s32 s10, s11;
	s14 =	smul.u32 $0x500, s8;
	s9 =	sshrl.u32 s7, $0x3  }
0xe: {  	s8 =	sadd.s32 s12, s1;
	s0 =	sadd.s32 s9, s0;
	s9 =	sadd.s32 s12, s2  }
0xf: {  	s12 =	smax.u32 s13, $0x1;
	s26 =	sor.u32 $0x10, s14;
	s13 =	sadd.s32 s5, s14  }
0x10: {  	s14 =	sadd.s32 s6, s14;
	s25 =	sadd.s32 $0x18600, s0;
	s0 =	sadd.s32 $0x18610, s0  }
0x11: {  	s15 =	sadd.s32 s5, s26;
	s16 =	sadd.s32 s6, s26;
	[dreg:$0x4] =	wrdreg s25  }
0x12: {  	v0 =	vimm.f32 $0.0e+00;
	v1 =	vimm.f32 $1.000000000e+00;
	s26 =	simm.s32 $0x2;
	[dreg:$0x5] =	wrdreg s0;
	s25 =	simm.s32 $0x700  }
.LBB2_1:
0x13: {  	[tilespmem:$0x780] =	vst v0  }
0x14: {  	[tilespmem:$0x790] =	vst v0  }
0x15: {  	[tilespmem:$0x7A0] =	vst v0  }
0x16: {  	[tilespmem:$0x7B0] =	vst v0  }
0x17: {  	[tilespmem:$0x7C0] =	vst v0  }
0x18: {  	[tilespmem:$0x7D0] =	vst v0  }
0x19: {  	[tilespmem:$0x7E0] =	vst v0  }
0x1a: {  	[tilespmem:$0x7F0] =	vst v0  }
0x1b: {  	[tilespmem:$0x800] =	vst v0  }
0x1c: {  	[tilespmem:$0x810] =	vst v0  }
0x1d: {  	[tilespmem:$0x820] =	vst v0  }
0x1e: {  	[tilespmem:$0x830] =	vst v0  }
0x1f: {  	[tilespmem:$0x840] =	vst v0  }
0x20: {  	[tilespmem:$0x850] =	vst v0  }
0x21: {  	[tilespmem:$0x860] =	vst v0  }
0x22: {  	[tilespmem:$0x870] =	vst v0  }
0x23: {  	[tilespmem:$0x880] =	vst v0  }
0x24: {  	[tilespmem:$0x890] =	vst v0  }
0x25: {  	[tilespmem:$0x8A0] =	vst v0  }
0x26: {  	[tilespmem:$0x8B0] =	vst v0  }
0x27: {  	[tilespmem:$0x8C0] =	vst v0  }
0x28: {  	[tilespmem:$0x8D0] =	vst v0  }
0x29: {  	[tilespmem:$0x8E0] =	vst v0  }
0x2a: {  	[tilespmem:$0x8F0] =	vst v0  }
0x2b: {  	[tilespmem:$0x900] =	vst v0  }
0x2c: {  	[tilespmem:$0x910] =	vst v0  }
0x2d: {  	[tilespmem:$0x920] =	vst v0  }
0x2e: {  	[tilespmem:$0x930] =	vst v0  }
0x2f: {  	[tilespmem:$0x940] =	vst v0  }
0x30: {  	[tilespmem:$0x950] =	vst v0  }
0x31: {  	[tilespmem:$0x960] =	vst v0  }
0x32: {  	[tilespmem:$0x970] =	vst v0  }
0x33: {  	[tilespmem:$0x980] =	vst v0  }
0x34: {  	[tilespmem:$0x990] =	vst v0  }
0x35: {  	[tilespmem:$0x9A0] =	vst v0  }
0x36: {  	[tilespmem:$0x9B0] =	vst v0  }
0x37: {  	[tilespmem:$0x9C0] =	vst v0  }
0x38: {  	[tilespmem:$0x9D0] =	vst v0  }
0x39: {  	[tilespmem:$0x9E0] =	vst v0  }
0x3a: {  	[tilespmem:$0x9F0] =	vst v0  }
0x3b: {  	[tilespmem:$0x700] =	vst v1  }
0x3c: {  	[tilespmem:$0x710] =	vst v1  }
0x3d: {  	[tilespmem:$0x720] =	vst v1  }
0x3e: {  	[tilespmem:$0x730] =	vst v1  }
0x3f: {  	[tilespmem:$0x740] =	vst v1  }
0x40: {  	[tilespmem:$0x750] =	vst v1  }
0x41: {  	[tilespmem:$0x760] =	vst v1  }
0x42: {  	[tilespmem:$0x770] =	vst v1  }
0x43: {  	[spmem:s8] =	stream.linear.scatter [tilespmem:s17], [sflag:$0x5], $0x280, $0x38;
	[tilespmem:$0xA00] =	vst v63  }
0x44: {  	_ =	swait.ge [sflag:s18], $0x280  }
0x45: {  	[sflag:s18] =	ssyncset.done $0x0  }
0x46: {  	[sflag:s18] =	ssyncadd.s32 $0xFFFFFD80  }
0x47: {  	[spmem:s9] =	stream.linear.scatter [tilespmem:s17], [sflag:$0x5], $0x280, $0x38;
	[tilespmem:$0xA00] =	vst v63  }
0x48: {  	_ =	swait.ge [sflag:s18], $0x280  }
0x49: {  	[sflag:s18] =	ssyncset.done $0x0  }
0x4a: {  	[sflag:s18] =	ssyncadd.s32 $0xFFFFFD80  }
0x4b: {  	[bflag:$0x0] =	sbarrier.arrive $0xFFFF  }
0x4c: {  	[tilespmem:s19], [sflag:$0x1] =	stream.linear.gather [hbm4b:s13+s4], $0x80, $0x38;
	[tilespmem:$0xA00] =	vst v63  }
0x4d: {  	_ = 	snop  }
0x4e: {  	[tilespmem:s20], [sflag:$0x1] =	stream.linear.gather [hbm4b:s14+s4], $0x80, $0x38;
	[tilespmem:$0xA00] =	vst v63  }
0x4f: {  	_ = 	snop  }
0x50: {  	[tilespmem:s21], [sflag:$0x2] =	stream.linear.gather [hbm4b:s15+s4], $0x80, $0x38;
	[tilespmem:$0xA00] =	vst v63  }
0x51: {  	_ = 	snop  }
0x52: {  	[tilespmem:s22], [sflag:$0x2] =	stream.linear.gather [hbm4b:s16+s4], $0x80, $0x38;
	[tilespmem:$0xA00] =	vst v63  }
0x53: {  	_ =	swait.ge [sflag:s23], $0x80  }
0x54: {  	[sflag:s23] =	ssyncset.done $0x0  }
0x55: {  	[sflag:s23] =	ssyncadd.s32 $0xFFFFFF80  }
0x56: {  	_ =	swait.ge [sflag:s23], $0x80  }
0x57: {  	[sflag:s23] =	ssyncset.done $0x0  }
0x58: {  	[sflag:s23] =	ssyncadd.s32 $0xFFFFFF80  }
0x59: {  	[spmem:s1] =	stream.indirect.scatter.add.f32 [tilespmem:s25], [sflag:$0x3], $0x1, s19, s24, $0xb8;
	[tilespmem:$0xA00] =	vst v63  }
0x5a: {  	_ = 	snop  }
0x5b: {  	[spmem:s2] =	stream.indirect.scatter.add.f32 [tilespmem:s25], [sflag:$0x3], $0x1, s20, s24, $0xb8;
	[tilespmem:$0xA00] =	vst v63  }
0x5c: {  	_ =	swait.ge [sflag:s26], $0x80  }
0x5d: {  	[sflag:s26] =	ssyncset.done $0x0  }
0x5e: {  	[sflag:s26] =	ssyncadd.s32 $0xFFFFFF80  }
0x5f: {  	_ =	swait.ge [sflag:s26], $0x80  }
0x60: {  	[sflag:s26] =	ssyncset.done $0x0  }
0x61: {  	[sflag:s26] =	ssyncadd.s32 $0xFFFFFF80  }
0x62: {  	[spmem:s1] =	stream.indirect.scatter.add.f32 [tilespmem:s25], [sflag:$0x4], $0x1, s21, s24, $0xb8;
	[tilespmem:$0xA00] =	vst v63  }
0x63: {  	_ = 	snop  }
0x64: {  	[spmem:s2] =	stream.indirect.scatter.add.f32 [tilespmem:s25], [sflag:$0x4], $0x1, s22, s24, $0xb8;
	[tilespmem:$0xA00] =	vst v63  }
0x65: {  	_ =	swait.ge [sflag:s28], $0x80  }
0x66: {  	[sflag:s28] =	ssyncset.done $0x0  }
0x67: {  	s0 =	simm.s32 $0x20;
	s3 =	sadd.s32 $0x20, s7;
	[sflag:s28] =	ssyncadd.s32 $0xFFFFFF80  }
0x68: {  	s3 =	sand.u32 $0x1FF80, s3;
	s0 =	sand.u32 $0x60, s0;
	_ =	swait.ge [sflag:s28], $0x80  }
0x69: {  	s0 =	sor.u32 s0, s3;
	[sflag:s28] =	ssyncset.done $0x0  }
0x6a: {  	s3 =	sadd.s32 s5, s0;
	[sflag:s28] =	ssyncadd.s32 $0xFFFFFF80  }
0x6b: {  	[tilespmem:s19], [sflag:$0x1] =	stream.linear.gather [hbm4b:s3+s4], $0x80, $0x38;
	[tilespmem:$0xA00] =	vst v63  }
0x6c: {  	s10 =	sadd.s32 s6, s0  }
0x6d: {  	[tilespmem:s20], [sflag:$0x1] =	stream.linear.gather [hbm4b:s10+s4], $0x80, $0x38;
	[tilespmem:$0xA00] =	vst v63  }
0x6e: {  	_ =	swait.ge [sflag:s29], $0x80  }
0x6f: {  	[sflag:s29] =	ssyncset.done $0x0  }
0x70: {  	[sflag:s29] =	ssyncadd.s32 $0xFFFFFF80  }
0x71: {  	_ =	swait.ge [sflag:s29], $0x80  }
0x72: {  	s0 =	sor.u32 $0x10, s0;
	[sflag:s29] =	ssyncset.done $0x0  }
0x73: {  	s11 =	sadd.s32 s5, s0;
	[sflag:s29] =	ssyncadd.s32 $0xFFFFFF80  }
0x74: {  	[tilespmem:s21], [sflag:$0x2] =	stream.linear.gather [hbm4b:s11+s4], $0x80, $0x38;
	[tilespmem:$0xA00] =	vst v63  }
0x75: {  	s0 =	sadd.s32 s6, s0  }
0x76: {  	[tilespmem:s22], [sflag:$0x2] =	stream.linear.gather [hbm4b:s0+s4], $0x80, $0x38;
	[tilespmem:$0xA00] =	vst v63  }
0x77: {  	_ =	swait.ge [sflag:s23], $0x80  }
0x78: {  	[sflag:s23] =	ssyncset.done $0x0  }
0x79: {  	[sflag:s23] =	ssyncadd.s32 $0xFFFFFF80  }
0x7a: {  	_ =	swait.ge [sflag:s23], $0x80  }
0x7b: {  	[sflag:s23] =	ssyncset.done $0x0  }
0x7c: {  	[sflag:s23] =	ssyncadd.s32 $0xFFFFFF80  }
0x7d: {  	[spmem:s1] =	stream.indirect.scatter.add.f32 [tilespmem:s25], [sflag:$0x3], $0x1, s19, s24, $0xb8;
	[tilespmem:$0xA00] =	vst v63  }
0x7e: {  	_ = 	snop  }
0x7f: {  	[spmem:s2] =	stream.indirect.scatter.add.f32 [tilespmem:s25], [sflag:$0x3], $0x1, s20, s24, $0xb8;
	[tilespmem:$0xA00] =	vst v63  }
0x80: {  	_ =	swait.ge [sflag:s26], $0x80  }
0x81: {  	[sflag:s26] =	ssyncset.done $0x0  }
0x82: {  	[sflag:s26] =	ssyncadd.s32 $0xFFFFFF80  }
0x83: {  	_ =	swait.ge [sflag:s26], $0x80  }
0x84: {  	[sflag:s26] =	ssyncset.done $0x0  }
0x85: {  	s0 =	simm.s32 $0x40;
	[sflag:s26] =	ssyncadd.s32 $0xFFFFFF80  }
0x86: {  	[spmem:s1] =	stream.indirect.scatter.add.f32 [tilespmem:s25], [sflag:$0x4], $0x1, s21, s24, $0xb8;
	[tilespmem:$0xA00] =	vst v63  }
.LBB2_2:
0x87: {  	[spmem:s2] =	stream.indirect.scatter.add.f32 [tilespmem:s25], [sflag:$0x4], $0x1, s22, s24, $0xb8;
	[tilespmem:$0xA00] =	vst v63  }
0x88: {  	s3 =	smov.u32 s0  }
0x89: {  	p0 =	sne.s32 s0, $0x4E0;
	s0 =	sadd.s32 $0x20, s0;
	_ =	swait.ge [sflag:s28], $0x80  }
0x8a: {  	[sflag:s28] =	ssyncset.done $0x0  }
0x8b: {  	s10 =	sadd.s32 s3, s7;
	[sflag:s28] =	ssyncadd.s32 $0xFFFFFF80  }
0x8c: {  	s3 =	sand.u32 $0x60, s3;
	s10 =	sand.u32 $0x1FF80, s10;
	_ =	swait.ge [sflag:s28], $0x80  }
0x8d: {  	s3 =	sor.u32 s3, s10;
	[sflag:s28] =	ssyncset.done $0x0  }
0x8e: {  	s10 =	sadd.s32 s5, s3;
	s11 =	sor.u32 $0x10, s3;
	[sflag:s28] =	ssyncadd.s32 $0xFFFFFF80  }
0x8f: {  	[tilespmem:s19], [sflag:$0x1] =	stream.linear.gather [hbm4b:s10+s4], $0x80, $0x38;
	[tilespmem:$0xA00] =	vst v63  }
0x90: {  	s3 =	sadd.s32 s6, s3  }
0x91: {  	[tilespmem:s20], [sflag:$0x1] =	stream.linear.gather [hbm4b:s3+s4], $0x80, $0x38;
	[tilespmem:$0xA00] =	vst v63  }
0x92: {  	_ =	swait.ge [sflag:s29], $0x80  }
0x93: {  	[sflag:s29] =	ssyncset.done $0x0  }
0x94: {  	[sflag:s29] =	ssyncadd.s32 $0xFFFFFF80  }
0x95: {  	_ =	swait.ge [sflag:s29], $0x80  }
0x96: {  	[sflag:s29] =	ssyncset.done $0x0  }
0x97: {  	s3 =	sadd.s32 s5, s11;
	[sflag:s29] =	ssyncadd.s32 $0xFFFFFF80  }
0x98: {  	[tilespmem:s21], [sflag:$0x2] =	stream.linear.gather [hbm4b:s3+s4], $0x80, $0x38;
	[tilespmem:$0xA00] =	vst v63  }
0x99: {  	s3 =	sadd.s32 s6, s11  }
0x9a: {  	[tilespmem:s22], [sflag:$0x2] =	stream.linear.gather [hbm4b:s3+s4], $0x80, $0x38;
	[tilespmem:$0xA00] =	vst v63  }
0x9b: {  	_ =	swait.ge [sflag:s23], $0x80  }
0x9c: {  	[sflag:s23] =	ssyncset.done $0x0  }
0x9d: {  	[sflag:s23] =	ssyncadd.s32 $0xFFFFFF80  }
0x9e: {  	_ =	swait.ge [sflag:s23], $0x80  }
0x9f: {  	[sflag:s23] =	ssyncset.done $0x0  }
0xa0: {  	[sflag:s23] =	ssyncadd.s32 $0xFFFFFF80  }
0xa1: {  	[spmem:s1] =	stream.indirect.scatter.add.f32 [tilespmem:s25], [sflag:$0x3], $0x1, s19, s24, $0xb8;
	[tilespmem:$0xA00] =	vst v63  }
0xa2: {  	_ = 	snop  }
0xa3: {  	[spmem:s2] =	stream.indirect.scatter.add.f32 [tilespmem:s25], [sflag:$0x3], $0x1, s20, s24, $0xb8;
	[tilespmem:$0xA00] =	vst v63  }
0xa4: {  	_ =	swait.ge [sflag:s26], $0x80  }
0xa5: {  	[sflag:s26] =	ssyncset.done $0x0  }
.Ltmp0:
0xa6: {  	[sflag:s26] =	ssyncadd.s32 $0xFFFFFF80;
	(pc) =	sbr.rel @p0 .LBB2_2-.Ltmp0, $4  }
0xa7: {  	_ =	swait.ge [sflag:s26], $0x80  }
0xa8: {  	[sflag:s26] =	ssyncset.done $0x0  }
0xa9: {  	[sflag:s26] =	ssyncadd.s32 $0xFFFFFF80  }
0xaa: {  	[spmem:s1] =	stream.indirect.scatter.add.f32 [tilespmem:s25], [sflag:$0x4], $0x1, s21, s24, $0xb8;
	[tilespmem:$0xA00] =	vst v63  }
0xab: {  	[spmem:s2] =	stream.indirect.scatter.add.f32 [tilespmem:s25], [sflag:$0x4], $0x1, s22, s24, $0xb8;
	[tilespmem:$0xA00] =	vst v63  }
0xac: {  	_ =	swait.ge [sflag:s28], $0x80  }
0xad: {  	[sflag:s28] =	ssyncset.done $0x0  }
0xae: {  	[sflag:s28] =	ssyncadd.s32 $0xFFFFFF80  }
0xaf: {  	_ =	swait.ge [sflag:s28], $0x80  }
0xb0: {  	[sflag:s28] =	ssyncset.done $0x0  }
0xb1: {  	[sflag:s28] =	ssyncadd.s32 $0xFFFFFF80  }
0xb2: {  	_ =	swait.ge [sflag:s29], $0x80  }
0xb3: {  	[sflag:s29] =	ssyncset.done $0x0  }
0xb4: {  	[sflag:s29] =	ssyncadd.s32 $0xFFFFFF80  }
0xb5: {  	_ =	swait.ge [sflag:s29], $0x80  }
0xb6: {  	[sflag:s29] =	ssyncset.done $0x0  }
0xb7: {  	[sflag:s29] =	ssyncadd.s32 $0xFFFFFF80  }
0xb8: {  	[bflag:$0x0] =	sbarrier.arrive $0xFFFF  }
0xb9: {  	[tilespmem:s17], [sflag:$0x5] =	stream.linear.gather [spmem:s8], $0x280, $0x38;
	[tilespmem:$0xA00] =	vst v63  }
0xba: {  	_ =	swait.ge [sflag:s18], $0x280  }
0xbb: {  	[sflag:s18] =	ssyncset.done $0x0  }
0xbc: {  	s0 =	rddreg [dreg:$0x4];
	[sflag:s18] =	ssyncadd.s32 $0xFFFFFD80  }
0xbd: {  	[hbm4b:s0+s24] =	stream.strided.scatter [tilespmem:s17], [sflag:$0x5], $0x280, s30, s24, $0x38;
	[tilespmem:$0xA00] =	vst v63  }
0xbe: {  	_ =	swait.ge [sflag:s18], $0x280  }
0xbf: {  	[sflag:s18] =	ssyncset.done $0x0  }
0xc0: {  	[sflag:s18] =	ssyncadd.s32 $0xFFFFFD80  }
0xc1: {  	[tilespmem:s17], [sflag:$0x5] =	stream.linear.gather [spmem:s9], $0x280, $0x38;
	[tilespmem:$0xA00] =	vst v63  }
0xc2: {  	s31 =	sadd.s32 $0x1, s31;
	_ =	swait.ge [sflag:s18], $0x280  }
0xc3: {  	p0 =	sne.s32 s31, s12;
	[sflag:s18] =	ssyncset.done $0x0  }
.Ltmp1:
0xc4: {  	s11 =	rddreg [dreg:$0x5];
	[sflag:s18] =	ssyncadd.s32 $0xFFFFFD80;
	(pc) =	sbr.rel @p0 .LBB2_1-.Ltmp1, $4  }
0xc5: {  	[hbm4b:s11+s24] =	stream.strided.scatter [tilespmem:s17], [sflag:$0x5], $0x280, s30, s24, $0x38;
	[tilespmem:$0xA00] =	vst v63  }
0xc6: {  	_ =	swait.ge [sflag:s18], $0x280  }
0xc7: {  	[sflag:s18] =	ssyncset.done $0x0  }
0xc8: {  	[sflag:s18] =	ssyncadd.s32 $0xFFFFFD80  }
0xc9: {  	_ =	sfence.sel $0x180000  }
0xca: {  	[bflag:$0x0] =	sbarrier.arrive $0xFFFF  }
0xcb: {  	_ =	strace $0x90000047  }
0xcc: {  	s0 =	stileid.u32;
	[bflag:$0x2] =	sbarrier.arrive $0xFFFF  }
0xcd: {  	p0 =	sne.s32 s0, $0x0;
	s0 =	rddreg [dreg:$0x3]  }
0xce: {  	s0 =	sadd.s32 @!p0 $0x100000, s0  }
0xcf: {  	[sflag:s0] =	ssyncadd.tile.s32 @!p0 $0x1;
	_ =	shalt  }
.Lfunc_end2:
_tile_overlayer_lowered:
.L_overlay_start_2:
0xd0: {  	(tag) =	ssettag $0x2  }
0xd1: {  	s0 =	rddreg [dreg:$0x0];
	s2 =	stileid.u32  }
0xd2: {  	s1 =	rddreg [dreg:$0x1];
	p0 =	sne.s32 s2, $0x0  }
0xd3: {  	s3 =	rddreg [dreg:$0x2];
	[bflag:$0x3] =	sbarrier.arrive $0xFFFF;
	s2 =	simm.s32 @!p0 $0x1C05  }
0xd4: {  	[timem:s3], [sflag:s2] =	dma.local @!p0 [hbm:s0], s1  }
0xd5: {  	s0 =	simm.s32 @!p0 $0x5  }
0xd6: {  	_ =	swait.ge @!p0 [sflag:s0], s1  }
0xd7: {  	s1 =	ssub.s32 @!p0 $0x0, s1;
	[sflag:s0] =	ssyncset.done @!p0 $0x0  }
0xd8: {  	[sflag:s0] =	ssyncadd.s32 @!p0 s1  }
0xd9: {  	[bflag:$0x3] =	sbarrier.arrive $0xFFFF  }
0xda: {  	_ =	shalt  }

</sc_bundles>
